<compile_context>
chip_gen: v7x
topology: tpu7x:2x2x1
jax: 0.10.2.dev20260603
libtpu: 0.0.44.dev20260713+nightly
codegen_flags: <defaults>
</compile_context>

<pallas_src>
import functools

import jax
import jax.numpy as jnp
from jax import lax
from jax.experimental import pallas as pl
from jax.experimental.pallas import tpu as pltpu
from jax.experimental.pallas import tpu_sc as plsc

N = 10000
E = 320000
H = 128
C = 64

NC = 2
NS = 16
NW = NC * NS

K = 128
J = 78
NTAIL = 4
NP_ = 10240
ROWS_PER_TILE = NP_ // NS
ZCHUNK = 128

_mesh = plsc.VectorSubcoreMesh(
    core_axis_name="c", subcore_axis_name="s", num_cores=NC, num_subcores=NS)


def _zero_rows(rows_ref, nrows, width):
    zf = jnp.zeros((16,), jnp.float32)

    def body(i, _):
        for j in range(width // 16):
            rows_ref[i, pl.ds(j * 16, 16)] = zf
        return 0

    lax.fori_loop(0, nrows, body, 0)


@functools.partial(
    pl.kernel,
    out_type=jax.ShapeDtypeStruct((NC, NP_, H), jnp.float32),
    mesh=_mesh,
    scratch_types=[
        pltpu.VMEM_SHARED((NP_, H), jnp.float32),
        pltpu.VMEM((1, K), jnp.int32),
        pltpu.VMEM((K, H), jnp.float32),
    ],
)
def _sc_degree(ei4_hbm, tail_hbm, out_hbm, acc_sh, didx, ones_v):
    cid = lax.axis_index("c")
    sid = lax.axis_index("s")
    wid = sid * NC + cid

    _zero_rows(ones_v, K, H)
    base_rows = sid * ROWS_PER_TILE
    for t in range(ROWS_PER_TILE // ZCHUNK):
        pltpu.sync_copy(ones_v.at[pl.ds(0, ZCHUNK)],
                        acc_sh.at[pl.ds(base_rows + t * ZCHUNK, ZCHUNK)])
    of = jnp.ones((16,), jnp.float32)

    def fill(i, _):
        for j in range(H // 16):
            ones_v[i, pl.ds(j * 16, 16)] = of
        return 0

    lax.fori_loop(0, K, fill, 0)
    plsc.subcore_barrier()

    def chunk(j, _):
        pltpu.sync_copy(ei4_hbm.at[wid, j, 1], didx.at[0])
        pltpu.sync_copy(ones_v, acc_sh.at[didx.at[0]], add=True)
        return 0

    lax.fori_loop(0, J, chunk, 0)

    @pl.when(wid < NTAIL)
    def _():
        pltpu.sync_copy(tail_hbm.at[wid, 1], didx.at[0])
        pltpu.sync_copy(ones_v, acc_sh.at[didx.at[0]], add=True)

    plsc.subcore_barrier()
    pltpu.sync_copy(acc_sh.at[pl.ds(base_rows, ROWS_PER_TILE)],
                    out_hbm.at[cid, pl.ds(base_rows, ROWS_PER_TILE)])


@functools.partial(
    pl.kernel,
    out_type=jax.ShapeDtypeStruct((NC, NP_, H), jnp.float32),
    mesh=_mesh,
    scratch_types=[
        pltpu.VMEM_SHARED((NP_, H), jnp.float32),
        pltpu.VMEM((K,), jnp.int32),
        pltpu.VMEM((1, K), jnp.int32),
        pltpu.VMEM((K, H), jnp.float32),
        pltpu.SemaphoreType.DMA,
    ],
)
def _sc_aggregate(ei4_hbm, tail_hbm, g_hbm, out_hbm, acc_sh, sidx, didx,
                  rows0, gsem0):
    cid = lax.axis_index("c")
    sid = lax.axis_index("s")
    wid = sid * NC + cid

    _zero_rows(rows0, ZCHUNK, H)
    base_rows = sid * ROWS_PER_TILE
    for t in range(ROWS_PER_TILE // ZCHUNK):
        pltpu.sync_copy(rows0.at[pl.ds(0, ZCHUNK)],
                        acc_sh.at[pl.ds(base_rows + t * ZCHUNK, ZCHUNK)])
    plsc.subcore_barrier()

    def chunk(j, _):
        pltpu.sync_copy(ei4_hbm.at[wid, j, 0], sidx)
        pltpu.sync_copy(ei4_hbm.at[wid, j, 1], didx.at[0])
        pltpu.async_copy(g_hbm.at[sidx], rows0, gsem0).wait()
        pltpu.sync_copy(rows0, acc_sh.at[didx.at[0]], add=True)
        return 0

    lax.fori_loop(0, J, chunk, 0)

    @pl.when(wid < NTAIL)
    def _():
        pltpu.sync_copy(tail_hbm.at[wid, 0], sidx)
        pltpu.sync_copy(tail_hbm.at[wid, 1], didx.at[0])
        pltpu.async_copy(g_hbm.at[sidx], rows0, gsem0).wait()
        pltpu.sync_copy(rows0, acc_sh.at[didx.at[0]], add=True)

    plsc.subcore_barrier()
    pltpu.sync_copy(acc_sh.at[pl.ds(base_rows, ROWS_PER_TILE)],
                    out_hbm.at[cid, pl.ds(base_rows, ROWS_PER_TILE)])


R = 1000


def _dinv_block(deg_ref):
    deg = deg_ref[0, :, 0:1] + deg_ref[1, :, 0:1] + 1.0
    return lax.rsqrt(deg)


def _tc_first_body(deg_ref, emb_ref, w_ref, o_ref):
    dinv = _dinv_block(deg_ref)
    h = jnp.dot(emb_ref[...], w_ref[...], preferred_element_type=jnp.float32)
    o_ref[...] = h * dinv


def _tc_mid_body(deg_ref, s_ref, g_ref, b_ref, w_ref, o_ref):
    dinv = _dinv_block(deg_ref)
    s = s_ref[0] + s_ref[1] + g_ref[...]
    h = jnp.maximum(s * dinv + b_ref[...], 0.0)
    o_ref[...] = jnp.dot(h, w_ref[...], preferred_element_type=jnp.float32) * dinv


def _tc_last_body(deg_ref, s_ref, g_ref, b_ref, w_ref, bo_ref, o_ref):
    dinv = _dinv_block(deg_ref)
    s = s_ref[0] + s_ref[1] + g_ref[...]
    h = jnp.maximum(s * dinv + b_ref[...], 0.0)
    o_ref[...] = (jnp.dot(h, w_ref[...], preferred_element_type=jnp.float32)
                  + bo_ref[...])


def _deg_spec():
    return pl.BlockSpec((NC, R, H), lambda i: (0, i, 0))


def _row_spec(width):
    return pl.BlockSpec((R, width), lambda i: (i, 0))


def _part_spec():
    return pl.BlockSpec((NC, R, H), lambda i: (0, i, 0))


def _full_spec(shape):
    return pl.BlockSpec(shape, lambda i: tuple(0 for _ in shape))


def _tc_first(degp, emb, W1):
    return pl.pallas_call(
        _tc_first_body,
        grid=(N // R,),
        in_specs=[_deg_spec(), _row_spec(H), _full_spec((H, H))],
        out_specs=_row_spec(H),
        out_shape=jax.ShapeDtypeStruct((N, H), jnp.float32),
    )(degp, emb, W1)


def _tc_mid(degp, S, g, b, W):
    return pl.pallas_call(
        _tc_mid_body,
        grid=(N // R,),
        in_specs=[_deg_spec(), _part_spec(), _row_spec(H),
                  _full_spec((1, H)), _full_spec((H, H))],
        out_specs=_row_spec(H),
        out_shape=jax.ShapeDtypeStruct((N, H), jnp.float32),
    )(degp, S, g, b, W)


def _tc_last(degp, S, g, b, Wout, bout):
    return pl.pallas_call(
        _tc_last_body,
        grid=(N // R,),
        in_specs=[_deg_spec(), _part_spec(), _row_spec(H),
                  _full_spec((1, H)), _full_spec((H, C)), _full_spec((1, C))],
        out_specs=_row_spec(C),
        out_shape=jax.ShapeDtypeStruct((N, C), jnp.float32),
    )(degp, S, g, b, Wout, bout)


@jax.jit
def kernel(x, edge_index, emb, W1, b1, W2, b2, Wout, bout):
    del x
    ne = NW * J * K
    ei4 = edge_index[:, :ne].reshape(2, NW, J, K).transpose(1, 2, 0, 3)
    tail = edge_index[:, ne:].reshape(2, NTAIL, K).transpose(1, 0, 2)
    degp = _sc_degree(ei4, tail)
    g1 = _tc_first(degp, emb, W1)
    S1 = _sc_aggregate(ei4, tail, g1)
    g2 = _tc_mid(degp, S1, g1, b1.reshape(1, H), W2)
    S2 = _sc_aggregate(ei4, tail, g2)
    return _tc_last(degp, S2, g2, b2.reshape(1, H), Wout, bout.reshape(1, C))

# --- scband reference (transcript-rebuilt; emitter-appended) ---
"""Pipeline reference for scband-embedding-graph-27951647163111 (READ-ONLY COPY).

The authoritative reference and input builder live on the scoring server;
editing this copy changes nothing except your own understanding.
"""

import jax, jax.numpy as jnp
import numpy as np

N = 10000
E = 320000
H = 128
C = 64


def setup_inputs(seed: int = 0) -> dict:
    key = jax.random.key(seed)
    ks = jax.random.split(key, 10)
    x = jax.random.normal(ks[0], (N, H), dtype=jnp.float32)
    edge_index = jax.random.randint(ks[1], (2, E), 0, N, dtype=jnp.int32)
    emb = jax.random.normal(ks[2], (N, H), dtype=jnp.float32)
    W1 = jax.random.normal(ks[3], (H, H), dtype=jnp.float32) * (1.0 / np.sqrt(H))
    b1 = jnp.zeros((H,), dtype=jnp.float32)
    W2 = jax.random.normal(ks[4], (H, H), dtype=jnp.float32) * (1.0 / np.sqrt(H))
    b2 = jnp.zeros((H,), dtype=jnp.float32)
    Wout = jax.random.normal(ks[5], (H, C), dtype=jnp.float32) * (1.0 / np.sqrt(H))
    bout = jnp.zeros((C,), dtype=jnp.float32)
    return {"x": x, "edge_index": edge_index, "emb": emb, "W1": W1, "b1": b1, "W2": W2, "b2": b2, "Wout": Wout, "bout": bout}


def _gcn_conv(h, src, dst, W, b):
    # PyG GCNConv: linear transform, symmetric-normalized aggregation, bias
    h = h @ W
    deg = jax.ops.segment_sum(jnp.ones_like(src, dtype=h.dtype), dst, num_segments=N)
    dinv = jnp.where(deg > 0, deg ** -0.5, 0.0)
    norm = dinv[src] * dinv[dst]
    msg = h[src] * norm[:, None]
    out = jax.ops.segment_sum(msg, dst, num_segments=N)
    return out + b


def reference(x, edge_index, emb, W1, b1, W2, b2, Wout, bout):
    # forward ignores x; uses learned embedding table as node features
    loop = jnp.arange(N, dtype=edge_index.dtype)
    src = jnp.concatenate([edge_index[0], loop])
    dst = jnp.concatenate([edge_index[1], loop])
    h = emb
    h = jax.nn.relu(_gcn_conv(h, src, dst, W1, b1))
    h = jax.nn.relu(_gcn_conv(h, src, dst, W2, b2))
    out = h @ Wout + bout
    return out

if __name__ == "__main__":
    import jax
    _d = setup_inputs()
    print(jax.jit(kernel)(*tuple(_d.values())))

</pallas_src>

<mosaic_0001>
#map = affine_map<(d0, d1) -> (0, 0, 0, 0)>
#map1 = affine_map<(d0, d1) -> (0, 0, 0)>
module attributes {stable_mosaic.version = 14 : i64} {
  func.func @_sc_degree(%arg0: i32, %arg1: i32, %arg2: memref<32x78x2x128xi32, #tpu.memory_space<hbm>>, %arg3: memref<4x2x128xi32, #tpu.memory_space<hbm>>, %arg4: memref<2x10240x128xf32, #tpu.memory_space<hbm>>, %arg5: memref<10240x128xf32, #tpu.memory_space<vmem_shared>>, %arg6: memref<1x128xi32, #tpu.memory_space<vmem>>, %arg7: memref<128x128xf32, #tpu.memory_space<vmem>>) attributes {dimension_semantics = [#tpu.dimension_semantics<core_parallel>, #tpu.dimension_semantics<subcore_parallel>], iteration_bounds = array<i64: 2, 16>, scalar_prefetch = 0 : i64, scratch_operands = 3 : i64, tpu.core_type = #tpu.core_type<sc_vector_subcore>, window_params = [{transform_indices = #map}, {transform_indices = #map1}, {transform_indices = #map1}]} {
    %mul3A = arith.constant 2 : i32
    %mul3A_0 = arith.muli %arg1, %mul3A : i32
    %add3A = arith.addi %mul3A_0, %arg0 : i32
    %broadcast_in_dim3A = arith.constant 0.000000e+00 : f32
    %broadcast_in_dim3A_1 = vector.broadcast %broadcast_in_dim3A : f32 to vector<16xf32>
    %scan3A = arith.constant 0 : i32
    %scan3A_2 = arith.constant 0 : i32
    %scan3A_3 = arith.constant 128 : i32
    %scan3A_4 = arith.addi %scan3A_2, %scan3A_3 : i32
    %scan3A_5 = arith.constant 1 : i32
    %scan3A_6 = scf.for %scan3A_39 = %scan3A_2 to %scan3A_4 step %scan3A_5 iter_args(%scan3A_40 = %scan3A) -> (i32)  : i32 {
      %swap3A = arith.index_cast %scan3A_39 : i32 to index
      %swap3A_41 = arith.constant 0 : index
      %swap3A_42 = tpu.vector_load %arg7[%swap3A, %swap3A_41] {strides = array<i32>} : memref<128x128xf32, #tpu.memory_space<vmem>>, vector<1x16xf32>,
      %swap3A_43 = vector.shape_cast %swap3A_42 : vector<1x16xf32> to vector<16xf32>
      %swap3A_44 = vector.shape_cast %broadcast_in_dim3A_1 : vector<16xf32> to vector<1x16xf32>
      tpu.vector_store %arg7[%swap3A, %swap3A_41], %swap3A_44 {strides = array<i32>} : memref<128x128xf32, #tpu.memory_space<vmem>>, vector<1x16xf32>,
      %swap3A_45 = arith.index_cast %scan3A_39 : i32 to index
      %swap3A_46 = arith.constant 16 : index
      %swap3A_47 = tpu.vector_load %arg7[%swap3A_45, %swap3A_46] {strides = array<i32>} : memref<128x128xf32, #tpu.memory_space<vmem>>, vector<1x16xf32>,
      %swap3A_48 = vector.shape_cast %swap3A_47 : vector<1x16xf32> to vector<16xf32>
      %swap3A_49 = vector.shape_cast %broadcast_in_dim3A_1 : vector<16xf32> to vector<1x16xf32>
      tpu.vector_store %arg7[%swap3A_45, %swap3A_46], %swap3A_49 {strides = array<i32>} : memref<128x128xf32, #tpu.memory_space<vmem>>, vector<1x16xf32>,
      %swap3A_50 = arith.index_cast %scan3A_39 : i32 to index
      %swap3A_51 = arith.constant 32 : index
      %swap3A_52 = tpu.vector_load %arg7[%swap3A_50, %swap3A_51] {strides = array<i32>} : memref<128x128xf32, #tpu.memory_space<vmem>>, vector<1x16xf32>,
      %swap3A_53 = vector.shape_cast %swap3A_52 : vector<1x16xf32> to vector<16xf32>
      %swap3A_54 = vector.shape_cast %broadcast_in_dim3A_1 : vector<16xf32> to vector<1x16xf32>
      tpu.vector_store %arg7[%swap3A_50, %swap3A_51], %swap3A_54 {strides = array<i32>} : memref<128x128xf32, #tpu.memory_space<vmem>>, vector<1x16xf32>,
      %swap3A_55 = arith.index_cast %scan3A_39 : i32 to index
      %swap3A_56 = arith.constant 48 : index
      %swap3A_57 = tpu.vector_load %arg7[%swap3A_55, %swap3A_56] {strides = array<i32>} : memref<128x128xf32, #tpu.memory_space<vmem>>, vector<1x16xf32>,
      %swap3A_58 = vector.shape_cast %swap3A_57 : vector<1x16xf32> to vector<16xf32>
      %swap3A_59 = vector.shape_cast %broadcast_in_dim3A_1 : vector<16xf32> to vector<1x16xf32>
      tpu.vector_store %arg7[%swap3A_55, %swap3A_56], %swap3A_59 {strides = array<i32>} : memref<128x128xf32, #tpu.memory_space<vmem>>, vector<1x16xf32>,
      %swap3A_60 = arith.index_cast %scan3A_39 : i32 to index
      %swap3A_61 = arith.constant 64 : index
      %swap3A_62 = tpu.vector_load %arg7[%swap3A_60, %swap3A_61] {strides = array<i32>} : memref<128x128xf32, #tpu.memory_space<vmem>>, vector<1x16xf32>,
      %swap3A_63 = vector.shape_cast %swap3A_62 : vector<1x16xf32> to vector<16xf32>
      %swap3A_64 = vector.shape_cast %broadcast_in_dim3A_1 : vector<16xf32> to vector<1x16xf32>
      tpu.vector_store %arg7[%swap3A_60, %swap3A_61], %swap3A_64 {strides = array<i32>} : memref<128x128xf32, #tpu.memory_space<vmem>>, vector<1x16xf32>,
      %swap3A_65 = arith.index_cast %scan3A_39 : i32 to index
      %swap3A_66 = arith.constant 80 : index
      %swap3A_67 = tpu.vector_load %arg7[%swap3A_65, %swap3A_66] {strides = array<i32>} : memref<128x128xf32, #tpu.memory_space<vmem>>, vector<1x16xf32>,
      %swap3A_68 = vector.shape_cast %swap3A_67 : vector<1x16xf32> to vector<16xf32>
      %swap3A_69 = vector.shape_cast %broadcast_in_dim3A_1 : vector<16xf32> to vector<1x16xf32>
      tpu.vector_store %arg7[%swap3A_65, %swap3A_66], %swap3A_69 {strides = array<i32>} : memref<128x128xf32, #tpu.memory_space<vmem>>, vector<1x16xf32>,
      %swap3A_70 = arith.index_cast %scan3A_39 : i32 to index
      %swap3A_71 = arith.constant 96 : index
      %swap3A_72 = tpu.vector_load %arg7[%swap3A_70, %swap3A_71] {strides = array<i32>} : memref<128x128xf32, #tpu.memory_space<vmem>>, vector<1x16xf32>,
      %swap3A_73 = vector.shape_cast %swap3A_72 : vector<1x16xf32> to vector<16xf32>
      %swap3A_74 = vector.shape_cast %broadcast_in_dim3A_1 : vector<16xf32> to vector<1x16xf32>
      tpu.vector_store %arg7[%swap3A_70, %swap3A_71], %swap3A_74 {strides = array<i32>} : memref<128x128xf32, #tpu.memory_space<vmem>>, vector<1x16xf32>,
      %swap3A_75 = arith.index_cast %scan3A_39 : i32 to index
      %swap3A_76 = arith.constant 112 : index
      %swap3A_77 = tpu.vector_load %arg7[%swap3A_75, %swap3A_76] {strides = array<i32>} : memref<128x128xf32, #tpu.memory_space<vmem>>, vector<1x16xf32>,
      %swap3A_78 = vector.shape_cast %swap3A_77 : vector<1x16xf32> to vector<16xf32>
      %swap3A_79 = vector.shape_cast %broadcast_in_dim3A_1 : vector<16xf32> to vector<1x16xf32>
      tpu.vector_store %arg7[%swap3A_75, %swap3A_76], %swap3A_79 {strides = array<i32>} : memref<128x128xf32, #tpu.memory_space<vmem>>, vector<1x16xf32>,
      %scan3A_80 = arith.constant 0 : i32
      scf.yield %scan3A_80 : i32
    }
    %scan3A_7 = arith.constant 128 : i32
    %mul3A_8 = arith.constant 640 : i32
    %mul3A_9 = arith.muli %arg1, %mul3A_8 : i32
    %add3A_10 = arith.constant 0 : i32
    %add3A_11 = arith.addi %mul3A_9, %add3A_10 : i32
    "tpu.region"() ({
      %run_scoped3A = tpu.sem_alloc : memref<!tpu.dma_semaphore, #tpu.memory_space<semaphore_mem>>
      %dma_start3A = arith.constant 0 : i32
      %dma_start3A_39 = arith.constant 0 : i32
      %dma_start3A_40 = tpu.memref_slice %arg7[%dma_start3A, %dma_start3A_39] : memref<128x128xf32, #tpu.memory_space<vmem>> -> memref<128x128xf32, #tpu.memory_space<vmem>>
      %dma_start3A_41 = arith.constant 0 : i32
      %dma_start3A_42 = tpu.memref_slice %arg5[%add3A_11, %dma_start3A_41] : memref<10240x128xf32, #tpu.memory_space<vmem_shared>> -> memref<128x128xf32, #tpu.memory_space<vmem_shared>>
      %dma_start3A_43 = arith.constant 0 : i32
      %dma_start3A_44 = tpu.memref_slice %arg5[%add3A_11, %dma_start3A_43] : memref<10240x128xf32, #tpu.memory_space<vmem_shared>> -> memref<128x128xf32, #tpu.memory_space<vmem_shared>>
      %dma_start3A_45 = arith.constant 0 : i32
      %dma_start3A_46 = arith.constant 0 : i32
      %dma_start3A_47 = tpu.memref_slice %arg7[%dma_start3A_45, %dma_start3A_46] : memref<128x128xf32, #tpu.memory_space<vmem>> -> memref<128x128xf32, #tpu.memory_space<vmem>>
      tpu.enqueue_dma source(%dma_start3A_47 : memref<128x128xf32, #tpu.memory_space<vmem>>) target(%dma_start3A_44 : memref<128x128xf32, #tpu.memory_space<vmem_shared>>) target_semaphore(%run_scoped3A : memref<!tpu.dma_semaphore, #tpu.memory_space<semaphore_mem>>)
      %dma_wait3A = arith.constant 0 : i32
      %dma_wait3A_48 = arith.constant 0 : i32
      %dma_wait3A_49 = tpu.memref_slice %arg7[%dma_wait3A, %dma_wait3A_48] : memref<128x128xf32, #tpu.memory_space<vmem>> -> memref<128x128xf32, #tpu.memory_space<vmem>>
      %dma_wait3A_50 = arith.constant 0 : i32
      %dma_wait3A_51 = tpu.memref_slice %arg5[%add3A_11, %dma_wait3A_50] : memref<10240x128xf32, #tpu.memory_space<vmem_shared>> -> memref<128x128xf32, #tpu.memory_space<vmem_shared>>
      %dma_wait3A_52 = arith.constant 0 : i32
      %dma_wait3A_53 = tpu.memref_slice %arg5[%add3A_11, %dma_wait3A_52] : memref<10240x128xf32, #tpu.memory_space<vmem_shared>> -> memref<128x128xf32, #tpu.memory_space<vmem_shared>>
      %dma_wait3A_54 = arith.constant 0 : i32
      %dma_wait3A_55 = arith.constant 0 : i32
      %dma_wait3A_56 = tpu.memref_slice %arg7[%dma_wait3A_54, %dma_wait3A_55] : memref<128x128xf32, #tpu.memory_space<vmem>> -> memref<128x128xf32, #tpu.memory_space<vmem>>
      tpu.wait_dma2 semaphore(%run_scoped3A : memref<!tpu.dma_semaphore, #tpu.memory_space<semaphore_mem>>) src(%dma_wait3A_56 : memref<128x128xf32, #tpu.memory_space<vmem>>) dst(%dma_wait3A_53 : memref<128x128xf32, #tpu.memory_space<vmem_shared>>)
      tpu.yield
    }) : () -> ()
    %add3A_12 = arith.constant 128 : i32
    %add3A_13 = arith.addi %mul3A_9, %add3A_12 : i32
    "tpu.region"() ({
      %run_scoped3A = tpu.sem_alloc : memref<!tpu.dma_semaphore, #tpu.memory_space<semaphore_mem>>
      %dma_start3A = arith.constant 0 : i32
      %dma_start3A_39 = arith.constant 0 : i32
      %dma_start3A_40 = tpu.memref_slice %arg7[%dma_start3A, %dma_start3A_39] : memref<128x128xf32, #tpu.memory_space<vmem>> -> memref<128x128xf32, #tpu.memory_space<vmem>>
      %dma_start3A_41 = arith.constant 0 : i32
      %dma_start3A_42 = tpu.memref_slice %arg5[%add3A_13, %dma_start3A_41] : memref<10240x128xf32, #tpu.memory_space<vmem_shared>> -> memref<128x128xf32, #tpu.memory_space<vmem_shared>>
      %dma_start3A_43 = arith.constant 0 : i32
      %dma_start3A_44 = tpu.memref_slice %arg5[%add3A_13, %dma_start3A_43] : memref<10240x128xf32, #tpu.memory_space<vmem_shared>> -> memref<128x128xf32, #tpu.memory_space<vmem_shared>>
      %dma_start3A_45 = arith.constant 0 : i32
      %dma_start3A_46 = arith.constant 0 : i32
      %dma_start3A_47 = tpu.memref_slice %arg7[%dma_start3A_45, %dma_start3A_46] : memref<128x128xf32, #tpu.memory_space<vmem>> -> memref<128x128xf32, #tpu.memory_space<vmem>>
      tpu.enqueue_dma source(%dma_start3A_47 : memref<128x128xf32, #tpu.memory_space<vmem>>) target(%dma_start3A_44 : memref<128x128xf32, #tpu.memory_space<vmem_shared>>) target_semaphore(%run_scoped3A : memref<!tpu.dma_semaphore, #tpu.memory_space<semaphore_mem>>)
      %dma_wait3A = arith.constant 0 : i32
      %dma_wait3A_48 = arith.constant 0 : i32
      %dma_wait3A_49 = tpu.memref_slice %arg7[%dma_wait3A, %dma_wait3A_48] : memref<128x128xf32, #tpu.memory_space<vmem>> -> memref<128x128xf32, #tpu.memory_space<vmem>>
      %dma_wait3A_50 = arith.constant 0 : i32
      %dma_wait3A_51 = tpu.memref_slice %arg5[%add3A_13, %dma_wait3A_50] : memref<10240x128xf32, #tpu.memory_space<vmem_shared>> -> memref<128x128xf32, #tpu.memory_space<vmem_shared>>
      %dma_wait3A_52 = arith.constant 0 : i32
      %dma_wait3A_53 = tpu.memref_slice %arg5[%add3A_13, %dma_wait3A_52] : memref<10240x128xf32, #tpu.memory_space<vmem_shared>> -> memref<128x128xf32, #tpu.memory_space<vmem_shared>>
      %dma_wait3A_54 = arith.constant 0 : i32
      %dma_wait3A_55 = arith.constant 0 : i32
      %dma_wait3A_56 = tpu.memref_slice %arg7[%dma_wait3A_54, %dma_wait3A_55] : memref<128x128xf32, #tpu.memory_space<vmem>> -> memref<128x128xf32, #tpu.memory_space<vmem>>
      tpu.wait_dma2 semaphore(%run_scoped3A : memref<!tpu.dma_semaphore, #tpu.memory_space<semaphore_mem>>) src(%dma_wait3A_56 : memref<128x128xf32, #tpu.memory_space<vmem>>) dst(%dma_wait3A_53 : memref<128x128xf32, #tpu.memory_space<vmem_shared>>)
      tpu.yield
    }) : () -> ()
    %add3A_14 = arith.constant 256 : i32
    %add3A_15 = arith.addi %mul3A_9, %add3A_14 : i32
    "tpu.region"() ({
      %run_scoped3A = tpu.sem_alloc : memref<!tpu.dma_semaphore, #tpu.memory_space<semaphore_mem>>
      %dma_start3A = arith.constant 0 : i32
      %dma_start3A_39 = arith.constant 0 : i32
      %dma_start3A_40 = tpu.memref_slice %arg7[%dma_start3A, %dma_start3A_39] : memref<128x128xf32, #tpu.memory_space<vmem>> -> memref<128x128xf32, #tpu.memory_space<vmem>>
      %dma_start3A_41 = arith.constant 0 : i32
      %dma_start3A_42 = tpu.memref_slice %arg5[%add3A_15, %dma_start3A_41] : memref<10240x128xf32, #tpu.memory_space<vmem_shared>> -> memref<128x128xf32, #tpu.memory_space<vmem_shared>>
      %dma_start3A_43 = arith.constant 0 : i32
      %dma_start3A_44 = tpu.memref_slice %arg5[%add3A_15, %dma_start3A_43] : memref<10240x128xf32, #tpu.memory_space<vmem_shared>> -> memref<128x128xf32, #tpu.memory_space<vmem_shared>>
      %dma_start3A_45 = arith.constant 0 : i32
      %dma_start3A_46 = arith.constant 0 : i32
      %dma_start3A_47 = tpu.memref_slice %arg7[%dma_start3A_45, %dma_start3A_46] : memref<128x128xf32, #tpu.memory_space<vmem>> -> memref<128x128xf32, #tpu.memory_space<vmem>>
      tpu.enqueue_dma source(%dma_start3A_47 : memref<128x128xf32, #tpu.memory_space<vmem>>) target(%dma_start3A_44 : memref<128x128xf32, #tpu.memory_space<vmem_shared>>) target_semaphore(%run_scoped3A : memref<!tpu.dma_semaphore, #tpu.memory_space<semaphore_mem>>)
      %dma_wait3A = arith.constant 0 : i32
      %dma_wait3A_48 = arith.constant 0 : i32
      %dma_wait3A_49 = tpu.memref_slice %arg7[%dma_wait3A, %dma_wait3A_48] : memref<128x128xf32, #tpu.memory_space<vmem>> -> memref<128x128xf32, #tpu.memory_space<vmem>>
      %dma_wait3A_50 = arith.constant 0 : i32
      %dma_wait3A_51 = tpu.memref_slice %arg5[%add3A_15, %dma_wait3A_50] : memref<10240x128xf32, #tpu.memory_space<vmem_shared>> -> memref<128x128xf32, #tpu.memory_space<vmem_shared>>
      %dma_wait3A_52 = arith.constant 0 : i32
      %dma_wait3A_53 = tpu.memref_slice %arg5[%add3A_15, %dma_wait3A_52] : memref<10240x128xf32, #tpu.memory_space<vmem_shared>> -> memref<128x128xf32, #tpu.memory_space<vmem_shared>>
      %dma_wait3A_54 = arith.constant 0 : i32
      %dma_wait3A_55 = arith.constant 0 : i32
      %dma_wait3A_56 = tpu.memref_slice %arg7[%dma_wait3A_54, %dma_wait3A_55] : memref<128x128xf32, #tpu.memory_space<vmem>> -> memref<128x128xf32, #tpu.memory_space<vmem>>
      tpu.wait_dma2 semaphore(%run_scoped3A : memref<!tpu.dma_semaphore, #tpu.memory_space<semaphore_mem>>) src(%dma_wait3A_56 : memref<128x128xf32, #tpu.memory_space<vmem>>) dst(%dma_wait3A_53 : memref<128x128xf32, #tpu.memory_space<vmem_shared>>)
      tpu.yield
    }) : () -> ()
    %add3A_16 = arith.constant 384 : i32
    %add3A_17 = arith.addi %mul3A_9, %add3A_16 : i32
    "tpu.region"() ({
      %run_scoped3A = tpu.sem_alloc : memref<!tpu.dma_semaphore, #tpu.memory_space<semaphore_mem>>
      %dma_start3A = arith.constant 0 : i32
      %dma_start3A_39 = arith.constant 0 : i32
      %dma_start3A_40 = tpu.memref_slice %arg7[%dma_start3A, %dma_start3A_39] : memref<128x128xf32, #tpu.memory_space<vmem>> -> memref<128x128xf32, #tpu.memory_space<vmem>>
      %dma_start3A_41 = arith.constant 0 : i32
      %dma_start3A_42 = tpu.memref_slice %arg5[%add3A_17, %dma_start3A_41] : memref<10240x128xf32, #tpu.memory_space<vmem_shared>> -> memref<128x128xf32, #tpu.memory_space<vmem_shared>>
      %dma_start3A_43 = arith.constant 0 : i32
      %dma_start3A_44 = tpu.memref_slice %arg5[%add3A_17, %dma_start3A_43] : memref<10240x128xf32, #tpu.memory_space<vmem_shared>> -> memref<128x128xf32, #tpu.memory_space<vmem_shared>>
      %dma_start3A_45 = arith.constant 0 : i32
      %dma_start3A_46 = arith.constant 0 : i32
      %dma_start3A_47 = tpu.memref_slice %arg7[%dma_start3A_45, %dma_start3A_46] : memref<128x128xf32, #tpu.memory_space<vmem>> -> memref<128x128xf32, #tpu.memory_space<vmem>>
      tpu.enqueue_dma source(%dma_start3A_47 : memref<128x128xf32, #tpu.memory_space<vmem>>) target(%dma_start3A_44 : memref<128x128xf32, #tpu.memory_space<vmem_shared>>) target_semaphore(%run_scoped3A : memref<!tpu.dma_semaphore, #tpu.memory_space<semaphore_mem>>)
      %dma_wait3A = arith.constant 0 : i32
      %dma_wait3A_48 = arith.constant 0 : i32
      %dma_wait3A_49 = tpu.memref_slice %arg7[%dma_wait3A, %dma_wait3A_48] : memref<128x128xf32, #tpu.memory_space<vmem>> -> memref<128x128xf32, #tpu.memory_space<vmem>>
      %dma_wait3A_50 = arith.constant 0 : i32
      %dma_wait3A_51 = tpu.memref_slice %arg5[%add3A_17, %dma_wait3A_50] : memref<10240x128xf32, #tpu.memory_space<vmem_shared>> -> memref<128x128xf32, #tpu.memory_space<vmem_shared>>
      %dma_wait3A_52 = arith.constant 0 : i32
      %dma_wait3A_53 = tpu.memref_slice %arg5[%add3A_17, %dma_wait3A_52] : memref<10240x128xf32, #tpu.memory_space<vmem_shared>> -> memref<128x128xf32, #tpu.memory_space<vmem_shared>>
      %dma_wait3A_54 = arith.constant 0 : i32
      %dma_wait3A_55 = arith.constant 0 : i32
      %dma_wait3A_56 = tpu.memref_slice %arg7[%dma_wait3A_54, %dma_wait3A_55] : memref<128x128xf32, #tpu.memory_space<vmem>> -> memref<128x128xf32, #tpu.memory_space<vmem>>
      tpu.wait_dma2 semaphore(%run_scoped3A : memref<!tpu.dma_semaphore, #tpu.memory_space<semaphore_mem>>) src(%dma_wait3A_56 : memref<128x128xf32, #tpu.memory_space<vmem>>) dst(%dma_wait3A_53 : memref<128x128xf32, #tpu.memory_space<vmem_shared>>)
      tpu.yield
    }) : () -> ()
    %add3A_18 = arith.constant 512 : i32
    %add3A_19 = arith.addi %mul3A_9, %add3A_18 : i32
    "tpu.region"() ({
      %run_scoped3A = tpu.sem_alloc : memref<!tpu.dma_semaphore, #tpu.memory_space<semaphore_mem>>
      %dma_start3A = arith.constant 0 : i32
      %dma_start3A_39 = arith.constant 0 : i32
      %dma_start3A_40 = tpu.memref_slice %arg7[%dma_start3A, %dma_start3A_39] : memref<128x128xf32, #tpu.memory_space<vmem>> -> memref<128x128xf32, #tpu.memory_space<vmem>>
      %dma_start3A_41 = arith.constant 0 : i32
      %dma_start3A_42 = tpu.memref_slice %arg5[%add3A_19, %dma_start3A_41] : memref<10240x128xf32, #tpu.memory_space<vmem_shared>> -> memref<128x128xf32, #tpu.memory_space<vmem_shared>>
      %dma_start3A_43 = arith.constant 0 : i32
      %dma_start3A_44 = tpu.memref_slice %arg5[%add3A_19, %dma_start3A_43] : memref<10240x128xf32, #tpu.memory_space<vmem_shared>> -> memref<128x128xf32, #tpu.memory_space<vmem_shared>>
      %dma_start3A_45 = arith.constant 0 : i32
      %dma_start3A_46 = arith.constant 0 : i32
      %dma_start3A_47 = tpu.memref_slice %arg7[%dma_start3A_45, %dma_start3A_46] : memref<128x128xf32, #tpu.memory_space<vmem>> -> memref<128x128xf32, #tpu.memory_space<vmem>>
      tpu.enqueue_dma source(%dma_start3A_47 : memref<128x128xf32, #tpu.memory_space<vmem>>) target(%dma_start3A_44 : memref<128x128xf32, #tpu.memory_space<vmem_shared>>) target_semaphore(%run_scoped3A : memref<!tpu.dma_semaphore, #tpu.memory_space<semaphore_mem>>)
      %dma_wait3A = arith.constant 0 : i32
      %dma_wait3A_48 = arith.constant 0 : i32
      %dma_wait3A_49 = tpu.memref_slice %arg7[%dma_wait3A, %dma_wait3A_48] : memref<128x128xf32, #tpu.memory_space<vmem>> -> memref<128x128xf32, #tpu.memory_space<vmem>>
      %dma_wait3A_50 = arith.constant 0 : i32
      %dma_wait3A_51 = tpu.memref_slice %arg5[%add3A_19, %dma_wait3A_50] : memref<10240x128xf32, #tpu.memory_space<vmem_shared>> -> memref<128x128xf32, #tpu.memory_space<vmem_shared>>
      %dma_wait3A_52 = arith.constant 0 : i32
      %dma_wait3A_53 = tpu.memref_slice %arg5[%add3A_19, %dma_wait3A_52] : memref<10240x128xf32, #tpu.memory_space<vmem_shared>> -> memref<128x128xf32, #tpu.memory_space<vmem_shared>>
      %dma_wait3A_54 = arith.constant 0 : i32
      %dma_wait3A_55 = arith.constant 0 : i32
      %dma_wait3A_56 = tpu.memref_slice %arg7[%dma_wait3A_54, %dma_wait3A_55] : memref<128x128xf32, #tpu.memory_space<vmem>> -> memref<128x128xf32, #tpu.memory_space<vmem>>
      tpu.wait_dma2 semaphore(%run_scoped3A : memref<!tpu.dma_semaphore, #tpu.memory_space<semaphore_mem>>) src(%dma_wait3A_56 : memref<128x128xf32, #tpu.memory_space<vmem>>) dst(%dma_wait3A_53 : memref<128x128xf32, #tpu.memory_space<vmem_shared>>)
      tpu.yield
    }) : () -> ()
    %broadcast_in_dim3A_20 = arith.constant 1.000000e+00 : f32
    %broadcast_in_dim3A_21 = vector.broadcast %broadcast_in_dim3A_20 : f32 to vector<16xf32>
    %scan3A_22 = arith.constant 0 : i32
    %scan3A_23 = arith.constant 0 : i32
    %scan3A_24 = arith.constant 128 : i32
    %scan3A_25 = arith.addi %scan3A_23, %scan3A_24 : i32
    %scan3A_26 = arith.constant 1 : i32
    %scan3A_27 = scf.for %scan3A_39 = %scan3A_23 to %scan3A_25 step %scan3A_26 iter_args(%scan3A_40 = %scan3A_22) -> (i32)  : i32 {
      %swap3A = arith.index_cast %scan3A_39 : i32 to index
      %swap3A_41 = arith.constant 0 : index
      %swap3A_42 = tpu.vector_load %arg7[%swap3A, %swap3A_41] {strides = array<i32>} : memref<128x128xf32, #tpu.memory_space<vmem>>, vector<1x16xf32>,
      %swap3A_43 = vector.shape_cast %swap3A_42 : vector<1x16xf32> to vector<16xf32>
      %swap3A_44 = vector.shape_cast %broadcast_in_dim3A_21 : vector<16xf32> to vector<1x16xf32>
      tpu.vector_store %arg7[%swap3A, %swap3A_41], %swap3A_44 {strides = array<i32>} : memref<128x128xf32, #tpu.memory_space<vmem>>, vector<1x16xf32>,
      %swap3A_45 = arith.index_cast %scan3A_39 : i32 to index
      %swap3A_46 = arith.constant 16 : index
      %swap3A_47 = tpu.vector_load %arg7[%swap3A_45, %swap3A_46] {strides = array<i32>} : memref<128x128xf32, #tpu.memory_space<vmem>>, vector<1x16xf32>,
      %swap3A_48 = vector.shape_cast %swap3A_47 : vector<1x16xf32> to vector<16xf32>
      %swap3A_49 = vector.shape_cast %broadcast_in_dim3A_21 : vector<16xf32> to vector<1x16xf32>
      tpu.vector_store %arg7[%swap3A_45, %swap3A_46], %swap3A_49 {strides = array<i32>} : memref<128x128xf32, #tpu.memory_space<vmem>>, vector<1x16xf32>,
      %swap3A_50 = arith.index_cast %scan3A_39 : i32 to index
      %swap3A_51 = arith.constant 32 : index
      %swap3A_52 = tpu.vector_load %arg7[%swap3A_50, %swap3A_51] {strides = array<i32>} : memref<128x128xf32, #tpu.memory_space<vmem>>, vector<1x16xf32>,
      %swap3A_53 = vector.shape_cast %swap3A_52 : vector<1x16xf32> to vector<16xf32>
      %swap3A_54 = vector.shape_cast %broadcast_in_dim3A_21 : vector<16xf32> to vector<1x16xf32>
      tpu.vector_store %arg7[%swap3A_50, %swap3A_51], %swap3A_54 {strides = array<i32>} : memref<128x128xf32, #tpu.memory_space<vmem>>, vector<1x16xf32>,
      %swap3A_55 = arith.index_cast %scan3A_39 : i32 to index
      %swap3A_56 = arith.constant 48 : index
      %swap3A_57 = tpu.vector_load %arg7[%swap3A_55, %swap3A_56] {strides = array<i32>} : memref<128x128xf32, #tpu.memory_space<vmem>>, vector<1x16xf32>,
      %swap3A_58 = vector.shape_cast %swap3A_57 : vector<1x16xf32> to vector<16xf32>
      %swap3A_59 = vector.shape_cast %broadcast_in_dim3A_21 : vector<16xf32> to vector<1x16xf32>
      tpu.vector_store %arg7[%swap3A_55, %swap3A_56], %swap3A_59 {strides = array<i32>} : memref<128x128xf32, #tpu.memory_space<vmem>>, vector<1x16xf32>,
      %swap3A_60 = arith.index_cast %scan3A_39 : i32 to index
      %swap3A_61 = arith.constant 64 : index
      %swap3A_62 = tpu.vector_load %arg7[%swap3A_60, %swap3A_61] {strides = array<i32>} : memref<128x128xf32, #tpu.memory_space<vmem>>, vector<1x16xf32>,
      %swap3A_63 = vector.shape_cast %swap3A_62 : vector<1x16xf32> to vector<16xf32>
      %swap3A_64 = vector.shape_cast %broadcast_in_dim3A_21 : vector<16xf32> to vector<1x16xf32>
      tpu.vector_store %arg7[%swap3A_60, %swap3A_61], %swap3A_64 {strides = array<i32>} : memref<128x128xf32, #tpu.memory_space<vmem>>, vector<1x16xf32>,
      %swap3A_65 = arith.index_cast %scan3A_39 : i32 to index
      %swap3A_66 = arith.constant 80 : index
      %swap3A_67 = tpu.vector_load %arg7[%swap3A_65, %swap3A_66] {strides = array<i32>} : memref<128x128xf32, #tpu.memory_space<vmem>>, vector<1x16xf32>,
      %swap3A_68 = vector.shape_cast %swap3A_67 : vector<1x16xf32> to vector<16xf32>
      %swap3A_69 = vector.shape_cast %broadcast_in_dim3A_21 : vector<16xf32> to vector<1x16xf32>
      tpu.vector_store %arg7[%swap3A_65, %swap3A_66], %swap3A_69 {strides = array<i32>} : memref<128x128xf32, #tpu.memory_space<vmem>>, vector<1x16xf32>,
      %swap3A_70 = arith.index_cast %scan3A_39 : i32 to index
      %swap3A_71 = arith.constant 96 : index
      %swap3A_72 = tpu.vector_load %arg7[%swap3A_70, %swap3A_71] {strides = array<i32>} : memref<128x128xf32, #tpu.memory_space<vmem>>, vector<1x16xf32>,
      %swap3A_73 = vector.shape_cast %swap3A_72 : vector<1x16xf32> to vector<16xf32>
      %swap3A_74 = vector.shape_cast %broadcast_in_dim3A_21 : vector<16xf32> to vector<1x16xf32>
      tpu.vector_store %arg7[%swap3A_70, %swap3A_71], %swap3A_74 {strides = array<i32>} : memref<128x128xf32, #tpu.memory_space<vmem>>, vector<1x16xf32>,
      %swap3A_75 = arith.index_cast %scan3A_39 : i32 to index
      %swap3A_76 = arith.constant 112 : index
      %swap3A_77 = tpu.vector_load %arg7[%swap3A_75, %swap3A_76] {strides = array<i32>} : memref<128x128xf32, #tpu.memory_space<vmem>>, vector<1x16xf32>,
      %swap3A_78 = vector.shape_cast %swap3A_77 : vector<1x16xf32> to vector<16xf32>
      %swap3A_79 = vector.shape_cast %broadcast_in_dim3A_21 : vector<16xf32> to vector<1x16xf32>
      tpu.vector_store %arg7[%swap3A_75, %swap3A_76], %swap3A_79 {strides = array<i32>} : memref<128x128xf32, #tpu.memory_space<vmem>>, vector<1x16xf32>,
      %scan3A_80 = arith.constant 0 : i32
      scf.yield %scan3A_80 : i32
    }
    %scan3A_28 = arith.constant 128 : i32
    %barrier3A = arith.constant 0 : index
    tpu.barrier barrier_id(%barrier3A)
    %scan3A_29 = arith.constant 0 : i32
    %scan3A_30 = arith.constant 0 : i32
    %scan3A_31 = arith.constant 78 : i32
    %scan3A_32 = arith.addi %scan3A_30, %scan3A_31 : i32
    %scan3A_33 = arith.constant 1 : i32
    %scan3A_34 = scf.for %scan3A_39 = %scan3A_30 to %scan3A_32 step %scan3A_33 iter_args(%scan3A_40 = %scan3A_29) -> (i32)  : i32 {
      %run_scoped3A = arith.constant 1 : i32
      %run_scoped3A_41 = arith.constant 0 : i32
      "tpu.region"() ({
        %run_scoped3A_44 = tpu.sem_alloc : memref<!tpu.dma_semaphore, #tpu.memory_space<semaphore_mem>>
        %dma_start3A = arith.constant 0 : i32
        %dma_start3A_45 = tpu.memref_slice %arg6[%run_scoped3A_41, %dma_start3A] : memref<1x128xi32, #tpu.memory_space<vmem>> -> memref<1x128xi32, #tpu.memory_space<vmem>>
        %dma_start3A_46 = tpu.memref_squeeze %dma_start3A_45 : memref<1x128xi32, #tpu.memory_space<vmem>> -> memref<128xi32, #tpu.memory_space<vmem>>
        %dma_start3A_47 = arith.constant 0 : i32
        %dma_start3A_48 = tpu.memref_slice %arg2[%add3A, %scan3A_39, %run_scoped3A, %dma_start3A_47] : memref<32x78x2x128xi32, #tpu.memory_space<hbm>> -> memref<1x1x1x128xi32, #tpu.memory_space<hbm>>
        %dma_start3A_49 = tpu.memref_squeeze %dma_start3A_48 : memref<1x1x1x128xi32, #tpu.memory_space<hbm>> -> memref<128xi32, #tpu.memory_space<hbm>>
        %dma_start3A_50 = arith.constant 0 : i32
        %dma_start3A_51 = tpu.memref_slice %arg6[%run_scoped3A_41, %dma_start3A_50] : memref<1x128xi32, #tpu.memory_space<vmem>> -> memref<1x128xi32, #tpu.memory_space<vmem>>
        %dma_start3A_52 = tpu.memref_squeeze %dma_start3A_51 : memref<1x128xi32, #tpu.memory_space<vmem>> -> memref<128xi32, #tpu.memory_space<vmem>>
        %dma_start3A_53 = arith.constant 0 : i32
        %dma_start3A_54 = tpu.memref_slice %arg2[%add3A, %scan3A_39, %run_scoped3A, %dma_start3A_53] : memref<32x78x2x128xi32, #tpu.memory_space<hbm>> -> memref<1x1x1x128xi32, #tpu.memory_space<hbm>>
        %dma_start3A_55 = tpu.memref_squeeze %dma_start3A_54 : memref<1x1x1x128xi32, #tpu.memory_space<hbm>> -> memref<128xi32, #tpu.memory_space<hbm>>
        tpu.enqueue_dma source(%dma_start3A_55 : memref<128xi32, #tpu.memory_space<hbm>>) target(%dma_start3A_52 : memref<128xi32, #tpu.memory_space<vmem>>) target_semaphore(%run_scoped3A_44 : memref<!tpu.dma_semaphore, #tpu.memory_space<semaphore_mem>>)
        %dma_wait3A = arith.constant 0 : i32
        %dma_wait3A_56 = tpu.memref_slice %arg6[%run_scoped3A_41, %dma_wait3A] : memref<1x128xi32, #tpu.memory_space<vmem>> -> memref<1x128xi32, #tpu.memory_space<vmem>>
        %dma_wait3A_57 = tpu.memref_squeeze %dma_wait3A_56 : memref<1x128xi32, #tpu.memory_space<vmem>> -> memref<128xi32, #tpu.memory_space<vmem>>
        %dma_wait3A_58 = arith.constant 0 : i32
        %dma_wait3A_59 = tpu.memref_slice %arg2[%add3A, %scan3A_39, %run_scoped3A, %dma_wait3A_58] : memref<32x78x2x128xi32, #tpu.memory_space<hbm>> -> memref<1x1x1x128xi32, #tpu.memory_space<hbm>>
        %dma_wait3A_60 = tpu.memref_squeeze %dma_wait3A_59 : memref<1x1x1x128xi32, #tpu.memory_space<hbm>> -> memref<128xi32, #tpu.memory_space<hbm>>
        %dma_wait3A_61 = arith.constant 0 : i32
        %dma_wait3A_62 = tpu.memref_slice %arg6[%run_scoped3A_41, %dma_wait3A_61] : memref<1x128xi32, #tpu.memory_space<vmem>> -> memref<1x128xi32, #tpu.memory_space<vmem>>
        %dma_wait3A_63 = tpu.memref_squeeze %dma_wait3A_62 : memref<1x128xi32, #tpu.memory_space<vmem>> -> memref<128xi32, #tpu.memory_space<vmem>>
        %dma_wait3A_64 = arith.constant 0 : i32
        %dma_wait3A_65 = tpu.memref_slice %arg2[%add3A, %scan3A_39, %run_scoped3A, %dma_wait3A_64] : memref<32x78x2x128xi32, #tpu.memory_space<hbm>> -> memref<1x1x1x128xi32, #tpu.memory_space<hbm>>
        %dma_wait3A_66 = tpu.memref_squeeze %dma_wait3A_65 : memref<1x1x1x128xi32, #tpu.memory_space<hbm>> -> memref<128xi32, #tpu.memory_space<hbm>>
        tpu.wait_dma2 semaphore(%run_scoped3A_44 : memref<!tpu.dma_semaphore, #tpu.memory_space<semaphore_mem>>) src(%dma_wait3A_66 : memref<128xi32, #tpu.memory_space<hbm>>) dst(%dma_wait3A_63 : memref<128xi32, #tpu.memory_space<vmem>>)
        tpu.yield
      }) : () -> ()
      %run_scoped3A_42 = arith.constant 0 : i32
      "tpu.region"() ({
        %run_scoped3A_44 = tpu.sem_alloc : memref<!tpu.dma_semaphore, #tpu.memory_space<semaphore_mem>>
        %dma_start3A = arith.constant 0 : i32
        %dma_start3A_45 = tpu.memref_slice %arg6[%run_scoped3A_42, %dma_start3A] : memref<1x128xi32, #tpu.memory_space<vmem>> -> memref<1x128xi32, #tpu.memory_space<vmem>>
        %dma_start3A_46 = tpu.memref_squeeze %dma_start3A_45 : memref<1x128xi32, #tpu.memory_space<vmem>> -> memref<128xi32, #tpu.memory_space<vmem>>
        %dma_start3A_47 = arith.constant 0 : i32
        %dma_start3A_48 = arith.constant 0 : i32
        %dma_start3A_49 = tpu.memref_slice %arg5[%dma_start3A_47, %dma_start3A_48] : memref<10240x128xf32, #tpu.memory_space<vmem_shared>> -> memref<10240x128xf32, #tpu.memory_space<vmem_shared>>
        tpu.enqueue_indirect_dma source(%arg7 : memref<128x128xf32, #tpu.memory_space<vmem>>) target(%dma_start3A_49 : memref<10240x128xf32, #tpu.memory_space<vmem_shared>>) offsets(%dma_start3A_46 : memref<128xi32, #tpu.memory_space<vmem>>) semaphore(%run_scoped3A_44 : memref<!tpu.dma_semaphore, #tpu.memory_space<semaphore_mem>>) {add = true}
        %dma_wait3A = arith.constant 0 : i32
        %dma_wait3A_50 = tpu.memref_slice %arg6[%run_scoped3A_42, %dma_wait3A] : memref<1x128xi32, #tpu.memory_space<vmem>> -> memref<1x128xi32, #tpu.memory_space<vmem>>
        %dma_wait3A_51 = tpu.memref_squeeze %dma_wait3A_50 : memref<1x128xi32, #tpu.memory_space<vmem>> -> memref<128xi32, #tpu.memory_space<vmem>>
        %dma_wait3A_52 = arith.constant 0 : i32
        %dma_wait3A_53 = arith.constant 0 : i32
        %dma_wait3A_54 = tpu.memref_slice %arg5[%dma_wait3A_52, %dma_wait3A_53] : memref<10240x128xf32, #tpu.memory_space<vmem_shared>> -> memref<10240x128xf32, #tpu.memory_space<vmem_shared>>
        tpu.wait_indirect_dma semaphore(%run_scoped3A_44 : memref<!tpu.dma_semaphore, #tpu.memory_space<semaphore_mem>>) src(%arg7 : memref<128x128xf32, #tpu.memory_space<vmem>>) dst(%dma_wait3A_54 : memref<10240x128xf32, #tpu.memory_space<vmem_shared>>)
        tpu.yield
      }) : () -> ()
      %scan3A_43 = arith.constant 0 : i32
      scf.yield %scan3A_43 : i32
    }
    %scan3A_35 = arith.constant 78 : i32
    %lt3A = arith.constant 4 : i32
    %lt3A_36 = arith.cmpi slt, %add3A, %lt3A : i32
    %convert_element_type3A = arith.extui %lt3A_36 : i1 to i32
    %cond3A = arith.constant 0 : i32
    %cond3A_37 = arith.cmpi ne, %convert_element_type3A, %cond3A : i32
    scf.if %cond3A_37 {
      %run_scoped3A = arith.constant 1 : i32
      %run_scoped3A_39 = arith.constant 0 : i32
      "tpu.region"() ({
        %run_scoped3A_41 = tpu.sem_alloc : memref<!tpu.dma_semaphore, #tpu.memory_space<semaphore_mem>>
        %dma_start3A = arith.constant 0 : i32
        %dma_start3A_42 = tpu.memref_slice %arg6[%run_scoped3A_39, %dma_start3A] : memref<1x128xi32, #tpu.memory_space<vmem>> -> memref<1x128xi32, #tpu.memory_space<vmem>>
        %dma_start3A_43 = tpu.memref_squeeze %dma_start3A_42 : memref<1x128xi32, #tpu.memory_space<vmem>> -> memref<128xi32, #tpu.memory_space<vmem>>
        %dma_start3A_44 = arith.constant 0 : i32
        %dma_start3A_45 = tpu.memref_slice %arg3[%add3A, %run_scoped3A, %dma_start3A_44] : memref<4x2x128xi32, #tpu.memory_space<hbm>> -> memref<1x1x128xi32, #tpu.memory_space<hbm>>
        %dma_start3A_46 = tpu.memref_squeeze %dma_start3A_45 : memref<1x1x128xi32, #tpu.memory_space<hbm>> -> memref<128xi32, #tpu.memory_space<hbm>>
        %dma_start3A_47 = arith.constant 0 : i32
        %dma_start3A_48 = tpu.memref_slice %arg6[%run_scoped3A_39, %dma_start3A_47] : memref<1x128xi32, #tpu.memory_space<vmem>> -> memref<1x128xi32, #tpu.memory_space<vmem>>
        %dma_start3A_49 = tpu.memref_squeeze %dma_start3A_48 : memref<1x128xi32, #tpu.memory_space<vmem>> -> memref<128xi32, #tpu.memory_space<vmem>>
        %dma_start3A_50 = arith.constant 0 : i32
        %dma_start3A_51 = tpu.memref_slice %arg3[%add3A, %run_scoped3A, %dma_start3A_50] : memref<4x2x128xi32, #tpu.memory_space<hbm>> -> memref<1x1x128xi32, #tpu.memory_space<hbm>>
        %dma_start3A_52 = tpu.memref_squeeze %dma_start3A_51 : memref<1x1x128xi32, #tpu.memory_space<hbm>> -> memref<128xi32, #tpu.memory_space<hbm>>
        tpu.enqueue_dma source(%dma_start3A_52 : memref<128xi32, #tpu.memory_space<hbm>>) target(%dma_start3A_49 : memref<128xi32, #tpu.memory_space<vmem>>) target_semaphore(%run_scoped3A_41 : memref<!tpu.dma_semaphore, #tpu.memory_space<semaphore_mem>>)
        %dma_wait3A = arith.constant 0 : i32
        %dma_wait3A_53 = tpu.memref_slice %arg6[%run_scoped3A_39, %dma_wait3A] : memref<1x128xi32, #tpu.memory_space<vmem>> -> memref<1x128xi32, #tpu.memory_space<vmem>>
        %dma_wait3A_54 = tpu.memref_squeeze %dma_wait3A_53 : memref<1x128xi32, #tpu.memory_space<vmem>> -> memref<128xi32, #tpu.memory_space<vmem>>
        %dma_wait3A_55 = arith.constant 0 : i32
        %dma_wait3A_56 = tpu.memref_slice %arg3[%add3A, %run_scoped3A, %dma_wait3A_55] : memref<4x2x128xi32, #tpu.memory_space<hbm>> -> memref<1x1x128xi32, #tpu.memory_space<hbm>>
        %dma_wait3A_57 = tpu.memref_squeeze %dma_wait3A_56 : memref<1x1x128xi32, #tpu.memory_space<hbm>> -> memref<128xi32, #tpu.memory_space<hbm>>
        %dma_wait3A_58 = arith.constant 0 : i32
        %dma_wait3A_59 = tpu.memref_slice %arg6[%run_scoped3A_39, %dma_wait3A_58] : memref<1x128xi32, #tpu.memory_space<vmem>> -> memref<1x128xi32, #tpu.memory_space<vmem>>
        %dma_wait3A_60 = tpu.memref_squeeze %dma_wait3A_59 : memref<1x128xi32, #tpu.memory_space<vmem>> -> memref<128xi32, #tpu.memory_space<vmem>>
        %dma_wait3A_61 = arith.constant 0 : i32
        %dma_wait3A_62 = tpu.memref_slice %arg3[%add3A, %run_scoped3A, %dma_wait3A_61] : memref<4x2x128xi32, #tpu.memory_space<hbm>> -> memref<1x1x128xi32, #tpu.memory_space<hbm>>
        %dma_wait3A_63 = tpu.memref_squeeze %dma_wait3A_62 : memref<1x1x128xi32, #tpu.memory_space<hbm>> -> memref<128xi32, #tpu.memory_space<hbm>>
        tpu.wait_dma2 semaphore(%run_scoped3A_41 : memref<!tpu.dma_semaphore, #tpu.memory_space<semaphore_mem>>) src(%dma_wait3A_63 : memref<128xi32, #tpu.memory_space<hbm>>) dst(%dma_wait3A_60 : memref<128xi32, #tpu.memory_space<vmem>>)
        tpu.yield
      }) : () -> ()
      %run_scoped3A_40 = arith.constant 0 : i32
      "tpu.region"() ({
        %run_scoped3A_41 = tpu.sem_alloc : memref<!tpu.dma_semaphore, #tpu.memory_space<semaphore_mem>>
        %dma_start3A = arith.constant 0 : i32
        %dma_start3A_42 = tpu.memref_slice %arg6[%run_scoped3A_40, %dma_start3A] : memref<1x128xi32, #tpu.memory_space<vmem>> -> memref<1x128xi32, #tpu.memory_space<vmem>>
        %dma_start3A_43 = tpu.memref_squeeze %dma_start3A_42 : memref<1x128xi32, #tpu.memory_space<vmem>> -> memref<128xi32, #tpu.memory_space<vmem>>
        %dma_start3A_44 = arith.constant 0 : i32
        %dma_start3A_45 = arith.constant 0 : i32
        %dma_start3A_46 = tpu.memref_slice %arg5[%dma_start3A_44, %dma_start3A_45] : memref<10240x128xf32, #tpu.memory_space<vmem_shared>> -> memref<10240x128xf32, #tpu.memory_space<vmem_shared>>
        tpu.enqueue_indirect_dma source(%arg7 : memref<128x128xf32, #tpu.memory_space<vmem>>) target(%dma_start3A_46 : memref<10240x128xf32, #tpu.memory_space<vmem_shared>>) offsets(%dma_start3A_43 : memref<128xi32, #tpu.memory_space<vmem>>) semaphore(%run_scoped3A_41 : memref<!tpu.dma_semaphore, #tpu.memory_space<semaphore_mem>>) {add = true}
        %dma_wait3A = arith.constant 0 : i32
        %dma_wait3A_47 = tpu.memref_slice %arg6[%run_scoped3A_40, %dma_wait3A] : memref<1x128xi32, #tpu.memory_space<vmem>> -> memref<1x128xi32, #tpu.memory_space<vmem>>
        %dma_wait3A_48 = tpu.memref_squeeze %dma_wait3A_47 : memref<1x128xi32, #tpu.memory_space<vmem>> -> memref<128xi32, #tpu.memory_space<vmem>>
        %dma_wait3A_49 = arith.constant 0 : i32
        %dma_wait3A_50 = arith.constant 0 : i32
        %dma_wait3A_51 = tpu.memref_slice %arg5[%dma_wait3A_49, %dma_wait3A_50] : memref<10240x128xf32, #tpu.memory_space<vmem_shared>> -> memref<10240x128xf32, #tpu.memory_space<vmem_shared>>
        tpu.wait_indirect_dma semaphore(%run_scoped3A_41 : memref<!tpu.dma_semaphore, #tpu.memory_space<semaphore_mem>>) src(%arg7 : memref<128x128xf32, #tpu.memory_space<vmem>>) dst(%dma_wait3A_51 : memref<10240x128xf32, #tpu.memory_space<vmem_shared>>)
        tpu.yield
      }) : () -> ()
    } else {
    }
    %barrier3A_38 = arith.constant 0 : index
    tpu.barrier barrier_id(%barrier3A_38)
    "tpu.region"() ({
      %run_scoped3A = tpu.sem_alloc : memref<!tpu.dma_semaphore, #tpu.memory_space<semaphore_mem>>
      %dma_start3A = arith.constant 0 : i32
      %dma_start3A_39 = tpu.memref_slice %arg4[%arg0, %mul3A_9, %dma_start3A] : memref<2x10240x128xf32, #tpu.memory_space<hbm>> -> memref<1x640x128xf32, #tpu.memory_space<hbm>>
      %dma_start3A_40 = tpu.memref_squeeze %dma_start3A_39 : memref<1x640x128xf32, #tpu.memory_space<hbm>> -> memref<640x128xf32, #tpu.memory_space<hbm>>
      %dma_start3A_41 = arith.constant 0 : i32
      %dma_start3A_42 = tpu.memref_slice %arg5[%mul3A_9, %dma_start3A_41] : memref<10240x128xf32, #tpu.memory_space<vmem_shared>> -> memref<640x128xf32, #tpu.memory_space<vmem_shared>>
      tpu.enqueue_dma source(%dma_start3A_42 : memref<640x128xf32, #tpu.memory_space<vmem_shared>>) target(%dma_start3A_40 : memref<640x128xf32, #tpu.memory_space<hbm>>) target_semaphore(%run_scoped3A : memref<!tpu.dma_semaphore, #tpu.memory_space<semaphore_mem>>)
      %dma_wait3A = arith.constant 0 : i32
      %dma_wait3A_43 = tpu.memref_slice %arg4[%arg0, %mul3A_9, %dma_wait3A] : memref<2x10240x128xf32, #tpu.memory_space<hbm>> -> memref<1x640x128xf32, #tpu.memory_space<hbm>>
      %dma_wait3A_44 = tpu.memref_squeeze %dma_wait3A_43 : memref<1x640x128xf32, #tpu.memory_space<hbm>> -> memref<640x128xf32, #tpu.memory_space<hbm>>
      %dma_wait3A_45 = arith.constant 0 : i32
      %dma_wait3A_46 = tpu.memref_slice %arg5[%mul3A_9, %dma_wait3A_45] : memref<10240x128xf32, #tpu.memory_space<vmem_shared>> -> memref<640x128xf32, #tpu.memory_space<vmem_shared>>
      tpu.wait_dma2 semaphore(%run_scoped3A : memref<!tpu.dma_semaphore, #tpu.memory_space<semaphore_mem>>) src(%dma_wait3A_46 : memref<640x128xf32, #tpu.memory_space<vmem_shared>>) dst(%dma_wait3A_44 : memref<640x128xf32, #tpu.memory_space<hbm>>)
      tpu.yield
    }) : () -> ()
    return
  }
}

#map = affine_map<(d0, d1) -> (0, 0, 0, 0)>
#map1 = affine_map<(d0, d1) -> (0, 0, 0)>
#map2 = affine_map<(d0, d1) -> (0, 0)>
module attributes {stable_mosaic.version = 14 : i64} {
  func.func @_sc_aggregate(%arg0: i32, %arg1: i32, %arg2: memref<32x78x2x128xi32, #tpu.memory_space<hbm>>, %arg3: memref<4x2x128xi32, #tpu.memory_space<hbm>>, %arg4: memref<10000x128xf32, #tpu.memory_space<hbm>>, %arg5: memref<2x10240x128xf32, #tpu.memory_space<hbm>>, %arg6: memref<10240x128xf32, #tpu.memory_space<vmem_shared>>, %arg7: memref<128xi32, #tpu.memory_space<vmem>>, %arg8: memref<1x128xi32, #tpu.memory_space<vmem>>, %arg9: memref<128x128xf32, #tpu.memory_space<vmem>>, %arg10: memref<!tpu.dma_semaphore, #tpu.memory_space<semaphore_mem>>) attributes {dimension_semantics = [#tpu.dimension_semantics<core_parallel>, #tpu.dimension_semantics<subcore_parallel>], iteration_bounds = array<i64: 2, 16>, scalar_prefetch = 0 : i64, scratch_operands = 5 : i64, tpu.core_type = #tpu.core_type<sc_vector_subcore>, window_params = [{transform_indices = #map}, {transform_indices = #map1}, {transform_indices = #map2}, {transform_indices = #map1}]} {
    %mul3A = arith.constant 2 : i32
    %mul3A_0 = arith.muli %arg1, %mul3A : i32
    %add3A = arith.addi %mul3A_0, %arg0 : i32
    %broadcast_in_dim3A = arith.constant 0.000000e+00 : f32
    %broadcast_in_dim3A_1 = vector.broadcast %broadcast_in_dim3A : f32 to vector<16xf32>
    %scan3A = arith.constant 0 : i32
    %scan3A_2 = arith.constant 0 : i32
    %scan3A_3 = arith.constant 128 : i32
    %scan3A_4 = arith.addi %scan3A_2, %scan3A_3 : i32
    %scan3A_5 = arith.constant 1 : i32
    %scan3A_6 = scf.for %scan3A_30 = %scan3A_2 to %scan3A_4 step %scan3A_5 iter_args(%scan3A_31 = %scan3A) -> (i32)  : i32 {
      %swap3A = arith.index_cast %scan3A_30 : i32 to index
      %swap3A_32 = arith.constant 0 : index
      %swap3A_33 = tpu.vector_load %arg9[%swap3A, %swap3A_32] {strides = array<i32>} : memref<128x128xf32, #tpu.memory_space<vmem>>, vector<1x16xf32>,
      %swap3A_34 = vector.shape_cast %swap3A_33 : vector<1x16xf32> to vector<16xf32>
      %swap3A_35 = vector.shape_cast %broadcast_in_dim3A_1 : vector<16xf32> to vector<1x16xf32>
      tpu.vector_store %arg9[%swap3A, %swap3A_32], %swap3A_35 {strides = array<i32>} : memref<128x128xf32, #tpu.memory_space<vmem>>, vector<1x16xf32>,
      %swap3A_36 = arith.index_cast %scan3A_30 : i32 to index
      %swap3A_37 = arith.constant 16 : index
      %swap3A_38 = tpu.vector_load %arg9[%swap3A_36, %swap3A_37] {strides = array<i32>} : memref<128x128xf32, #tpu.memory_space<vmem>>, vector<1x16xf32>,
      %swap3A_39 = vector.shape_cast %swap3A_38 : vector<1x16xf32> to vector<16xf32>
      %swap3A_40 = vector.shape_cast %broadcast_in_dim3A_1 : vector<16xf32> to vector<1x16xf32>
      tpu.vector_store %arg9[%swap3A_36, %swap3A_37], %swap3A_40 {strides = array<i32>} : memref<128x128xf32, #tpu.memory_space<vmem>>, vector<1x16xf32>,
      %swap3A_41 = arith.index_cast %scan3A_30 : i32 to index
      %swap3A_42 = arith.constant 32 : index
      %swap3A_43 = tpu.vector_load %arg9[%swap3A_41, %swap3A_42] {strides = array<i32>} : memref<128x128xf32, #tpu.memory_space<vmem>>, vector<1x16xf32>,
      %swap3A_44 = vector.shape_cast %swap3A_43 : vector<1x16xf32> to vector<16xf32>
      %swap3A_45 = vector.shape_cast %broadcast_in_dim3A_1 : vector<16xf32> to vector<1x16xf32>
      tpu.vector_store %arg9[%swap3A_41, %swap3A_42], %swap3A_45 {strides = array<i32>} : memref<128x128xf32, #tpu.memory_space<vmem>>, vector<1x16xf32>,
      %swap3A_46 = arith.index_cast %scan3A_30 : i32 to index
      %swap3A_47 = arith.constant 48 : index
      %swap3A_48 = tpu.vector_load %arg9[%swap3A_46, %swap3A_47] {strides = array<i32>} : memref<128x128xf32, #tpu.memory_space<vmem>>, vector<1x16xf32>,
      %swap3A_49 = vector.shape_cast %swap3A_48 : vector<1x16xf32> to vector<16xf32>
      %swap3A_50 = vector.shape_cast %broadcast_in_dim3A_1 : vector<16xf32> to vector<1x16xf32>
      tpu.vector_store %arg9[%swap3A_46, %swap3A_47], %swap3A_50 {strides = array<i32>} : memref<128x128xf32, #tpu.memory_space<vmem>>, vector<1x16xf32>,
      %swap3A_51 = arith.index_cast %scan3A_30 : i32 to index
      %swap3A_52 = arith.constant 64 : index
      %swap3A_53 = tpu.vector_load %arg9[%swap3A_51, %swap3A_52] {strides = array<i32>} : memref<128x128xf32, #tpu.memory_space<vmem>>, vector<1x16xf32>,
      %swap3A_54 = vector.shape_cast %swap3A_53 : vector<1x16xf32> to vector<16xf32>
      %swap3A_55 = vector.shape_cast %broadcast_in_dim3A_1 : vector<16xf32> to vector<1x16xf32>
      tpu.vector_store %arg9[%swap3A_51, %swap3A_52], %swap3A_55 {strides = array<i32>} : memref<128x128xf32, #tpu.memory_space<vmem>>, vector<1x16xf32>,
      %swap3A_56 = arith.index_cast %scan3A_30 : i32 to index
      %swap3A_57 = arith.constant 80 : index
      %swap3A_58 = tpu.vector_load %arg9[%swap3A_56, %swap3A_57] {strides = array<i32>} : memref<128x128xf32, #tpu.memory_space<vmem>>, vector<1x16xf32>,
      %swap3A_59 = vector.shape_cast %swap3A_58 : vector<1x16xf32> to vector<16xf32>
      %swap3A_60 = vector.shape_cast %broadcast_in_dim3A_1 : vector<16xf32> to vector<1x16xf32>
      tpu.vector_store %arg9[%swap3A_56, %swap3A_57], %swap3A_60 {strides = array<i32>} : memref<128x128xf32, #tpu.memory_space<vmem>>, vector<1x16xf32>,
      %swap3A_61 = arith.index_cast %scan3A_30 : i32 to index
      %swap3A_62 = arith.constant 96 : index
      %swap3A_63 = tpu.vector_load %arg9[%swap3A_61, %swap3A_62] {strides = array<i32>} : memref<128x128xf32, #tpu.memory_space<vmem>>, vector<1x16xf32>,
      %swap3A_64 = vector.shape_cast %swap3A_63 : vector<1x16xf32> to vector<16xf32>
      %swap3A_65 = vector.shape_cast %broadcast_in_dim3A_1 : vector<16xf32> to vector<1x16xf32>
      tpu.vector_store %arg9[%swap3A_61, %swap3A_62], %swap3A_65 {strides = array<i32>} : memref<128x128xf32, #tpu.memory_space<vmem>>, vector<1x16xf32>,
      %swap3A_66 = arith.index_cast %scan3A_30 : i32 to index
      %swap3A_67 = arith.constant 112 : index
      %swap3A_68 = tpu.vector_load %arg9[%swap3A_66, %swap3A_67] {strides = array<i32>} : memref<128x128xf32, #tpu.memory_space<vmem>>, vector<1x16xf32>,
      %swap3A_69 = vector.shape_cast %swap3A_68 : vector<1x16xf32> to vector<16xf32>
      %swap3A_70 = vector.shape_cast %broadcast_in_dim3A_1 : vector<16xf32> to vector<1x16xf32>
      tpu.vector_store %arg9[%swap3A_66, %swap3A_67], %swap3A_70 {strides = array<i32>} : memref<128x128xf32, #tpu.memory_space<vmem>>, vector<1x16xf32>,
      %scan3A_71 = arith.constant 0 : i32
      scf.yield %scan3A_71 : i32
    }
    %scan3A_7 = arith.constant 128 : i32
    %mul3A_8 = arith.constant 640 : i32
    %mul3A_9 = arith.muli %arg1, %mul3A_8 : i32
    %add3A_10 = arith.constant 0 : i32
    %add3A_11 = arith.addi %mul3A_9, %add3A_10 : i32
    "tpu.region"() ({
      %run_scoped3A = tpu.sem_alloc : memref<!tpu.dma_semaphore, #tpu.memory_space<semaphore_mem>>
      %dma_start3A = arith.constant 0 : i32
      %dma_start3A_30 = arith.constant 0 : i32
      %dma_start3A_31 = tpu.memref_slice %arg9[%dma_start3A, %dma_start3A_30] : memref<128x128xf32, #tpu.memory_space<vmem>> -> memref<128x128xf32, #tpu.memory_space<vmem>>
      %dma_start3A_32 = arith.constant 0 : i32
      %dma_start3A_33 = tpu.memref_slice %arg6[%add3A_11, %dma_start3A_32] : memref<10240x128xf32, #tpu.memory_space<vmem_shared>> -> memref<128x128xf32, #tpu.memory_space<vmem_shared>>
      %dma_start3A_34 = arith.constant 0 : i32
      %dma_start3A_35 = tpu.memref_slice %arg6[%add3A_11, %dma_start3A_34] : memref<10240x128xf32, #tpu.memory_space<vmem_shared>> -> memref<128x128xf32, #tpu.memory_space<vmem_shared>>
      %dma_start3A_36 = arith.constant 0 : i32
      %dma_start3A_37 = arith.constant 0 : i32
      %dma_start3A_38 = tpu.memref_slice %arg9[%dma_start3A_36, %dma_start3A_37] : memref<128x128xf32, #tpu.memory_space<vmem>> -> memref<128x128xf32, #tpu.memory_space<vmem>>
      tpu.enqueue_dma source(%dma_start3A_38 : memref<128x128xf32, #tpu.memory_space<vmem>>) target(%dma_start3A_35 : memref<128x128xf32, #tpu.memory_space<vmem_shared>>) target_semaphore(%run_scoped3A : memref<!tpu.dma_semaphore, #tpu.memory_space<semaphore_mem>>)
      %dma_wait3A = arith.constant 0 : i32
      %dma_wait3A_39 = arith.constant 0 : i32
      %dma_wait3A_40 = tpu.memref_slice %arg9[%dma_wait3A, %dma_wait3A_39] : memref<128x128xf32, #tpu.memory_space<vmem>> -> memref<128x128xf32, #tpu.memory_space<vmem>>
      %dma_wait3A_41 = arith.constant 0 : i32
      %dma_wait3A_42 = tpu.memref_slice %arg6[%add3A_11, %dma_wait3A_41] : memref<10240x128xf32, #tpu.memory_space<vmem_shared>> -> memref<128x128xf32, #tpu.memory_space<vmem_shared>>
      %dma_wait3A_43 = arith.constant 0 : i32
      %dma_wait3A_44 = tpu.memref_slice %arg6[%add3A_11, %dma_wait3A_43] : memref<10240x128xf32, #tpu.memory_space<vmem_shared>> -> memref<128x128xf32, #tpu.memory_space<vmem_shared>>
      %dma_wait3A_45 = arith.constant 0 : i32
      %dma_wait3A_46 = arith.constant 0 : i32
      %dma_wait3A_47 = tpu.memref_slice %arg9[%dma_wait3A_45, %dma_wait3A_46] : memref<128x128xf32, #tpu.memory_space<vmem>> -> memref<128x128xf32, #tpu.memory_space<vmem>>
      tpu.wait_dma2 semaphore(%run_scoped3A : memref<!tpu.dma_semaphore, #tpu.memory_space<semaphore_mem>>) src(%dma_wait3A_47 : memref<128x128xf32, #tpu.memory_space<vmem>>) dst(%dma_wait3A_44 : memref<128x128xf32, #tpu.memory_space<vmem_shared>>)
      tpu.yield
    }) : () -> ()
    %add3A_12 = arith.constant 128 : i32
    %add3A_13 = arith.addi %mul3A_9, %add3A_12 : i32
    "tpu.region"() ({
      %run_scoped3A = tpu.sem_alloc : memref<!tpu.dma_semaphore, #tpu.memory_space<semaphore_mem>>
      %dma_start3A = arith.constant 0 : i32
      %dma_start3A_30 = arith.constant 0 : i32
      %dma_start3A_31 = tpu.memref_slice %arg9[%dma_start3A, %dma_start3A_30] : memref<128x128xf32, #tpu.memory_space<vmem>> -> memref<128x128xf32, #tpu.memory_space<vmem>>
      %dma_start3A_32 = arith.constant 0 : i32
      %dma_start3A_33 = tpu.memref_slice %arg6[%add3A_13, %dma_start3A_32] : memref<10240x128xf32, #tpu.memory_space<vmem_shared>> -> memref<128x128xf32, #tpu.memory_space<vmem_shared>>
      %dma_start3A_34 = arith.constant 0 : i32
      %dma_start3A_35 = tpu.memref_slice %arg6[%add3A_13, %dma_start3A_34] : memref<10240x128xf32, #tpu.memory_space<vmem_shared>> -> memref<128x128xf32, #tpu.memory_space<vmem_shared>>
      %dma_start3A_36 = arith.constant 0 : i32
      %dma_start3A_37 = arith.constant 0 : i32
      %dma_start3A_38 = tpu.memref_slice %arg9[%dma_start3A_36, %dma_start3A_37] : memref<128x128xf32, #tpu.memory_space<vmem>> -> memref<128x128xf32, #tpu.memory_space<vmem>>
      tpu.enqueue_dma source(%dma_start3A_38 : memref<128x128xf32, #tpu.memory_space<vmem>>) target(%dma_start3A_35 : memref<128x128xf32, #tpu.memory_space<vmem_shared>>) target_semaphore(%run_scoped3A : memref<!tpu.dma_semaphore, #tpu.memory_space<semaphore_mem>>)
      %dma_wait3A = arith.constant 0 : i32
      %dma_wait3A_39 = arith.constant 0 : i32
      %dma_wait3A_40 = tpu.memref_slice %arg9[%dma_wait3A, %dma_wait3A_39] : memref<128x128xf32, #tpu.memory_space<vmem>> -> memref<128x128xf32, #tpu.memory_space<vmem>>
      %dma_wait3A_41 = arith.constant 0 : i32
      %dma_wait3A_42 = tpu.memref_slice %arg6[%add3A_13, %dma_wait3A_41] : memref<10240x128xf32, #tpu.memory_space<vmem_shared>> -> memref<128x128xf32, #tpu.memory_space<vmem_shared>>
      %dma_wait3A_43 = arith.constant 0 : i32
      %dma_wait3A_44 = tpu.memref_slice %arg6[%add3A_13, %dma_wait3A_43] : memref<10240x128xf32, #tpu.memory_space<vmem_shared>> -> memref<128x128xf32, #tpu.memory_space<vmem_shared>>
      %dma_wait3A_45 = arith.constant 0 : i32
      %dma_wait3A_46 = arith.constant 0 : i32
      %dma_wait3A_47 = tpu.memref_slice %arg9[%dma_wait3A_45, %dma_wait3A_46] : memref<128x128xf32, #tpu.memory_space<vmem>> -> memref<128x128xf32, #tpu.memory_space<vmem>>
      tpu.wait_dma2 semaphore(%run_scoped3A : memref<!tpu.dma_semaphore, #tpu.memory_space<semaphore_mem>>) src(%dma_wait3A_47 : memref<128x128xf32, #tpu.memory_space<vmem>>) dst(%dma_wait3A_44 : memref<128x128xf32, #tpu.memory_space<vmem_shared>>)
      tpu.yield
    }) : () -> ()
    %add3A_14 = arith.constant 256 : i32
    %add3A_15 = arith.addi %mul3A_9, %add3A_14 : i32
    "tpu.region"() ({
      %run_scoped3A = tpu.sem_alloc : memref<!tpu.dma_semaphore, #tpu.memory_space<semaphore_mem>>
      %dma_start3A = arith.constant 0 : i32
      %dma_start3A_30 = arith.constant 0 : i32
      %dma_start3A_31 = tpu.memref_slice %arg9[%dma_start3A, %dma_start3A_30] : memref<128x128xf32, #tpu.memory_space<vmem>> -> memref<128x128xf32, #tpu.memory_space<vmem>>
      %dma_start3A_32 = arith.constant 0 : i32
      %dma_start3A_33 = tpu.memref_slice %arg6[%add3A_15, %dma_start3A_32] : memref<10240x128xf32, #tpu.memory_space<vmem_shared>> -> memref<128x128xf32, #tpu.memory_space<vmem_shared>>
      %dma_start3A_34 = arith.constant 0 : i32
      %dma_start3A_35 = tpu.memref_slice %arg6[%add3A_15, %dma_start3A_34] : memref<10240x128xf32, #tpu.memory_space<vmem_shared>> -> memref<128x128xf32, #tpu.memory_space<vmem_shared>>
      %dma_start3A_36 = arith.constant 0 : i32
      %dma_start3A_37 = arith.constant 0 : i32
      %dma_start3A_38 = tpu.memref_slice %arg9[%dma_start3A_36, %dma_start3A_37] : memref<128x128xf32, #tpu.memory_space<vmem>> -> memref<128x128xf32, #tpu.memory_space<vmem>>
      tpu.enqueue_dma source(%dma_start3A_38 : memref<128x128xf32, #tpu.memory_space<vmem>>) target(%dma_start3A_35 : memref<128x128xf32, #tpu.memory_space<vmem_shared>>) target_semaphore(%run_scoped3A : memref<!tpu.dma_semaphore, #tpu.memory_space<semaphore_mem>>)
      %dma_wait3A = arith.constant 0 : i32
      %dma_wait3A_39 = arith.constant 0 : i32
      %dma_wait3A_40 = tpu.memref_slice %arg9[%dma_wait3A, %dma_wait3A_39] : memref<128x128xf32, #tpu.memory_space<vmem>> -> memref<128x128xf32, #tpu.memory_space<vmem>>
      %dma_wait3A_41 = arith.constant 0 : i32
      %dma_wait3A_42 = tpu.memref_slice %arg6[%add3A_15, %dma_wait3A_41] : memref<10240x128xf32, #tpu.memory_space<vmem_shared>> -> memref<128x128xf32, #tpu.memory_space<vmem_shared>>
      %dma_wait3A_43 = arith.constant 0 : i32
      %dma_wait3A_44 = tpu.memref_slice %arg6[%add3A_15, %dma_wait3A_43] : memref<10240x128xf32, #tpu.memory_space<vmem_shared>> -> memref<128x128xf32, #tpu.memory_space<vmem_shared>>
      %dma_wait3A_45 = arith.constant 0 : i32
      %dma_wait3A_46 = arith.constant 0 : i32
      %dma_wait3A_47 = tpu.memref_slice %arg9[%dma_wait3A_45, %dma_wait3A_46] : memref<128x128xf32, #tpu.memory_space<vmem>> -> memref<128x128xf32, #tpu.memory_space<vmem>>
      tpu.wait_dma2 semaphore(%run_scoped3A : memref<!tpu.dma_semaphore, #tpu.memory_space<semaphore_mem>>) src(%dma_wait3A_47 : memref<128x128xf32, #tpu.memory_space<vmem>>) dst(%dma_wait3A_44 : memref<128x128xf32, #tpu.memory_space<vmem_shared>>)
      tpu.yield
    }) : () -> ()
    %add3A_16 = arith.constant 384 : i32
    %add3A_17 = arith.addi %mul3A_9, %add3A_16 : i32
    "tpu.region"() ({
      %run_scoped3A = tpu.sem_alloc : memref<!tpu.dma_semaphore, #tpu.memory_space<semaphore_mem>>
      %dma_start3A = arith.constant 0 : i32
      %dma_start3A_30 = arith.constant 0 : i32
      %dma_start3A_31 = tpu.memref_slice %arg9[%dma_start3A, %dma_start3A_30] : memref<128x128xf32, #tpu.memory_space<vmem>> -> memref<128x128xf32, #tpu.memory_space<vmem>>
      %dma_start3A_32 = arith.constant 0 : i32
      %dma_start3A_33 = tpu.memref_slice %arg6[%add3A_17, %dma_start3A_32] : memref<10240x128xf32, #tpu.memory_space<vmem_shared>> -> memref<128x128xf32, #tpu.memory_space<vmem_shared>>
      %dma_start3A_34 = arith.constant 0 : i32
      %dma_start3A_35 = tpu.memref_slice %arg6[%add3A_17, %dma_start3A_34] : memref<10240x128xf32, #tpu.memory_space<vmem_shared>> -> memref<128x128xf32, #tpu.memory_space<vmem_shared>>
      %dma_start3A_36 = arith.constant 0 : i32
      %dma_start3A_37 = arith.constant 0 : i32
      %dma_start3A_38 = tpu.memref_slice %arg9[%dma_start3A_36, %dma_start3A_37] : memref<128x128xf32, #tpu.memory_space<vmem>> -> memref<128x128xf32, #tpu.memory_space<vmem>>
      tpu.enqueue_dma source(%dma_start3A_38 : memref<128x128xf32, #tpu.memory_space<vmem>>) target(%dma_start3A_35 : memref<128x128xf32, #tpu.memory_space<vmem_shared>>) target_semaphore(%run_scoped3A : memref<!tpu.dma_semaphore, #tpu.memory_space<semaphore_mem>>)
      %dma_wait3A = arith.constant 0 : i32
      %dma_wait3A_39 = arith.constant 0 : i32
      %dma_wait3A_40 = tpu.memref_slice %arg9[%dma_wait3A, %dma_wait3A_39] : memref<128x128xf32, #tpu.memory_space<vmem>> -> memref<128x128xf32, #tpu.memory_space<vmem>>
      %dma_wait3A_41 = arith.constant 0 : i32
      %dma_wait3A_42 = tpu.memref_slice %arg6[%add3A_17, %dma_wait3A_41] : memref<10240x128xf32, #tpu.memory_space<vmem_shared>> -> memref<128x128xf32, #tpu.memory_space<vmem_shared>>
      %dma_wait3A_43 = arith.constant 0 : i32
      %dma_wait3A_44 = tpu.memref_slice %arg6[%add3A_17, %dma_wait3A_43] : memref<10240x128xf32, #tpu.memory_space<vmem_shared>> -> memref<128x128xf32, #tpu.memory_space<vmem_shared>>
      %dma_wait3A_45 = arith.constant 0 : i32
      %dma_wait3A_46 = arith.constant 0 : i32
      %dma_wait3A_47 = tpu.memref_slice %arg9[%dma_wait3A_45, %dma_wait3A_46] : memref<128x128xf32, #tpu.memory_space<vmem>> -> memref<128x128xf32, #tpu.memory_space<vmem>>
      tpu.wait_dma2 semaphore(%run_scoped3A : memref<!tpu.dma_semaphore, #tpu.memory_space<semaphore_mem>>) src(%dma_wait3A_47 : memref<128x128xf32, #tpu.memory_space<vmem>>) dst(%dma_wait3A_44 : memref<128x128xf32, #tpu.memory_space<vmem_shared>>)
      tpu.yield
    }) : () -> ()
    %add3A_18 = arith.constant 512 : i32
    %add3A_19 = arith.addi %mul3A_9, %add3A_18 : i32
    "tpu.region"() ({
      %run_scoped3A = tpu.sem_alloc : memref<!tpu.dma_semaphore, #tpu.memory_space<semaphore_mem>>
      %dma_start3A = arith.constant 0 : i32
      %dma_start3A_30 = arith.constant 0 : i32
      %dma_start3A_31 = tpu.memref_slice %arg9[%dma_start3A, %dma_start3A_30] : memref<128x128xf32, #tpu.memory_space<vmem>> -> memref<128x128xf32, #tpu.memory_space<vmem>>
      %dma_start3A_32 = arith.constant 0 : i32
      %dma_start3A_33 = tpu.memref_slice %arg6[%add3A_19, %dma_start3A_32] : memref<10240x128xf32, #tpu.memory_space<vmem_shared>> -> memref<128x128xf32, #tpu.memory_space<vmem_shared>>
      %dma_start3A_34 = arith.constant 0 : i32
      %dma_start3A_35 = tpu.memref_slice %arg6[%add3A_19, %dma_start3A_34] : memref<10240x128xf32, #tpu.memory_space<vmem_shared>> -> memref<128x128xf32, #tpu.memory_space<vmem_shared>>
      %dma_start3A_36 = arith.constant 0 : i32
      %dma_start3A_37 = arith.constant 0 : i32
      %dma_start3A_38 = tpu.memref_slice %arg9[%dma_start3A_36, %dma_start3A_37] : memref<128x128xf32, #tpu.memory_space<vmem>> -> memref<128x128xf32, #tpu.memory_space<vmem>>
      tpu.enqueue_dma source(%dma_start3A_38 : memref<128x128xf32, #tpu.memory_space<vmem>>) target(%dma_start3A_35 : memref<128x128xf32, #tpu.memory_space<vmem_shared>>) target_semaphore(%run_scoped3A : memref<!tpu.dma_semaphore, #tpu.memory_space<semaphore_mem>>)
      %dma_wait3A = arith.constant 0 : i32
      %dma_wait3A_39 = arith.constant 0 : i32
      %dma_wait3A_40 = tpu.memref_slice %arg9[%dma_wait3A, %dma_wait3A_39] : memref<128x128xf32, #tpu.memory_space<vmem>> -> memref<128x128xf32, #tpu.memory_space<vmem>>
      %dma_wait3A_41 = arith.constant 0 : i32
      %dma_wait3A_42 = tpu.memref_slice %arg6[%add3A_19, %dma_wait3A_41] : memref<10240x128xf32, #tpu.memory_space<vmem_shared>> -> memref<128x128xf32, #tpu.memory_space<vmem_shared>>
      %dma_wait3A_43 = arith.constant 0 : i32
      %dma_wait3A_44 = tpu.memref_slice %arg6[%add3A_19, %dma_wait3A_43] : memref<10240x128xf32, #tpu.memory_space<vmem_shared>> -> memref<128x128xf32, #tpu.memory_space<vmem_shared>>
      %dma_wait3A_45 = arith.constant 0 : i32
      %dma_wait3A_46 = arith.constant 0 : i32
      %dma_wait3A_47 = tpu.memref_slice %arg9[%dma_wait3A_45, %dma_wait3A_46] : memref<128x128xf32, #tpu.memory_space<vmem>> -> memref<128x128xf32, #tpu.memory_space<vmem>>
      tpu.wait_dma2 semaphore(%run_scoped3A : memref<!tpu.dma_semaphore, #tpu.memory_space<semaphore_mem>>) src(%dma_wait3A_47 : memref<128x128xf32, #tpu.memory_space<vmem>>) dst(%dma_wait3A_44 : memref<128x128xf32, #tpu.memory_space<vmem_shared>>)
      tpu.yield
    }) : () -> ()
    %barrier3A = arith.constant 0 : index
    tpu.barrier barrier_id(%barrier3A)
    %scan3A_20 = arith.constant 0 : i32
    %scan3A_21 = arith.constant 0 : i32
    %scan3A_22 = arith.constant 78 : i32
    %scan3A_23 = arith.addi %scan3A_21, %scan3A_22 : i32
    %scan3A_24 = arith.constant 1 : i32
    %scan3A_25 = scf.for %scan3A_30 = %scan3A_21 to %scan3A_23 step %scan3A_24 iter_args(%scan3A_31 = %scan3A_20) -> (i32)  : i32 {
      %run_scoped3A = arith.constant 0 : i32
      "tpu.region"() ({
        %run_scoped3A_40 = tpu.sem_alloc : memref<!tpu.dma_semaphore, #tpu.memory_space<semaphore_mem>>
        %dma_start3A_41 = arith.constant 0 : i32
        %dma_start3A_42 = tpu.memref_slice %arg2[%add3A, %scan3A_30, %run_scoped3A, %dma_start3A_41] : memref<32x78x2x128xi32, #tpu.memory_space<hbm>> -> memref<1x1x1x128xi32, #tpu.memory_space<hbm>>
        %dma_start3A_43 = tpu.memref_squeeze %dma_start3A_42 : memref<1x1x1x128xi32, #tpu.memory_space<hbm>> -> memref<128xi32, #tpu.memory_space<hbm>>
        %dma_start3A_44 = arith.constant 0 : i32
        %dma_start3A_45 = tpu.memref_slice %arg2[%add3A, %scan3A_30, %run_scoped3A, %dma_start3A_44] : memref<32x78x2x128xi32, #tpu.memory_space<hbm>> -> memref<1x1x1x128xi32, #tpu.memory_space<hbm>>
        %dma_start3A_46 = tpu.memref_squeeze %dma_start3A_45 : memref<1x1x1x128xi32, #tpu.memory_space<hbm>> -> memref<128xi32, #tpu.memory_space<hbm>>
        tpu.enqueue_dma source(%dma_start3A_46 : memref<128xi32, #tpu.memory_space<hbm>>) target(%arg7 : memref<128xi32, #tpu.memory_space<vmem>>) target_semaphore(%run_scoped3A_40 : memref<!tpu.dma_semaphore, #tpu.memory_space<semaphore_mem>>)
        %dma_wait3A_47 = arith.constant 0 : i32
        %dma_wait3A_48 = tpu.memref_slice %arg2[%add3A, %scan3A_30, %run_scoped3A, %dma_wait3A_47] : memref<32x78x2x128xi32, #tpu.memory_space<hbm>> -> memref<1x1x1x128xi32, #tpu.memory_space<hbm>>
        %dma_wait3A_49 = tpu.memref_squeeze %dma_wait3A_48 : memref<1x1x1x128xi32, #tpu.memory_space<hbm>> -> memref<128xi32, #tpu.memory_space<hbm>>
        %dma_wait3A_50 = arith.constant 0 : i32
        %dma_wait3A_51 = tpu.memref_slice %arg2[%add3A, %scan3A_30, %run_scoped3A, %dma_wait3A_50] : memref<32x78x2x128xi32, #tpu.memory_space<hbm>> -> memref<1x1x1x128xi32, #tpu.memory_space<hbm>>
        %dma_wait3A_52 = tpu.memref_squeeze %dma_wait3A_51 : memref<1x1x1x128xi32, #tpu.memory_space<hbm>> -> memref<128xi32, #tpu.memory_space<hbm>>
        tpu.wait_dma2 semaphore(%run_scoped3A_40 : memref<!tpu.dma_semaphore, #tpu.memory_space<semaphore_mem>>) src(%dma_wait3A_52 : memref<128xi32, #tpu.memory_space<hbm>>) dst(%arg7 : memref<128xi32, #tpu.memory_space<vmem>>)
        tpu.yield
      }) : () -> ()
      %run_scoped3A_32 = arith.constant 1 : i32
      %run_scoped3A_33 = arith.constant 0 : i32
      "tpu.region"() ({
        %run_scoped3A_40 = tpu.sem_alloc : memref<!tpu.dma_semaphore, #tpu.memory_space<semaphore_mem>>
        %dma_start3A_41 = arith.constant 0 : i32
        %dma_start3A_42 = tpu.memref_slice %arg8[%run_scoped3A_33, %dma_start3A_41] : memref<1x128xi32, #tpu.memory_space<vmem>> -> memref<1x128xi32, #tpu.memory_space<vmem>>
        %dma_start3A_43 = tpu.memref_squeeze %dma_start3A_42 : memref<1x128xi32, #tpu.memory_space<vmem>> -> memref<128xi32, #tpu.memory_space<vmem>>
        %dma_start3A_44 = arith.constant 0 : i32
        %dma_start3A_45 = tpu.memref_slice %arg2[%add3A, %scan3A_30, %run_scoped3A_32, %dma_start3A_44] : memref<32x78x2x128xi32, #tpu.memory_space<hbm>> -> memref<1x1x1x128xi32, #tpu.memory_space<hbm>>
        %dma_start3A_46 = tpu.memref_squeeze %dma_start3A_45 : memref<1x1x1x128xi32, #tpu.memory_space<hbm>> -> memref<128xi32, #tpu.memory_space<hbm>>
        %dma_start3A_47 = arith.constant 0 : i32
        %dma_start3A_48 = tpu.memref_slice %arg8[%run_scoped3A_33, %dma_start3A_47] : memref<1x128xi32, #tpu.memory_space<vmem>> -> memref<1x128xi32, #tpu.memory_space<vmem>>
        %dma_start3A_49 = tpu.memref_squeeze %dma_start3A_48 : memref<1x128xi32, #tpu.memory_space<vmem>> -> memref<128xi32, #tpu.memory_space<vmem>>
        %dma_start3A_50 = arith.constant 0 : i32
        %dma_start3A_51 = tpu.memref_slice %arg2[%add3A, %scan3A_30, %run_scoped3A_32, %dma_start3A_50] : memref<32x78x2x128xi32, #tpu.memory_space<hbm>> -> memref<1x1x1x128xi32, #tpu.memory_space<hbm>>
        %dma_start3A_52 = tpu.memref_squeeze %dma_start3A_51 : memref<1x1x1x128xi32, #tpu.memory_space<hbm>> -> memref<128xi32, #tpu.memory_space<hbm>>
        tpu.enqueue_dma source(%dma_start3A_52 : memref<128xi32, #tpu.memory_space<hbm>>) target(%dma_start3A_49 : memref<128xi32, #tpu.memory_space<vmem>>) target_semaphore(%run_scoped3A_40 : memref<!tpu.dma_semaphore, #tpu.memory_space<semaphore_mem>>)
        %dma_wait3A_53 = arith.constant 0 : i32
        %dma_wait3A_54 = tpu.memref_slice %arg8[%run_scoped3A_33, %dma_wait3A_53] : memref<1x128xi32, #tpu.memory_space<vmem>> -> memref<1x128xi32, #tpu.memory_space<vmem>>
        %dma_wait3A_55 = tpu.memref_squeeze %dma_wait3A_54 : memref<1x128xi32, #tpu.memory_space<vmem>> -> memref<128xi32, #tpu.memory_space<vmem>>
        %dma_wait3A_56 = arith.constant 0 : i32
        %dma_wait3A_57 = tpu.memref_slice %arg2[%add3A, %scan3A_30, %run_scoped3A_32, %dma_wait3A_56] : memref<32x78x2x128xi32, #tpu.memory_space<hbm>> -> memref<1x1x1x128xi32, #tpu.memory_space<hbm>>
        %dma_wait3A_58 = tpu.memref_squeeze %dma_wait3A_57 : memref<1x1x1x128xi32, #tpu.memory_space<hbm>> -> memref<128xi32, #tpu.memory_space<hbm>>
        %dma_wait3A_59 = arith.constant 0 : i32
        %dma_wait3A_60 = tpu.memref_slice %arg8[%run_scoped3A_33, %dma_wait3A_59] : memref<1x128xi32, #tpu.memory_space<vmem>> -> memref<1x128xi32, #tpu.memory_space<vmem>>
        %dma_wait3A_61 = tpu.memref_squeeze %dma_wait3A_60 : memref<1x128xi32, #tpu.memory_space<vmem>> -> memref<128xi32, #tpu.memory_space<vmem>>
        %dma_wait3A_62 = arith.constant 0 : i32
        %dma_wait3A_63 = tpu.memref_slice %arg2[%add3A, %scan3A_30, %run_scoped3A_32, %dma_wait3A_62] : memref<32x78x2x128xi32, #tpu.memory_space<hbm>> -> memref<1x1x1x128xi32, #tpu.memory_space<hbm>>
        %dma_wait3A_64 = tpu.memref_squeeze %dma_wait3A_63 : memref<1x1x1x128xi32, #tpu.memory_space<hbm>> -> memref<128xi32, #tpu.memory_space<hbm>>
        tpu.wait_dma2 semaphore(%run_scoped3A_40 : memref<!tpu.dma_semaphore, #tpu.memory_space<semaphore_mem>>) src(%dma_wait3A_64 : memref<128xi32, #tpu.memory_space<hbm>>) dst(%dma_wait3A_61 : memref<128xi32, #tpu.memory_space<vmem>>)
        tpu.yield
      }) : () -> ()
      %dma_start3A = arith.constant 0 : i32
      %dma_start3A_34 = arith.constant 0 : i32
      %dma_start3A_35 = tpu.memref_slice %arg4[%dma_start3A, %dma_start3A_34] : memref<10000x128xf32, #tpu.memory_space<hbm>> -> memref<10000x128xf32, #tpu.memory_space<hbm>>
      tpu.enqueue_indirect_dma source(%dma_start3A_35 : memref<10000x128xf32, #tpu.memory_space<hbm>>) target(%arg9 : memref<128x128xf32, #tpu.memory_space<vmem>>) offsets(%arg7 : memref<128xi32, #tpu.memory_space<vmem>>) semaphore(%arg10 : memref<!tpu.dma_semaphore, #tpu.memory_space<semaphore_mem>>)
      %dma_wait3A = arith.constant 0 : i32
      %dma_wait3A_36 = arith.constant 0 : i32
      %dma_wait3A_37 = tpu.memref_slice %arg4[%dma_wait3A, %dma_wait3A_36] : memref<10000x128xf32, #tpu.memory_space<hbm>> -> memref<10000x128xf32, #tpu.memory_space<hbm>>
      tpu.wait_indirect_dma semaphore(%arg10 : memref<!tpu.dma_semaphore, #tpu.memory_space<semaphore_mem>>) src(%dma_wait3A_37 : memref<10000x128xf32, #tpu.memory_space<hbm>>) dst(%arg9 : memref<128x128xf32, #tpu.memory_space<vmem>>)
      %run_scoped3A_38 = arith.constant 0 : i32
      "tpu.region"() ({
        %run_scoped3A_40 = tpu.sem_alloc : memref<!tpu.dma_semaphore, #tpu.memory_space<semaphore_mem>>
        %dma_start3A_41 = arith.constant 0 : i32
        %dma_start3A_42 = tpu.memref_slice %arg8[%run_scoped3A_38, %dma_start3A_41] : memref<1x128xi32, #tpu.memory_space<vmem>> -> memref<1x128xi32, #tpu.memory_space<vmem>>
        %dma_start3A_43 = tpu.memref_squeeze %dma_start3A_42 : memref<1x128xi32, #tpu.memory_space<vmem>> -> memref<128xi32, #tpu.memory_space<vmem>>
        %dma_start3A_44 = arith.constant 0 : i32
        %dma_start3A_45 = arith.constant 0 : i32
        %dma_start3A_46 = tpu.memref_slice %arg6[%dma_start3A_44, %dma_start3A_45] : memref<10240x128xf32, #tpu.memory_space<vmem_shared>> -> memref<10240x128xf32, #tpu.memory_space<vmem_shared>>
        tpu.enqueue_indirect_dma source(%arg9 : memref<128x128xf32, #tpu.memory_space<vmem>>) target(%dma_start3A_46 : memref<10240x128xf32, #tpu.memory_space<vmem_shared>>) offsets(%dma_start3A_43 : memref<128xi32, #tpu.memory_space<vmem>>) semaphore(%run_scoped3A_40 : memref<!tpu.dma_semaphore, #tpu.memory_space<semaphore_mem>>) {add = true}
        %dma_wait3A_47 = arith.constant 0 : i32
        %dma_wait3A_48 = tpu.memref_slice %arg8[%run_scoped3A_38, %dma_wait3A_47] : memref<1x128xi32, #tpu.memory_space<vmem>> -> memref<1x128xi32, #tpu.memory_space<vmem>>
        %dma_wait3A_49 = tpu.memref_squeeze %dma_wait3A_48 : memref<1x128xi32, #tpu.memory_space<vmem>> -> memref<128xi32, #tpu.memory_space<vmem>>
        %dma_wait3A_50 = arith.constant 0 : i32
        %dma_wait3A_51 = arith.constant 0 : i32
        %dma_wait3A_52 = tpu.memref_slice %arg6[%dma_wait3A_50, %dma_wait3A_51] : memref<10240x128xf32, #tpu.memory_space<vmem_shared>> -> memref<10240x128xf32, #tpu.memory_space<vmem_shared>>
        tpu.wait_indirect_dma semaphore(%run_scoped3A_40 : memref<!tpu.dma_semaphore, #tpu.memory_space<semaphore_mem>>) src(%arg9 : memref<128x128xf32, #tpu.memory_space<vmem>>) dst(%dma_wait3A_52 : memref<10240x128xf32, #tpu.memory_space<vmem_shared>>)
        tpu.yield
      }) : () -> ()
      %scan3A_39 = arith.constant 0 : i32
      scf.yield %scan3A_39 : i32
    }
    %scan3A_26 = arith.constant 78 : i32
    %lt3A = arith.constant 4 : i32
    %lt3A_27 = arith.cmpi slt, %add3A, %lt3A : i32
    %convert_element_type3A = arith.extui %lt3A_27 : i1 to i32
    %cond3A = arith.constant 0 : i32
    %cond3A_28 = arith.cmpi ne, %convert_element_type3A, %cond3A : i32
    scf.if %cond3A_28 {
      %run_scoped3A = arith.constant 0 : i32
      "tpu.region"() ({
        %run_scoped3A_37 = tpu.sem_alloc : memref<!tpu.dma_semaphore, #tpu.memory_space<semaphore_mem>>
        %dma_start3A_38 = arith.constant 0 : i32
        %dma_start3A_39 = tpu.memref_slice %arg3[%add3A, %run_scoped3A, %dma_start3A_38] : memref<4x2x128xi32, #tpu.memory_space<hbm>> -> memref<1x1x128xi32, #tpu.memory_space<hbm>>
        %dma_start3A_40 = tpu.memref_squeeze %dma_start3A_39 : memref<1x1x128xi32, #tpu.memory_space<hbm>> -> memref<128xi32, #tpu.memory_space<hbm>>
        %dma_start3A_41 = arith.constant 0 : i32
        %dma_start3A_42 = tpu.memref_slice %arg3[%add3A, %run_scoped3A, %dma_start3A_41] : memref<4x2x128xi32, #tpu.memory_space<hbm>> -> memref<1x1x128xi32, #tpu.memory_space<hbm>>
        %dma_start3A_43 = tpu.memref_squeeze %dma_start3A_42 : memref<1x1x128xi32, #tpu.memory_space<hbm>> -> memref<128xi32, #tpu.memory_space<hbm>>
        tpu.enqueue_dma source(%dma_start3A_43 : memref<128xi32, #tpu.memory_space<hbm>>) target(%arg7 : memref<128xi32, #tpu.memory_space<vmem>>) target_semaphore(%run_scoped3A_37 : memref<!tpu.dma_semaphore, #tpu.memory_space<semaphore_mem>>)
        %dma_wait3A_44 = arith.constant 0 : i32
        %dma_wait3A_45 = tpu.memref_slice %arg3[%add3A, %run_scoped3A, %dma_wait3A_44] : memref<4x2x128xi32, #tpu.memory_space<hbm>> -> memref<1x1x128xi32, #tpu.memory_space<hbm>>
        %dma_wait3A_46 = tpu.memref_squeeze %dma_wait3A_45 : memref<1x1x128xi32, #tpu.memory_space<hbm>> -> memref<128xi32, #tpu.memory_space<hbm>>
        %dma_wait3A_47 = arith.constant 0 : i32
        %dma_wait3A_48 = tpu.memref_slice %arg3[%add3A, %run_scoped3A, %dma_wait3A_47] : memref<4x2x128xi32, #tpu.memory_space<hbm>> -> memref<1x1x128xi32, #tpu.memory_space<hbm>>
        %dma_wait3A_49 = tpu.memref_squeeze %dma_wait3A_48 : memref<1x1x128xi32, #tpu.memory_space<hbm>> -> memref<128xi32, #tpu.memory_space<hbm>>
        tpu.wait_dma2 semaphore(%run_scoped3A_37 : memref<!tpu.dma_semaphore, #tpu.memory_space<semaphore_mem>>) src(%dma_wait3A_49 : memref<128xi32, #tpu.memory_space<hbm>>) dst(%arg7 : memref<128xi32, #tpu.memory_space<vmem>>)
        tpu.yield
      }) : () -> ()
      %run_scoped3A_30 = arith.constant 1 : i32
      %run_scoped3A_31 = arith.constant 0 : i32
      "tpu.region"() ({
        %run_scoped3A_37 = tpu.sem_alloc : memref<!tpu.dma_semaphore, #tpu.memory_space<semaphore_mem>>
        %dma_start3A_38 = arith.constant 0 : i32
        %dma_start3A_39 = tpu.memref_slice %arg8[%run_scoped3A_31, %dma_start3A_38] : memref<1x128xi32, #tpu.memory_space<vmem>> -> memref<1x128xi32, #tpu.memory_space<vmem>>
        %dma_start3A_40 = tpu.memref_squeeze %dma_start3A_39 : memref<1x128xi32, #tpu.memory_space<vmem>> -> memref<128xi32, #tpu.memory_space<vmem>>
        %dma_start3A_41 = arith.constant 0 : i32
        %dma_start3A_42 = tpu.memref_slice %arg3[%add3A, %run_scoped3A_30, %dma_start3A_41] : memref<4x2x128xi32, #tpu.memory_space<hbm>> -> memref<1x1x128xi32, #tpu.memory_space<hbm>>
        %dma_start3A_43 = tpu.memref_squeeze %dma_start3A_42 : memref<1x1x128xi32, #tpu.memory_space<hbm>> -> memref<128xi32, #tpu.memory_space<hbm>>
        %dma_start3A_44 = arith.constant 0 : i32
        %dma_start3A_45 = tpu.memref_slice %arg8[%run_scoped3A_31, %dma_start3A_44] : memref<1x128xi32, #tpu.memory_space<vmem>> -> memref<1x128xi32, #tpu.memory_space<vmem>>
        %dma_start3A_46 = tpu.memref_squeeze %dma_start3A_45 : memref<1x128xi32, #tpu.memory_space<vmem>> -> memref<128xi32, #tpu.memory_space<vmem>>
        %dma_start3A_47 = arith.constant 0 : i32
        %dma_start3A_48 = tpu.memref_slice %arg3[%add3A, %run_scoped3A_30, %dma_start3A_47] : memref<4x2x128xi32, #tpu.memory_space<hbm>> -> memref<1x1x128xi32, #tpu.memory_space<hbm>>
        %dma_start3A_49 = tpu.memref_squeeze %dma_start3A_48 : memref<1x1x128xi32, #tpu.memory_space<hbm>> -> memref<128xi32, #tpu.memory_space<hbm>>
        tpu.enqueue_dma source(%dma_start3A_49 : memref<128xi32, #tpu.memory_space<hbm>>) target(%dma_start3A_46 : memref<128xi32, #tpu.memory_space<vmem>>) target_semaphore(%run_scoped3A_37 : memref<!tpu.dma_semaphore, #tpu.memory_space<semaphore_mem>>)
        %dma_wait3A_50 = arith.constant 0 : i32
        %dma_wait3A_51 = tpu.memref_slice %arg8[%run_scoped3A_31, %dma_wait3A_50] : memref<1x128xi32, #tpu.memory_space<vmem>> -> memref<1x128xi32, #tpu.memory_space<vmem>>
        %dma_wait3A_52 = tpu.memref_squeeze %dma_wait3A_51 : memref<1x128xi32, #tpu.memory_space<vmem>> -> memref<128xi32, #tpu.memory_space<vmem>>
        %dma_wait3A_53 = arith.constant 0 : i32
        %dma_wait3A_54 = tpu.memref_slice %arg3[%add3A, %run_scoped3A_30, %dma_wait3A_53] : memref<4x2x128xi32, #tpu.memory_space<hbm>> -> memref<1x1x128xi32, #tpu.memory_space<hbm>>
        %dma_wait3A_55 = tpu.memref_squeeze %dma_wait3A_54 : memref<1x1x128xi32, #tpu.memory_space<hbm>> -> memref<128xi32, #tpu.memory_space<hbm>>
        %dma_wait3A_56 = arith.constant 0 : i32
        %dma_wait3A_57 = tpu.memref_slice %arg8[%run_scoped3A_31, %dma_wait3A_56] : memref<1x128xi32, #tpu.memory_space<vmem>> -> memref<1x128xi32, #tpu.memory_space<vmem>>
        %dma_wait3A_58 = tpu.memref_squeeze %dma_wait3A_57 : memref<1x128xi32, #tpu.memory_space<vmem>> -> memref<128xi32, #tpu.memory_space<vmem>>
        %dma_wait3A_59 = arith.constant 0 : i32
        %dma_wait3A_60 = tpu.memref_slice %arg3[%add3A, %run_scoped3A_30, %dma_wait3A_59] : memref<4x2x128xi32, #tpu.memory_space<hbm>> -> memref<1x1x128xi32, #tpu.memory_space<hbm>>
        %dma_wait3A_61 = tpu.memref_squeeze %dma_wait3A_60 : memref<1x1x128xi32, #tpu.memory_space<hbm>> -> memref<128xi32, #tpu.memory_space<hbm>>
        tpu.wait_dma2 semaphore(%run_scoped3A_37 : memref<!tpu.dma_semaphore, #tpu.memory_space<semaphore_mem>>) src(%dma_wait3A_61 : memref<128xi32, #tpu.memory_space<hbm>>) dst(%dma_wait3A_58 : memref<128xi32, #tpu.memory_space<vmem>>)
        tpu.yield
      }) : () -> ()
      %dma_start3A = arith.constant 0 : i32
      %dma_start3A_32 = arith.constant 0 : i32
      %dma_start3A_33 = tpu.memref_slice %arg4[%dma_start3A, %dma_start3A_32] : memref<10000x128xf32, #tpu.memory_space<hbm>> -> memref<10000x128xf32, #tpu.memory_space<hbm>>
      tpu.enqueue_indirect_dma source(%dma_start3A_33 : memref<10000x128xf32, #tpu.memory_space<hbm>>) target(%arg9 : memref<128x128xf32, #tpu.memory_space<vmem>>) offsets(%arg7 : memref<128xi32, #tpu.memory_space<vmem>>) semaphore(%arg10 : memref<!tpu.dma_semaphore, #tpu.memory_space<semaphore_mem>>)
      %dma_wait3A = arith.constant 0 : i32
      %dma_wait3A_34 = arith.constant 0 : i32
      %dma_wait3A_35 = tpu.memref_slice %arg4[%dma_wait3A, %dma_wait3A_34] : memref<10000x128xf32, #tpu.memory_space<hbm>> -> memref<10000x128xf32, #tpu.memory_space<hbm>>
      tpu.wait_indirect_dma semaphore(%arg10 : memref<!tpu.dma_semaphore, #tpu.memory_space<semaphore_mem>>) src(%dma_wait3A_35 : memref<10000x128xf32, #tpu.memory_space<hbm>>) dst(%arg9 : memref<128x128xf32, #tpu.memory_space<vmem>>)
      %run_scoped3A_36 = arith.constant 0 : i32
      "tpu.region"() ({
        %run_scoped3A_37 = tpu.sem_alloc : memref<!tpu.dma_semaphore, #tpu.memory_space<semaphore_mem>>
        %dma_start3A_38 = arith.constant 0 : i32
        %dma_start3A_39 = tpu.memref_slice %arg8[%run_scoped3A_36, %dma_start3A_38] : memref<1x128xi32, #tpu.memory_space<vmem>> -> memref<1x128xi32, #tpu.memory_space<vmem>>
        %dma_start3A_40 = tpu.memref_squeeze %dma_start3A_39 : memref<1x128xi32, #tpu.memory_space<vmem>> -> memref<128xi32, #tpu.memory_space<vmem>>
        %dma_start3A_41 = arith.constant 0 : i32
        %dma_start3A_42 = arith.constant 0 : i32
        %dma_start3A_43 = tpu.memref_slice %arg6[%dma_start3A_41, %dma_start3A_42] : memref<10240x128xf32, #tpu.memory_space<vmem_shared>> -> memref<10240x128xf32, #tpu.memory_space<vmem_shared>>
        tpu.enqueue_indirect_dma source(%arg9 : memref<128x128xf32, #tpu.memory_space<vmem>>) target(%dma_start3A_43 : memref<10240x128xf32, #tpu.memory_space<vmem_shared>>) offsets(%dma_start3A_40 : memref<128xi32, #tpu.memory_space<vmem>>) semaphore(%run_scoped3A_37 : memref<!tpu.dma_semaphore, #tpu.memory_space<semaphore_mem>>) {add = true}
        %dma_wait3A_44 = arith.constant 0 : i32
        %dma_wait3A_45 = tpu.memref_slice %arg8[%run_scoped3A_36, %dma_wait3A_44] : memref<1x128xi32, #tpu.memory_space<vmem>> -> memref<1x128xi32, #tpu.memory_space<vmem>>
        %dma_wait3A_46 = tpu.memref_squeeze %dma_wait3A_45 : memref<1x128xi32, #tpu.memory_space<vmem>> -> memref<128xi32, #tpu.memory_space<vmem>>
        %dma_wait3A_47 = arith.constant 0 : i32
        %dma_wait3A_48 = arith.constant 0 : i32
        %dma_wait3A_49 = tpu.memref_slice %arg6[%dma_wait3A_47, %dma_wait3A_48] : memref<10240x128xf32, #tpu.memory_space<vmem_shared>> -> memref<10240x128xf32, #tpu.memory_space<vmem_shared>>
        tpu.wait_indirect_dma semaphore(%run_scoped3A_37 : memref<!tpu.dma_semaphore, #tpu.memory_space<semaphore_mem>>) src(%arg9 : memref<128x128xf32, #tpu.memory_space<vmem>>) dst(%dma_wait3A_49 : memref<10240x128xf32, #tpu.memory_space<vmem_shared>>)
        tpu.yield
      }) : () -> ()
    } else {
    }
    %barrier3A_29 = arith.constant 0 : index
    tpu.barrier barrier_id(%barrier3A_29)
    "tpu.region"() ({
      %run_scoped3A = tpu.sem_alloc : memref<!tpu.dma_semaphore, #tpu.memory_space<semaphore_mem>>
      %dma_start3A = arith.constant 0 : i32
      %dma_start3A_30 = tpu.memref_slice %arg5[%arg0, %mul3A_9, %dma_start3A] : memref<2x10240x128xf32, #tpu.memory_space<hbm>> -> memref<1x640x128xf32, #tpu.memory_space<hbm>>
      %dma_start3A_31 = tpu.memref_squeeze %dma_start3A_30 : memref<1x640x128xf32, #tpu.memory_space<hbm>> -> memref<640x128xf32, #tpu.memory_space<hbm>>
      %dma_start3A_32 = arith.constant 0 : i32
      %dma_start3A_33 = tpu.memref_slice %arg6[%mul3A_9, %dma_start3A_32] : memref<10240x128xf32, #tpu.memory_space<vmem_shared>> -> memref<640x128xf32, #tpu.memory_space<vmem_shared>>
      tpu.enqueue_dma source(%dma_start3A_33 : memref<640x128xf32, #tpu.memory_space<vmem_shared>>) target(%dma_start3A_31 : memref<640x128xf32, #tpu.memory_space<hbm>>) target_semaphore(%run_scoped3A : memref<!tpu.dma_semaphore, #tpu.memory_space<semaphore_mem>>)
      %dma_wait3A = arith.constant 0 : i32
      %dma_wait3A_34 = tpu.memref_slice %arg5[%arg0, %mul3A_9, %dma_wait3A] : memref<2x10240x128xf32, #tpu.memory_space<hbm>> -> memref<1x640x128xf32, #tpu.memory_space<hbm>>
      %dma_wait3A_35 = tpu.memref_squeeze %dma_wait3A_34 : memref<1x640x128xf32, #tpu.memory_space<hbm>> -> memref<640x128xf32, #tpu.memory_space<hbm>>
      %dma_wait3A_36 = arith.constant 0 : i32
      %dma_wait3A_37 = tpu.memref_slice %arg6[%mul3A_9, %dma_wait3A_36] : memref<10240x128xf32, #tpu.memory_space<vmem_shared>> -> memref<640x128xf32, #tpu.memory_space<vmem_shared>>
      tpu.wait_dma2 semaphore(%run_scoped3A : memref<!tpu.dma_semaphore, #tpu.memory_space<semaphore_mem>>) src(%dma_wait3A_37 : memref<640x128xf32, #tpu.memory_space<vmem_shared>>) dst(%dma_wait3A_35 : memref<640x128xf32, #tpu.memory_space<hbm>>)
      tpu.yield
    }) : () -> ()
    return
  }
}

#map = affine_map<(d0, d1) -> (0, 0, 0, 0)>
#map1 = affine_map<(d0, d1) -> (0, 0, 0)>
#map2 = affine_map<(d0, d1) -> (0, 0)>
module attributes {stable_mosaic.version = 14 : i64} {
  func.func @_sc_aggregate(%arg0: i32, %arg1: i32, %arg2: memref<32x78x2x128xi32, #tpu.memory_space<hbm>>, %arg3: memref<4x2x128xi32, #tpu.memory_space<hbm>>, %arg4: memref<10000x128xf32, #tpu.memory_space<hbm>>, %arg5: memref<2x10240x128xf32, #tpu.memory_space<hbm>>, %arg6: memref<10240x128xf32, #tpu.memory_space<vmem_shared>>, %arg7: memref<128xi32, #tpu.memory_space<vmem>>, %arg8: memref<1x128xi32, #tpu.memory_space<vmem>>, %arg9: memref<128x128xf32, #tpu.memory_space<vmem>>, %arg10: memref<!tpu.dma_semaphore, #tpu.memory_space<semaphore_mem>>) attributes {dimension_semantics = [#tpu.dimension_semantics<core_parallel>, #tpu.dimension_semantics<subcore_parallel>], iteration_bounds = array<i64: 2, 16>, scalar_prefetch = 0 : i64, scratch_operands = 5 : i64, tpu.core_type = #tpu.core_type<sc_vector_subcore>, window_params = [{transform_indices = #map}, {transform_indices = #map1}, {transform_indices = #map2}, {transform_indices = #map1}]} {
    %mul3A = arith.constant 2 : i32
    %mul3A_0 = arith.muli %arg1, %mul3A : i32
    %add3A = arith.addi %mul3A_0, %arg0 : i32
    %broadcast_in_dim3A = arith.constant 0.000000e+00 : f32
    %broadcast_in_dim3A_1 = vector.broadcast %broadcast_in_dim3A : f32 to vector<16xf32>
    %scan3A = arith.constant 0 : i32
    %scan3A_2 = arith.constant 0 : i32
    %scan3A_3 = arith.constant 128 : i32
    %scan3A_4 = arith.addi %scan3A_2, %scan3A_3 : i32
    %scan3A_5 = arith.constant 1 : i32
    %scan3A_6 = scf.for %scan3A_30 = %scan3A_2 to %scan3A_4 step %scan3A_5 iter_args(%scan3A_31 = %scan3A) -> (i32)  : i32 {
      %swap3A = arith.index_cast %scan3A_30 : i32 to index
      %swap3A_32 = arith.constant 0 : index
      %swap3A_33 = tpu.vector_load %arg9[%swap3A, %swap3A_32] {strides = array<i32>} : memref<128x128xf32, #tpu.memory_space<vmem>>, vector<1x16xf32>,
      %swap3A_34 = vector.shape_cast %swap3A_33 : vector<1x16xf32> to vector<16xf32>
      %swap3A_35 = vector.shape_cast %broadcast_in_dim3A_1 : vector<16xf32> to vector<1x16xf32>
      tpu.vector_store %arg9[%swap3A, %swap3A_32], %swap3A_35 {strides = array<i32>} : memref<128x128xf32, #tpu.memory_space<vmem>>, vector<1x16xf32>,
      %swap3A_36 = arith.index_cast %scan3A_30 : i32 to index
      %swap3A_37 = arith.constant 16 : index
      %swap3A_38 = tpu.vector_load %arg9[%swap3A_36, %swap3A_37] {strides = array<i32>} : memref<128x128xf32, #tpu.memory_space<vmem>>, vector<1x16xf32>,
      %swap3A_39 = vector.shape_cast %swap3A_38 : vector<1x16xf32> to vector<16xf32>
      %swap3A_40 = vector.shape_cast %broadcast_in_dim3A_1 : vector<16xf32> to vector<1x16xf32>
      tpu.vector_store %arg9[%swap3A_36, %swap3A_37], %swap3A_40 {strides = array<i32>} : memref<128x128xf32, #tpu.memory_space<vmem>>, vector<1x16xf32>,
      %swap3A_41 = arith.index_cast %scan3A_30 : i32 to index
      %swap3A_42 = arith.constant 32 : index
      %swap3A_43 = tpu.vector_load %arg9[%swap3A_41, %swap3A_42] {strides = array<i32>} : memref<128x128xf32, #tpu.memory_space<vmem>>, vector<1x16xf32>,
      %swap3A_44 = vector.shape_cast %swap3A_43 : vector<1x16xf32> to vector<16xf32>
      %swap3A_45 = vector.shape_cast %broadcast_in_dim3A_1 : vector<16xf32> to vector<1x16xf32>
      tpu.vector_store %arg9[%swap3A_41, %swap3A_42], %swap3A_45 {strides = array<i32>} : memref<128x128xf32, #tpu.memory_space<vmem>>, vector<1x16xf32>,
      %swap3A_46 = arith.index_cast %scan3A_30 : i32 to index
      %swap3A_47 = arith.constant 48 : index
      %swap3A_48 = tpu.vector_load %arg9[%swap3A_46, %swap3A_47] {strides = array<i32>} : memref<128x128xf32, #tpu.memory_space<vmem>>, vector<1x16xf32>,
      %swap3A_49 = vector.shape_cast %swap3A_48 : vector<1x16xf32> to vector<16xf32>
      %swap3A_50 = vector.shape_cast %broadcast_in_dim3A_1 : vector<16xf32> to vector<1x16xf32>
      tpu.vector_store %arg9[%swap3A_46, %swap3A_47], %swap3A_50 {strides = array<i32>} : memref<128x128xf32, #tpu.memory_space<vmem>>, vector<1x16xf32>,
      %swap3A_51 = arith.index_cast %scan3A_30 : i32 to index
      %swap3A_52 = arith.constant 64 : index
      %swap3A_53 = tpu.vector_load %arg9[%swap3A_51, %swap3A_52] {strides = array<i32>} : memref<128x128xf32, #tpu.memory_space<vmem>>, vector<1x16xf32>,
      %swap3A_54 = vector.shape_cast %swap3A_53 : vector<1x16xf32> to vector<16xf32>
      %swap3A_55 = vector.shape_cast %broadcast_in_dim3A_1 : vector<16xf32> to vector<1x16xf32>
      tpu.vector_store %arg9[%swap3A_51, %swap3A_52], %swap3A_55 {strides = array<i32>} : memref<128x128xf32, #tpu.memory_space<vmem>>, vector<1x16xf32>,
      %swap3A_56 = arith.index_cast %scan3A_30 : i32 to index
      %swap3A_57 = arith.constant 80 : index
      %swap3A_58 = tpu.vector_load %arg9[%swap3A_56, %swap3A_57] {strides = array<i32>} : memref<128x128xf32, #tpu.memory_space<vmem>>, vector<1x16xf32>,
      %swap3A_59 = vector.shape_cast %swap3A_58 : vector<1x16xf32> to vector<16xf32>
      %swap3A_60 = vector.shape_cast %broadcast_in_dim3A_1 : vector<16xf32> to vector<1x16xf32>
      tpu.vector_store %arg9[%swap3A_56, %swap3A_57], %swap3A_60 {strides = array<i32>} : memref<128x128xf32, #tpu.memory_space<vmem>>, vector<1x16xf32>,
      %swap3A_61 = arith.index_cast %scan3A_30 : i32 to index
      %swap3A_62 = arith.constant 96 : index
      %swap3A_63 = tpu.vector_load %arg9[%swap3A_61, %swap3A_62] {strides = array<i32>} : memref<128x128xf32, #tpu.memory_space<vmem>>, vector<1x16xf32>,
      %swap3A_64 = vector.shape_cast %swap3A_63 : vector<1x16xf32> to vector<16xf32>
      %swap3A_65 = vector.shape_cast %broadcast_in_dim3A_1 : vector<16xf32> to vector<1x16xf32>
      tpu.vector_store %arg9[%swap3A_61, %swap3A_62], %swap3A_65 {strides = array<i32>} : memref<128x128xf32, #tpu.memory_space<vmem>>, vector<1x16xf32>,
      %swap3A_66 = arith.index_cast %scan3A_30 : i32 to index
      %swap3A_67 = arith.constant 112 : index
      %swap3A_68 = tpu.vector_load %arg9[%swap3A_66, %swap3A_67] {strides = array<i32>} : memref<128x128xf32, #tpu.memory_space<vmem>>, vector<1x16xf32>,
      %swap3A_69 = vector.shape_cast %swap3A_68 : vector<1x16xf32> to vector<16xf32>
      %swap3A_70 = vector.shape_cast %broadcast_in_dim3A_1 : vector<16xf32> to vector<1x16xf32>
      tpu.vector_store %arg9[%swap3A_66, %swap3A_67], %swap3A_70 {strides = array<i32>} : memref<128x128xf32, #tpu.memory_space<vmem>>, vector<1x16xf32>,
      %scan3A_71 = arith.constant 0 : i32
      scf.yield %scan3A_71 : i32
    }
    %scan3A_7 = arith.constant 128 : i32
    %mul3A_8 = arith.constant 640 : i32
    %mul3A_9 = arith.muli %arg1, %mul3A_8 : i32
    %add3A_10 = arith.constant 0 : i32
    %add3A_11 = arith.addi %mul3A_9, %add3A_10 : i32
    "tpu.region"() ({
      %run_scoped3A = tpu.sem_alloc : memref<!tpu.dma_semaphore, #tpu.memory_space<semaphore_mem>>
      %dma_start3A = arith.constant 0 : i32
      %dma_start3A_30 = arith.constant 0 : i32
      %dma_start3A_31 = tpu.memref_slice %arg9[%dma_start3A, %dma_start3A_30] : memref<128x128xf32, #tpu.memory_space<vmem>> -> memref<128x128xf32, #tpu.memory_space<vmem>>
      %dma_start3A_32 = arith.constant 0 : i32
      %dma_start3A_33 = tpu.memref_slice %arg6[%add3A_11, %dma_start3A_32] : memref<10240x128xf32, #tpu.memory_space<vmem_shared>> -> memref<128x128xf32, #tpu.memory_space<vmem_shared>>
      %dma_start3A_34 = arith.constant 0 : i32
      %dma_start3A_35 = tpu.memref_slice %arg6[%add3A_11, %dma_start3A_34] : memref<10240x128xf32, #tpu.memory_space<vmem_shared>> -> memref<128x128xf32, #tpu.memory_space<vmem_shared>>
      %dma_start3A_36 = arith.constant 0 : i32
      %dma_start3A_37 = arith.constant 0 : i32
      %dma_start3A_38 = tpu.memref_slice %arg9[%dma_start3A_36, %dma_start3A_37] : memref<128x128xf32, #tpu.memory_space<vmem>> -> memref<128x128xf32, #tpu.memory_space<vmem>>
      tpu.enqueue_dma source(%dma_start3A_38 : memref<128x128xf32, #tpu.memory_space<vmem>>) target(%dma_start3A_35 : memref<128x128xf32, #tpu.memory_space<vmem_shared>>) target_semaphore(%run_scoped3A : memref<!tpu.dma_semaphore, #tpu.memory_space<semaphore_mem>>)
      %dma_wait3A = arith.constant 0 : i32
      %dma_wait3A_39 = arith.constant 0 : i32
      %dma_wait3A_40 = tpu.memref_slice %arg9[%dma_wait3A, %dma_wait3A_39] : memref<128x128xf32, #tpu.memory_space<vmem>> -> memref<128x128xf32, #tpu.memory_space<vmem>>
      %dma_wait3A_41 = arith.constant 0 : i32
      %dma_wait3A_42 = tpu.memref_slice %arg6[%add3A_11, %dma_wait3A_41] : memref<10240x128xf32, #tpu.memory_space<vmem_shared>> -> memref<128x128xf32, #tpu.memory_space<vmem_shared>>
      %dma_wait3A_43 = arith.constant 0 : i32
      %dma_wait3A_44 = tpu.memref_slice %arg6[%add3A_11, %dma_wait3A_43] : memref<10240x128xf32, #tpu.memory_space<vmem_shared>> -> memref<128x128xf32, #tpu.memory_space<vmem_shared>>
      %dma_wait3A_45 = arith.constant 0 : i32
      %dma_wait3A_46 = arith.constant 0 : i32
      %dma_wait3A_47 = tpu.memref_slice %arg9[%dma_wait3A_45, %dma_wait3A_46] : memref<128x128xf32, #tpu.memory_space<vmem>> -> memref<128x128xf32, #tpu.memory_space<vmem>>
      tpu.wait_dma2 semaphore(%run_scoped3A : memref<!tpu.dma_semaphore, #tpu.memory_space<semaphore_mem>>) src(%dma_wait3A_47 : memref<128x128xf32, #tpu.memory_space<vmem>>) dst(%dma_wait3A_44 : memref<128x128xf32, #tpu.memory_space<vmem_shared>>)
      tpu.yield
    }) : () -> ()
    %add3A_12 = arith.constant 128 : i32
    %add3A_13 = arith.addi %mul3A_9, %add3A_12 : i32
    "tpu.region"() ({
      %run_scoped3A = tpu.sem_alloc : memref<!tpu.dma_semaphore, #tpu.memory_space<semaphore_mem>>
      %dma_start3A = arith.constant 0 : i32
      %dma_start3A_30 = arith.constant 0 : i32
      %dma_start3A_31 = tpu.memref_slice %arg9[%dma_start3A, %dma_start3A_30] : memref<128x128xf32, #tpu.memory_space<vmem>> -> memref<128x128xf32, #tpu.memory_space<vmem>>
      %dma_start3A_32 = arith.constant 0 : i32
      %dma_start3A_33 = tpu.memref_slice %arg6[%add3A_13, %dma_start3A_32] : memref<10240x128xf32, #tpu.memory_space<vmem_shared>> -> memref<128x128xf32, #tpu.memory_space<vmem_shared>>
      %dma_start3A_34 = arith.constant 0 : i32
      %dma_start3A_35 = tpu.memref_slice %arg6[%add3A_13, %dma_start3A_34] : memref<10240x128xf32, #tpu.memory_space<vmem_shared>> -> memref<128x128xf32, #tpu.memory_space<vmem_shared>>
      %dma_start3A_36 = arith.constant 0 : i32
      %dma_start3A_37 = arith.constant 0 : i32
      %dma_start3A_38 = tpu.memref_slice %arg9[%dma_start3A_36, %dma_start3A_37] : memref<128x128xf32, #tpu.memory_space<vmem>> -> memref<128x128xf32, #tpu.memory_space<vmem>>
      tpu.enqueue_dma source(%dma_start3A_38 : memref<128x128xf32, #tpu.memory_space<vmem>>) target(%dma_start3A_35 : memref<128x128xf32, #tpu.memory_space<vmem_shared>>) target_semaphore(%run_scoped3A : memref<!tpu.dma_semaphore, #tpu.memory_space<semaphore_mem>>)
      %dma_wait3A = arith.constant 0 : i32
      %dma_wait3A_39 = arith.constant 0 : i32
      %dma_wait3A_40 = tpu.memref_slice %arg9[%dma_wait3A, %dma_wait3A_39] : memref<128x128xf32, #tpu.memory_space<vmem>> -> memref<128x128xf32, #tpu.memory_space<vmem>>
      %dma_wait3A_41 = arith.constant 0 : i32
      %dma_wait3A_42 = tpu.memref_slice %arg6[%add3A_13, %dma_wait3A_41] : memref<10240x128xf32, #tpu.memory_space<vmem_shared>> -> memref<128x128xf32, #tpu.memory_space<vmem_shared>>
      %dma_wait3A_43 = arith.constant 0 : i32
      %dma_wait3A_44 = tpu.memref_slice %arg6[%add3A_13, %dma_wait3A_43] : memref<10240x128xf32, #tpu.memory_space<vmem_shared>> -> memref<128x128xf32, #tpu.memory_space<vmem_shared>>
      %dma_wait3A_45 = arith.constant 0 : i32
      %dma_wait3A_46 = arith.constant 0 : i32
      %dma_wait3A_47 = tpu.memref_slice %arg9[%dma_wait3A_45, %dma_wait3A_46] : memref<128x128xf32, #tpu.memory_space<vmem>> -> memref<128x128xf32, #tpu.memory_space<vmem>>
      tpu.wait_dma2 semaphore(%run_scoped3A : memref<!tpu.dma_semaphore, #tpu.memory_space<semaphore_mem>>) src(%dma_wait3A_47 : memref<128x128xf32, #tpu.memory_space<vmem>>) dst(%dma_wait3A_44 : memref<128x128xf32, #tpu.memory_space<vmem_shared>>)
      tpu.yield
    }) : () -> ()
    %add3A_14 = arith.constant 256 : i32
    %add3A_15 = arith.addi %mul3A_9, %add3A_14 : i32
    "tpu.region"() ({
      %run_scoped3A = tpu.sem_alloc : memref<!tpu.dma_semaphore, #tpu.memory_space<semaphore_mem>>
      %dma_start3A = arith.constant 0 : i32
      %dma_start3A_30 = arith.constant 0 : i32
      %dma_start3A_31 = tpu.memref_slice %arg9[%dma_start3A, %dma_start3A_30] : memref<128x128xf32, #tpu.memory_space<vmem>> -> memref<128x128xf32, #tpu.memory_space<vmem>>
      %dma_start3A_32 = arith.constant 0 : i32
      %dma_start3A_33 = tpu.memref_slice %arg6[%add3A_15, %dma_start3A_32] : memref<10240x128xf32, #tpu.memory_space<vmem_shared>> -> memref<128x128xf32, #tpu.memory_space<vmem_shared>>
      %dma_start3A_34 = arith.constant 0 : i32
      %dma_start3A_35 = tpu.memref_slice %arg6[%add3A_15, %dma_start3A_34] : memref<10240x128xf32, #tpu.memory_space<vmem_shared>> -> memref<128x128xf32, #tpu.memory_space<vmem_shared>>
      %dma_start3A_36 = arith.constant 0 : i32
      %dma_start3A_37 = arith.constant 0 : i32
      %dma_start3A_38 = tpu.memref_slice %arg9[%dma_start3A_36, %dma_start3A_37] : memref<128x128xf32, #tpu.memory_space<vmem>> -> memref<128x128xf32, #tpu.memory_space<vmem>>
      tpu.enqueue_dma source(%dma_start3A_38 : memref<128x128xf32, #tpu.memory_space<vmem>>) target(%dma_start3A_35 : memref<128x128xf32, #tpu.memory_space<vmem_shared>>) target_semaphore(%run_scoped3A : memref<!tpu.dma_semaphore, #tpu.memory_space<semaphore_mem>>)
      %dma_wait3A = arith.constant 0 : i32
      %dma_wait3A_39 = arith.constant 0 : i32
      %dma_wait3A_40 = tpu.memref_slice %arg9[%dma_wait3A, %dma_wait3A_39] : memref<128x128xf32, #tpu.memory_space<vmem>> -> memref<128x128xf32, #tpu.memory_space<vmem>>
      %dma_wait3A_41 = arith.constant 0 : i32
      %dma_wait3A_42 = tpu.memref_slice %arg6[%add3A_15, %dma_wait3A_41] : memref<10240x128xf32, #tpu.memory_space<vmem_shared>> -> memref<128x128xf32, #tpu.memory_space<vmem_shared>>
      %dma_wait3A_43 = arith.constant 0 : i32
      %dma_wait3A_44 = tpu.memref_slice %arg6[%add3A_15, %dma_wait3A_43] : memref<10240x128xf32, #tpu.memory_space<vmem_shared>> -> memref<128x128xf32, #tpu.memory_space<vmem_shared>>
      %dma_wait3A_45 = arith.constant 0 : i32
      %dma_wait3A_46 = arith.constant 0 : i32
      %dma_wait3A_47 = tpu.memref_slice %arg9[%dma_wait3A_45, %dma_wait3A_46] : memref<128x128xf32, #tpu.memory_space<vmem>> -> memref<128x128xf32, #tpu.memory_space<vmem>>
      tpu.wait_dma2 semaphore(%run_scoped3A : memref<!tpu.dma_semaphore, #tpu.memory_space<semaphore_mem>>) src(%dma_wait3A_47 : memref<128x128xf32, #tpu.memory_space<vmem>>) dst(%dma_wait3A_44 : memref<128x128xf32, #tpu.memory_space<vmem_shared>>)
      tpu.yield
    }) : () -> ()
    %add3A_16 = arith.constant 384 : i32
    %add3A_17 = arith.addi %mul3A_9, %add3A_16 : i32
    "tpu.region"() ({
      %run_scoped3A = tpu.sem_alloc : memref<!tpu.dma_semaphore, #tpu.memory_space<semaphore_mem>>
      %dma_start3A = arith.constant 0 : i32
      %dma_start3A_30 = arith.constant 0 : i32
      %dma_start3A_31 = tpu.memref_slice %arg9[%dma_start3A, %dma_start3A_30] : memref<128x128xf32, #tpu.memory_space<vmem>> -> memref<128x128xf32, #tpu.memory_space<vmem>>
      %dma_start3A_32 = arith.constant 0 : i32
      %dma_start3A_33 = tpu.memref_slice %arg6[%add3A_17, %dma_start3A_32] : memref<10240x128xf32, #tpu.memory_space<vmem_shared>> -> memref<128x128xf32, #tpu.memory_space<vmem_shared>>
      %dma_start3A_34 = arith.constant 0 : i32
      %dma_start3A_35 = tpu.memref_slice %arg6[%add3A_17, %dma_start3A_34] : memref<10240x128xf32, #tpu.memory_space<vmem_shared>> -> memref<128x128xf32, #tpu.memory_space<vmem_shared>>
      %dma_start3A_36 = arith.constant 0 : i32
      %dma_start3A_37 = arith.constant 0 : i32
      %dma_start3A_38 = tpu.memref_slice %arg9[%dma_start3A_36, %dma_start3A_37] : memref<128x128xf32, #tpu.memory_space<vmem>> -> memref<128x128xf32, #tpu.memory_space<vmem>>
      tpu.enqueue_dma source(%dma_start3A_38 : memref<128x128xf32, #tpu.memory_space<vmem>>) target(%dma_start3A_35 : memref<128x128xf32, #tpu.memory_space<vmem_shared>>) target_semaphore(%run_scoped3A : memref<!tpu.dma_semaphore, #tpu.memory_space<semaphore_mem>>)
      %dma_wait3A = arith.constant 0 : i32
      %dma_wait3A_39 = arith.constant 0 : i32
      %dma_wait3A_40 = tpu.memref_slice %arg9[%dma_wait3A, %dma_wait3A_39] : memref<128x128xf32, #tpu.memory_space<vmem>> -> memref<128x128xf32, #tpu.memory_space<vmem>>
      %dma_wait3A_41 = arith.constant 0 : i32
      %dma_wait3A_42 = tpu.memref_slice %arg6[%add3A_17, %dma_wait3A_41] : memref<10240x128xf32, #tpu.memory_space<vmem_shared>> -> memref<128x128xf32, #tpu.memory_space<vmem_shared>>
      %dma_wait3A_43 = arith.constant 0 : i32
      %dma_wait3A_44 = tpu.memref_slice %arg6[%add3A_17, %dma_wait3A_43] : memref<10240x128xf32, #tpu.memory_space<vmem_shared>> -> memref<128x128xf32, #tpu.memory_space<vmem_shared>>
      %dma_wait3A_45 = arith.constant 0 : i32
      %dma_wait3A_46 = arith.constant 0 : i32
      %dma_wait3A_47 = tpu.memref_slice %arg9[%dma_wait3A_45, %dma_wait3A_46] : memref<128x128xf32, #tpu.memory_space<vmem>> -> memref<128x128xf32, #tpu.memory_space<vmem>>
      tpu.wait_dma2 semaphore(%run_scoped3A : memref<!tpu.dma_semaphore, #tpu.memory_space<semaphore_mem>>) src(%dma_wait3A_47 : memref<128x128xf32, #tpu.memory_space<vmem>>) dst(%dma_wait3A_44 : memref<128x128xf32, #tpu.memory_space<vmem_shared>>)
      tpu.yield
    }) : () -> ()
    %add3A_18 = arith.constant 512 : i32
    %add3A_19 = arith.addi %mul3A_9, %add3A_18 : i32
    "tpu.region"() ({
      %run_scoped3A = tpu.sem_alloc : memref<!tpu.dma_semaphore, #tpu.memory_space<semaphore_mem>>
      %dma_start3A = arith.constant 0 : i32
      %dma_start3A_30 = arith.constant 0 : i32
      %dma_start3A_31 = tpu.memref_slice %arg9[%dma_start3A, %dma_start3A_30] : memref<128x128xf32, #tpu.memory_space<vmem>> -> memref<128x128xf32, #tpu.memory_space<vmem>>
      %dma_start3A_32 = arith.constant 0 : i32
      %dma_start3A_33 = tpu.memref_slice %arg6[%add3A_19, %dma_start3A_32] : memref<10240x128xf32, #tpu.memory_space<vmem_shared>> -> memref<128x128xf32, #tpu.memory_space<vmem_shared>>
      %dma_start3A_34 = arith.constant 0 : i32
      %dma_start3A_35 = tpu.memref_slice %arg6[%add3A_19, %dma_start3A_34] : memref<10240x128xf32, #tpu.memory_space<vmem_shared>> -> memref<128x128xf32, #tpu.memory_space<vmem_shared>>
      %dma_start3A_36 = arith.constant 0 : i32
      %dma_start3A_37 = arith.constant 0 : i32
      %dma_start3A_38 = tpu.memref_slice %arg9[%dma_start3A_36, %dma_start3A_37] : memref<128x128xf32, #tpu.memory_space<vmem>> -> memref<128x128xf32, #tpu.memory_space<vmem>>
      tpu.enqueue_dma source(%dma_start3A_38 : memref<128x128xf32, #tpu.memory_space<vmem>>) target(%dma_start3A_35 : memref<128x128xf32, #tpu.memory_space<vmem_shared>>) target_semaphore(%run_scoped3A : memref<!tpu.dma_semaphore, #tpu.memory_space<semaphore_mem>>)
      %dma_wait3A = arith.constant 0 : i32
      %dma_wait3A_39 = arith.constant 0 : i32
      %dma_wait3A_40 = tpu.memref_slice %arg9[%dma_wait3A, %dma_wait3A_39] : memref<128x128xf32, #tpu.memory_space<vmem>> -> memref<128x128xf32, #tpu.memory_space<vmem>>
      %dma_wait3A_41 = arith.constant 0 : i32
      %dma_wait3A_42 = tpu.memref_slice %arg6[%add3A_19, %dma_wait3A_41] : memref<10240x128xf32, #tpu.memory_space<vmem_shared>> -> memref<128x128xf32, #tpu.memory_space<vmem_shared>>
      %dma_wait3A_43 = arith.constant 0 : i32
      %dma_wait3A_44 = tpu.memref_slice %arg6[%add3A_19, %dma_wait3A_43] : memref<10240x128xf32, #tpu.memory_space<vmem_shared>> -> memref<128x128xf32, #tpu.memory_space<vmem_shared>>
      %dma_wait3A_45 = arith.constant 0 : i32
      %dma_wait3A_46 = arith.constant 0 : i32
      %dma_wait3A_47 = tpu.memref_slice %arg9[%dma_wait3A_45, %dma_wait3A_46] : memref<128x128xf32, #tpu.memory_space<vmem>> -> memref<128x128xf32, #tpu.memory_space<vmem>>
      tpu.wait_dma2 semaphore(%run_scoped3A : memref<!tpu.dma_semaphore, #tpu.memory_space<semaphore_mem>>) src(%dma_wait3A_47 : memref<128x128xf32, #tpu.memory_space<vmem>>) dst(%dma_wait3A_44 : memref<128x128xf32, #tpu.memory_space<vmem_shared>>)
      tpu.yield
    }) : () -> ()
    %barrier3A = arith.constant 0 : index
    tpu.barrier barrier_id(%barrier3A)
    %scan3A_20 = arith.constant 0 : i32
    %scan3A_21 = arith.constant 0 : i32
    %scan3A_22 = arith.constant 78 : i32
    %scan3A_23 = arith.addi %scan3A_21, %scan3A_22 : i32
    %scan3A_24 = arith.constant 1 : i32
    %scan3A_25 = scf.for %scan3A_30 = %scan3A_21 to %scan3A_23 step %scan3A_24 iter_args(%scan3A_31 = %scan3A_20) -> (i32)  : i32 {
      %run_scoped3A = arith.constant 0 : i32
      "tpu.region"() ({
        %run_scoped3A_40 = tpu.sem_alloc : memref<!tpu.dma_semaphore, #tpu.memory_space<semaphore_mem>>
        %dma_start3A_41 = arith.constant 0 : i32
        %dma_start3A_42 = tpu.memref_slice %arg2[%add3A, %scan3A_30, %run_scoped3A, %dma_start3A_41] : memref<32x78x2x128xi32, #tpu.memory_space<hbm>> -> memref<1x1x1x128xi32, #tpu.memory_space<hbm>>
        %dma_start3A_43 = tpu.memref_squeeze %dma_start3A_42 : memref<1x1x1x128xi32, #tpu.memory_space<hbm>> -> memref<128xi32, #tpu.memory_space<hbm>>
        %dma_start3A_44 = arith.constant 0 : i32
        %dma_start3A_45 = tpu.memref_slice %arg2[%add3A, %scan3A_30, %run_scoped3A, %dma_start3A_44] : memref<32x78x2x128xi32, #tpu.memory_space<hbm>> -> memref<1x1x1x128xi32, #tpu.memory_space<hbm>>
        %dma_start3A_46 = tpu.memref_squeeze %dma_start3A_45 : memref<1x1x1x128xi32, #tpu.memory_space<hbm>> -> memref<128xi32, #tpu.memory_space<hbm>>
        tpu.enqueue_dma source(%dma_start3A_46 : memref<128xi32, #tpu.memory_space<hbm>>) target(%arg7 : memref<128xi32, #tpu.memory_space<vmem>>) target_semaphore(%run_scoped3A_40 : memref<!tpu.dma_semaphore, #tpu.memory_space<semaphore_mem>>)
        %dma_wait3A_47 = arith.constant 0 : i32
        %dma_wait3A_48 = tpu.memref_slice %arg2[%add3A, %scan3A_30, %run_scoped3A, %dma_wait3A_47] : memref<32x78x2x128xi32, #tpu.memory_space<hbm>> -> memref<1x1x1x128xi32, #tpu.memory_space<hbm>>
        %dma_wait3A_49 = tpu.memref_squeeze %dma_wait3A_48 : memref<1x1x1x128xi32, #tpu.memory_space<hbm>> -> memref<128xi32, #tpu.memory_space<hbm>>
        %dma_wait3A_50 = arith.constant 0 : i32
        %dma_wait3A_51 = tpu.memref_slice %arg2[%add3A, %scan3A_30, %run_scoped3A, %dma_wait3A_50] : memref<32x78x2x128xi32, #tpu.memory_space<hbm>> -> memref<1x1x1x128xi32, #tpu.memory_space<hbm>>
        %dma_wait3A_52 = tpu.memref_squeeze %dma_wait3A_51 : memref<1x1x1x128xi32, #tpu.memory_space<hbm>> -> memref<128xi32, #tpu.memory_space<hbm>>
        tpu.wait_dma2 semaphore(%run_scoped3A_40 : memref<!tpu.dma_semaphore, #tpu.memory_space<semaphore_mem>>) src(%dma_wait3A_52 : memref<128xi32, #tpu.memory_space<hbm>>) dst(%arg7 : memref<128xi32, #tpu.memory_space<vmem>>)
        tpu.yield
      }) : () -> ()
      %run_scoped3A_32 = arith.constant 1 : i32
      %run_scoped3A_33 = arith.constant 0 : i32
      "tpu.region"() ({
        %run_scoped3A_40 = tpu.sem_alloc : memref<!tpu.dma_semaphore, #tpu.memory_space<semaphore_mem>>
        %dma_start3A_41 = arith.constant 0 : i32
        %dma_start3A_42 = tpu.memref_slice %arg8[%run_scoped3A_33, %dma_start3A_41] : memref<1x128xi32, #tpu.memory_space<vmem>> -> memref<1x128xi32, #tpu.memory_space<vmem>>
        %dma_start3A_43 = tpu.memref_squeeze %dma_start3A_42 : memref<1x128xi32, #tpu.memory_space<vmem>> -> memref<128xi32, #tpu.memory_space<vmem>>
        %dma_start3A_44 = arith.constant 0 : i32
        %dma_start3A_45 = tpu.memref_slice %arg2[%add3A, %scan3A_30, %run_scoped3A_32, %dma_start3A_44] : memref<32x78x2x128xi32, #tpu.memory_space<hbm>> -> memref<1x1x1x128xi32, #tpu.memory_space<hbm>>
        %dma_start3A_46 = tpu.memref_squeeze %dma_start3A_45 : memref<1x1x1x128xi32, #tpu.memory_space<hbm>> -> memref<128xi32, #tpu.memory_space<hbm>>
        %dma_start3A_47 = arith.constant 0 : i32
        %dma_start3A_48 = tpu.memref_slice %arg8[%run_scoped3A_33, %dma_start3A_47] : memref<1x128xi32, #tpu.memory_space<vmem>> -> memref<1x128xi32, #tpu.memory_space<vmem>>
        %dma_start3A_49 = tpu.memref_squeeze %dma_start3A_48 : memref<1x128xi32, #tpu.memory_space<vmem>> -> memref<128xi32, #tpu.memory_space<vmem>>
        %dma_start3A_50 = arith.constant 0 : i32
        %dma_start3A_51 = tpu.memref_slice %arg2[%add3A, %scan3A_30, %run_scoped3A_32, %dma_start3A_50] : memref<32x78x2x128xi32, #tpu.memory_space<hbm>> -> memref<1x1x1x128xi32, #tpu.memory_space<hbm>>
        %dma_start3A_52 = tpu.memref_squeeze %dma_start3A_51 : memref<1x1x1x128xi32, #tpu.memory_space<hbm>> -> memref<128xi32, #tpu.memory_space<hbm>>
        tpu.enqueue_dma source(%dma_start3A_52 : memref<128xi32, #tpu.memory_space<hbm>>) target(%dma_start3A_49 : memref<128xi32, #tpu.memory_space<vmem>>) target_semaphore(%run_scoped3A_40 : memref<!tpu.dma_semaphore, #tpu.memory_space<semaphore_mem>>)
        %dma_wait3A_53 = arith.constant 0 : i32
        %dma_wait3A_54 = tpu.memref_slice %arg8[%run_scoped3A_33, %dma_wait3A_53] : memref<1x128xi32, #tpu.memory_space<vmem>> -> memref<1x128xi32, #tpu.memory_space<vmem>>
        %dma_wait3A_55 = tpu.memref_squeeze %dma_wait3A_54 : memref<1x128xi32, #tpu.memory_space<vmem>> -> memref<128xi32, #tpu.memory_space<vmem>>
        %dma_wait3A_56 = arith.constant 0 : i32
        %dma_wait3A_57 = tpu.memref_slice %arg2[%add3A, %scan3A_30, %run_scoped3A_32, %dma_wait3A_56] : memref<32x78x2x128xi32, #tpu.memory_space<hbm>> -> memref<1x1x1x128xi32, #tpu.memory_space<hbm>>
        %dma_wait3A_58 = tpu.memref_squeeze %dma_wait3A_57 : memref<1x1x1x128xi32, #tpu.memory_space<hbm>> -> memref<128xi32, #tpu.memory_space<hbm>>
        %dma_wait3A_59 = arith.constant 0 : i32
        %dma_wait3A_60 = tpu.memref_slice %arg8[%run_scoped3A_33, %dma_wait3A_59] : memref<1x128xi32, #tpu.memory_space<vmem>> -> memref<1x128xi32, #tpu.memory_space<vmem>>
        %dma_wait3A_61 = tpu.memref_squeeze %dma_wait3A_60 : memref<1x128xi32, #tpu.memory_space<vmem>> -> memref<128xi32, #tpu.memory_space<vmem>>
        %dma_wait3A_62 = arith.constant 0 : i32
        %dma_wait3A_63 = tpu.memref_slice %arg2[%add3A, %scan3A_30, %run_scoped3A_32, %dma_wait3A_62] : memref<32x78x2x128xi32, #tpu.memory_space<hbm>> -> memref<1x1x1x128xi32, #tpu.memory_space<hbm>>
        %dma_wait3A_64 = tpu.memref_squeeze %dma_wait3A_63 : memref<1x1x1x128xi32, #tpu.memory_space<hbm>> -> memref<128xi32, #tpu.memory_space<hbm>>
        tpu.wait_dma2 semaphore(%run_scoped3A_40 : memref<!tpu.dma_semaphore, #tpu.memory_space<semaphore_mem>>) src(%dma_wait3A_64 : memref<128xi32, #tpu.memory_space<hbm>>) dst(%dma_wait3A_61 : memref<128xi32, #tpu.memory_space<vmem>>)
        tpu.yield
      }) : () -> ()
      %dma_start3A = arith.constant 0 : i32
      %dma_start3A_34 = arith.constant 0 : i32
      %dma_start3A_35 = tpu.memref_slice %arg4[%dma_start3A, %dma_start3A_34] : memref<10000x128xf32, #tpu.memory_space<hbm>> -> memref<10000x128xf32, #tpu.memory_space<hbm>>
      tpu.enqueue_indirect_dma source(%dma_start3A_35 : memref<10000x128xf32, #tpu.memory_space<hbm>>) target(%arg9 : memref<128x128xf32, #tpu.memory_space<vmem>>) offsets(%arg7 : memref<128xi32, #tpu.memory_space<vmem>>) semaphore(%arg10 : memref<!tpu.dma_semaphore, #tpu.memory_space<semaphore_mem>>)
      %dma_wait3A = arith.constant 0 : i32
      %dma_wait3A_36 = arith.constant 0 : i32
      %dma_wait3A_37 = tpu.memref_slice %arg4[%dma_wait3A, %dma_wait3A_36] : memref<10000x128xf32, #tpu.memory_space<hbm>> -> memref<10000x128xf32, #tpu.memory_space<hbm>>
      tpu.wait_indirect_dma semaphore(%arg10 : memref<!tpu.dma_semaphore, #tpu.memory_space<semaphore_mem>>) src(%dma_wait3A_37 : memref<10000x128xf32, #tpu.memory_space<hbm>>) dst(%arg9 : memref<128x128xf32, #tpu.memory_space<vmem>>)
      %run_scoped3A_38 = arith.constant 0 : i32
      "tpu.region"() ({
        %run_scoped3A_40 = tpu.sem_alloc : memref<!tpu.dma_semaphore, #tpu.memory_space<semaphore_mem>>
        %dma_start3A_41 = arith.constant 0 : i32
        %dma_start3A_42 = tpu.memref_slice %arg8[%run_scoped3A_38, %dma_start3A_41] : memref<1x128xi32, #tpu.memory_space<vmem>> -> memref<1x128xi32, #tpu.memory_space<vmem>>
        %dma_start3A_43 = tpu.memref_squeeze %dma_start3A_42 : memref<1x128xi32, #tpu.memory_space<vmem>> -> memref<128xi32, #tpu.memory_space<vmem>>
        %dma_start3A_44 = arith.constant 0 : i32
        %dma_start3A_45 = arith.constant 0 : i32
        %dma_start3A_46 = tpu.memref_slice %arg6[%dma_start3A_44, %dma_start3A_45] : memref<10240x128xf32, #tpu.memory_space<vmem_shared>> -> memref<10240x128xf32, #tpu.memory_space<vmem_shared>>
        tpu.enqueue_indirect_dma source(%arg9 : memref<128x128xf32, #tpu.memory_space<vmem>>) target(%dma_start3A_46 : memref<10240x128xf32, #tpu.memory_space<vmem_shared>>) offsets(%dma_start3A_43 : memref<128xi32, #tpu.memory_space<vmem>>) semaphore(%run_scoped3A_40 : memref<!tpu.dma_semaphore, #tpu.memory_space<semaphore_mem>>) {add = true}
        %dma_wait3A_47 = arith.constant 0 : i32
        %dma_wait3A_48 = tpu.memref_slice %arg8[%run_scoped3A_38, %dma_wait3A_47] : memref<1x128xi32, #tpu.memory_space<vmem>> -> memref<1x128xi32, #tpu.memory_space<vmem>>
        %dma_wait3A_49 = tpu.memref_squeeze %dma_wait3A_48 : memref<1x128xi32, #tpu.memory_space<vmem>> -> memref<128xi32, #tpu.memory_space<vmem>>
        %dma_wait3A_50 = arith.constant 0 : i32
        %dma_wait3A_51 = arith.constant 0 : i32
        %dma_wait3A_52 = tpu.memref_slice %arg6[%dma_wait3A_50, %dma_wait3A_51] : memref<10240x128xf32, #tpu.memory_space<vmem_shared>> -> memref<10240x128xf32, #tpu.memory_space<vmem_shared>>
        tpu.wait_indirect_dma semaphore(%run_scoped3A_40 : memref<!tpu.dma_semaphore, #tpu.memory_space<semaphore_mem>>) src(%arg9 : memref<128x128xf32, #tpu.memory_space<vmem>>) dst(%dma_wait3A_52 : memref<10240x128xf32, #tpu.memory_space<vmem_shared>>)
        tpu.yield
      }) : () -> ()
      %scan3A_39 = arith.constant 0 : i32
      scf.yield %scan3A_39 : i32
    }
    %scan3A_26 = arith.constant 78 : i32
    %lt3A = arith.constant 4 : i32
    %lt3A_27 = arith.cmpi slt, %add3A, %lt3A : i32
    %convert_element_type3A = arith.extui %lt3A_27 : i1 to i32
    %cond3A = arith.constant 0 : i32
    %cond3A_28 = arith.cmpi ne, %convert_element_type3A, %cond3A : i32
    scf.if %cond3A_28 {
      %run_scoped3A = arith.constant 0 : i32
      "tpu.region"() ({
        %run_scoped3A_37 = tpu.sem_alloc : memref<!tpu.dma_semaphore, #tpu.memory_space<semaphore_mem>>
        %dma_start3A_38 = arith.constant 0 : i32
        %dma_start3A_39 = tpu.memref_slice %arg3[%add3A, %run_scoped3A, %dma_start3A_38] : memref<4x2x128xi32, #tpu.memory_space<hbm>> -> memref<1x1x128xi32, #tpu.memory_space<hbm>>
        %dma_start3A_40 = tpu.memref_squeeze %dma_start3A_39 : memref<1x1x128xi32, #tpu.memory_space<hbm>> -> memref<128xi32, #tpu.memory_space<hbm>>
        %dma_start3A_41 = arith.constant 0 : i32
        %dma_start3A_42 = tpu.memref_slice %arg3[%add3A, %run_scoped3A, %dma_start3A_41] : memref<4x2x128xi32, #tpu.memory_space<hbm>> -> memref<1x1x128xi32, #tpu.memory_space<hbm>>
        %dma_start3A_43 = tpu.memref_squeeze %dma_start3A_42 : memref<1x1x128xi32, #tpu.memory_space<hbm>> -> memref<128xi32, #tpu.memory_space<hbm>>
        tpu.enqueue_dma source(%dma_start3A_43 : memref<128xi32, #tpu.memory_space<hbm>>) target(%arg7 : memref<128xi32, #tpu.memory_space<vmem>>) target_semaphore(%run_scoped3A_37 : memref<!tpu.dma_semaphore, #tpu.memory_space<semaphore_mem>>)
        %dma_wait3A_44 = arith.constant 0 : i32
        %dma_wait3A_45 = tpu.memref_slice %arg3[%add3A, %run_scoped3A, %dma_wait3A_44] : memref<4x2x128xi32, #tpu.memory_space<hbm>> -> memref<1x1x128xi32, #tpu.memory_space<hbm>>
        %dma_wait3A_46 = tpu.memref_squeeze %dma_wait3A_45 : memref<1x1x128xi32, #tpu.memory_space<hbm>> -> memref<128xi32, #tpu.memory_space<hbm>>
        %dma_wait3A_47 = arith.constant 0 : i32
        %dma_wait3A_48 = tpu.memref_slice %arg3[%add3A, %run_scoped3A, %dma_wait3A_47] : memref<4x2x128xi32, #tpu.memory_space<hbm>> -> memref<1x1x128xi32, #tpu.memory_space<hbm>>
        %dma_wait3A_49 = tpu.memref_squeeze %dma_wait3A_48 : memref<1x1x128xi32, #tpu.memory_space<hbm>> -> memref<128xi32, #tpu.memory_space<hbm>>
        tpu.wait_dma2 semaphore(%run_scoped3A_37 : memref<!tpu.dma_semaphore, #tpu.memory_space<semaphore_mem>>) src(%dma_wait3A_49 : memref<128xi32, #tpu.memory_space<hbm>>) dst(%arg7 : memref<128xi32, #tpu.memory_space<vmem>>)
        tpu.yield
      }) : () -> ()
      %run_scoped3A_30 = arith.constant 1 : i32
      %run_scoped3A_31 = arith.constant 0 : i32
      "tpu.region"() ({
        %run_scoped3A_37 = tpu.sem_alloc : memref<!tpu.dma_semaphore, #tpu.memory_space<semaphore_mem>>
        %dma_start3A_38 = arith.constant 0 : i32
        %dma_start3A_39 = tpu.memref_slice %arg8[%run_scoped3A_31, %dma_start3A_38] : memref<1x128xi32, #tpu.memory_space<vmem>> -> memref<1x128xi32, #tpu.memory_space<vmem>>
        %dma_start3A_40 = tpu.memref_squeeze %dma_start3A_39 : memref<1x128xi32, #tpu.memory_space<vmem>> -> memref<128xi32, #tpu.memory_space<vmem>>
        %dma_start3A_41 = arith.constant 0 : i32
        %dma_start3A_42 = tpu.memref_slice %arg3[%add3A, %run_scoped3A_30, %dma_start3A_41] : memref<4x2x128xi32, #tpu.memory_space<hbm>> -> memref<1x1x128xi32, #tpu.memory_space<hbm>>
        %dma_start3A_43 = tpu.memref_squeeze %dma_start3A_42 : memref<1x1x128xi32, #tpu.memory_space<hbm>> -> memref<128xi32, #tpu.memory_space<hbm>>
        %dma_start3A_44 = arith.constant 0 : i32
        %dma_start3A_45 = tpu.memref_slice %arg8[%run_scoped3A_31, %dma_start3A_44] : memref<1x128xi32, #tpu.memory_space<vmem>> -> memref<1x128xi32, #tpu.memory_space<vmem>>
        %dma_start3A_46 = tpu.memref_squeeze %dma_start3A_45 : memref<1x128xi32, #tpu.memory_space<vmem>> -> memref<128xi32, #tpu.memory_space<vmem>>
        %dma_start3A_47 = arith.constant 0 : i32
        %dma_start3A_48 = tpu.memref_slice %arg3[%add3A, %run_scoped3A_30, %dma_start3A_47] : memref<4x2x128xi32, #tpu.memory_space<hbm>> -> memref<1x1x128xi32, #tpu.memory_space<hbm>>
        %dma_start3A_49 = tpu.memref_squeeze %dma_start3A_48 : memref<1x1x128xi32, #tpu.memory_space<hbm>> -> memref<128xi32, #tpu.memory_space<hbm>>
        tpu.enqueue_dma source(%dma_start3A_49 : memref<128xi32, #tpu.memory_space<hbm>>) target(%dma_start3A_46 : memref<128xi32, #tpu.memory_space<vmem>>) target_semaphore(%run_scoped3A_37 : memref<!tpu.dma_semaphore, #tpu.memory_space<semaphore_mem>>)
        %dma_wait3A_50 = arith.constant 0 : i32
        %dma_wait3A_51 = tpu.memref_slice %arg8[%run_scoped3A_31, %dma_wait3A_50] : memref<1x128xi32, #tpu.memory_space<vmem>> -> memref<1x128xi32, #tpu.memory_space<vmem>>
        %dma_wait3A_52 = tpu.memref_squeeze %dma_wait3A_51 : memref<1x128xi32, #tpu.memory_space<vmem>> -> memref<128xi32, #tpu.memory_space<vmem>>
        %dma_wait3A_53 = arith.constant 0 : i32
        %dma_wait3A_54 = tpu.memref_slice %arg3[%add3A, %run_scoped3A_30, %dma_wait3A_53] : memref<4x2x128xi32, #tpu.memory_space<hbm>> -> memref<1x1x128xi32, #tpu.memory_space<hbm>>
        %dma_wait3A_55 = tpu.memref_squeeze %dma_wait3A_54 : memref<1x1x128xi32, #tpu.memory_space<hbm>> -> memref<128xi32, #tpu.memory_space<hbm>>
        %dma_wait3A_56 = arith.constant 0 : i32
        %dma_wait3A_57 = tpu.memref_slice %arg8[%run_scoped3A_31, %dma_wait3A_56] : memref<1x128xi32, #tpu.memory_space<vmem>> -> memref<1x128xi32, #tpu.memory_space<vmem>>
        %dma_wait3A_58 = tpu.memref_squeeze %dma_wait3A_57 : memref<1x128xi32, #tpu.memory_space<vmem>> -> memref<128xi32, #tpu.memory_space<vmem>>
        %dma_wait3A_59 = arith.constant 0 : i32
        %dma_wait3A_60 = tpu.memref_slice %arg3[%add3A, %run_scoped3A_30, %dma_wait3A_59] : memref<4x2x128xi32, #tpu.memory_space<hbm>> -> memref<1x1x128xi32, #tpu.memory_space<hbm>>
        %dma_wait3A_61 = tpu.memref_squeeze %dma_wait3A_60 : memref<1x1x128xi32, #tpu.memory_space<hbm>> -> memref<128xi32, #tpu.memory_space<hbm>>
        tpu.wait_dma2 semaphore(%run_scoped3A_37 : memref<!tpu.dma_semaphore, #tpu.memory_space<semaphore_mem>>) src(%dma_wait3A_61 : memref<128xi32, #tpu.memory_space<hbm>>) dst(%dma_wait3A_58 : memref<128xi32, #tpu.memory_space<vmem>>)
        tpu.yield
      }) : () -> ()
      %dma_start3A = arith.constant 0 : i32
      %dma_start3A_32 = arith.constant 0 : i32
      %dma_start3A_33 = tpu.memref_slice %arg4[%dma_start3A, %dma_start3A_32] : memref<10000x128xf32, #tpu.memory_space<hbm>> -> memref<10000x128xf32, #tpu.memory_space<hbm>>
      tpu.enqueue_indirect_dma source(%dma_start3A_33 : memref<10000x128xf32, #tpu.memory_space<hbm>>) target(%arg9 : memref<128x128xf32, #tpu.memory_space<vmem>>) offsets(%arg7 : memref<128xi32, #tpu.memory_space<vmem>>) semaphore(%arg10 : memref<!tpu.dma_semaphore, #tpu.memory_space<semaphore_mem>>)
      %dma_wait3A = arith.constant 0 : i32
      %dma_wait3A_34 = arith.constant 0 : i32
      %dma_wait3A_35 = tpu.memref_slice %arg4[%dma_wait3A, %dma_wait3A_34] : memref<10000x128xf32, #tpu.memory_space<hbm>> -> memref<10000x128xf32, #tpu.memory_space<hbm>>
      tpu.wait_indirect_dma semaphore(%arg10 : memref<!tpu.dma_semaphore, #tpu.memory_space<semaphore_mem>>) src(%dma_wait3A_35 : memref<10000x128xf32, #tpu.memory_space<hbm>>) dst(%arg9 : memref<128x128xf32, #tpu.memory_space<vmem>>)
      %run_scoped3A_36 = arith.constant 0 : i32
      "tpu.region"() ({
        %run_scoped3A_37 = tpu.sem_alloc : memref<!tpu.dma_semaphore, #tpu.memory_space<semaphore_mem>>
        %dma_start3A_38 = arith.constant 0 : i32
        %dma_start3A_39 = tpu.memref_slice %arg8[%run_scoped3A_36, %dma_start3A_38] : memref<1x128xi32, #tpu.memory_space<vmem>> -> memref<1x128xi32, #tpu.memory_space<vmem>>
        %dma_start3A_40 = tpu.memref_squeeze %dma_start3A_39 : memref<1x128xi32, #tpu.memory_space<vmem>> -> memref<128xi32, #tpu.memory_space<vmem>>
        %dma_start3A_41 = arith.constant 0 : i32
        %dma_start3A_42 = arith.constant 0 : i32
        %dma_start3A_43 = tpu.memref_slice %arg6[%dma_start3A_41, %dma_start3A_42] : memref<10240x128xf32, #tpu.memory_space<vmem_shared>> -> memref<10240x128xf32, #tpu.memory_space<vmem_shared>>
        tpu.enqueue_indirect_dma source(%arg9 : memref<128x128xf32, #tpu.memory_space<vmem>>) target(%dma_start3A_43 : memref<10240x128xf32, #tpu.memory_space<vmem_shared>>) offsets(%dma_start3A_40 : memref<128xi32, #tpu.memory_space<vmem>>) semaphore(%run_scoped3A_37 : memref<!tpu.dma_semaphore, #tpu.memory_space<semaphore_mem>>) {add = true}
        %dma_wait3A_44 = arith.constant 0 : i32
        %dma_wait3A_45 = tpu.memref_slice %arg8[%run_scoped3A_36, %dma_wait3A_44] : memref<1x128xi32, #tpu.memory_space<vmem>> -> memref<1x128xi32, #tpu.memory_space<vmem>>
        %dma_wait3A_46 = tpu.memref_squeeze %dma_wait3A_45 : memref<1x128xi32, #tpu.memory_space<vmem>> -> memref<128xi32, #tpu.memory_space<vmem>>
        %dma_wait3A_47 = arith.constant 0 : i32
        %dma_wait3A_48 = arith.constant 0 : i32
        %dma_wait3A_49 = tpu.memref_slice %arg6[%dma_wait3A_47, %dma_wait3A_48] : memref<10240x128xf32, #tpu.memory_space<vmem_shared>> -> memref<10240x128xf32, #tpu.memory_space<vmem_shared>>
        tpu.wait_indirect_dma semaphore(%run_scoped3A_37 : memref<!tpu.dma_semaphore, #tpu.memory_space<semaphore_mem>>) src(%arg9 : memref<128x128xf32, #tpu.memory_space<vmem>>) dst(%dma_wait3A_49 : memref<10240x128xf32, #tpu.memory_space<vmem_shared>>)
        tpu.yield
      }) : () -> ()
    } else {
    }
    %barrier3A_29 = arith.constant 0 : index
    tpu.barrier barrier_id(%barrier3A_29)
    "tpu.region"() ({
      %run_scoped3A = tpu.sem_alloc : memref<!tpu.dma_semaphore, #tpu.memory_space<semaphore_mem>>
      %dma_start3A = arith.constant 0 : i32
      %dma_start3A_30 = tpu.memref_slice %arg5[%arg0, %mul3A_9, %dma_start3A] : memref<2x10240x128xf32, #tpu.memory_space<hbm>> -> memref<1x640x128xf32, #tpu.memory_space<hbm>>
      %dma_start3A_31 = tpu.memref_squeeze %dma_start3A_30 : memref<1x640x128xf32, #tpu.memory_space<hbm>> -> memref<640x128xf32, #tpu.memory_space<hbm>>
      %dma_start3A_32 = arith.constant 0 : i32
      %dma_start3A_33 = tpu.memref_slice %arg6[%mul3A_9, %dma_start3A_32] : memref<10240x128xf32, #tpu.memory_space<vmem_shared>> -> memref<640x128xf32, #tpu.memory_space<vmem_shared>>
      tpu.enqueue_dma source(%dma_start3A_33 : memref<640x128xf32, #tpu.memory_space<vmem_shared>>) target(%dma_start3A_31 : memref<640x128xf32, #tpu.memory_space<hbm>>) target_semaphore(%run_scoped3A : memref<!tpu.dma_semaphore, #tpu.memory_space<semaphore_mem>>)
      %dma_wait3A = arith.constant 0 : i32
      %dma_wait3A_34 = tpu.memref_slice %arg5[%arg0, %mul3A_9, %dma_wait3A] : memref<2x10240x128xf32, #tpu.memory_space<hbm>> -> memref<1x640x128xf32, #tpu.memory_space<hbm>>
      %dma_wait3A_35 = tpu.memref_squeeze %dma_wait3A_34 : memref<1x640x128xf32, #tpu.memory_space<hbm>> -> memref<640x128xf32, #tpu.memory_space<hbm>>
      %dma_wait3A_36 = arith.constant 0 : i32
      %dma_wait3A_37 = tpu.memref_slice %arg6[%mul3A_9, %dma_wait3A_36] : memref<10240x128xf32, #tpu.memory_space<vmem_shared>> -> memref<640x128xf32, #tpu.memory_space<vmem_shared>>
      tpu.wait_dma2 semaphore(%run_scoped3A : memref<!tpu.dma_semaphore, #tpu.memory_space<semaphore_mem>>) src(%dma_wait3A_37 : memref<640x128xf32, #tpu.memory_space<vmem_shared>>) dst(%dma_wait3A_35 : memref<640x128xf32, #tpu.memory_space<hbm>>)
      tpu.yield
    }) : () -> ()
    return
  }
}

module attributes {stable_mosaic.version = 14 : i64} {
  func.func @_tc_mid_body(%arg0: i32, %arg1: memref<2x1000x128xf32, #tpu.memory_space<vmem>>, %arg2: memref<2x1000x128xf32, #tpu.memory_space<vmem>>, %arg3: memref<1000x128xf32, #tpu.memory_space<vmem>>, %arg4: memref<1x128xf32, #tpu.memory_space<vmem>>, %arg5: memref<128x128xf32, #tpu.memory_space<vmem>>, %arg6: memref<1000x128xf32, #tpu.memory_space<vmem>>) attributes {dimension_semantics = [#tpu.dimension_semantics<arbitrary>], iteration_bounds = array<i64: 10>, scalar_prefetch = 0 : i64, scratch_operands = 0 : i64, tpu.core_type = #tpu.core_type<tc>, window_params = [{transform_indices = @transform_0, window_bounds = array<i64: 2, 1000, 128>}, {transform_indices = @transform_1, window_bounds = array<i64: 2, 1000, 128>}, {transform_indices = @transform_2, window_bounds = array<i64: 1000, 128>}, {pipeline_mode = #tpu.pipeline_mode<synchronous>, transform_indices = @transform_3, window_bounds = array<i64: 1, 128>}, {pipeline_mode = #tpu.pipeline_mode<synchronous>, transform_indices = @transform_4, window_bounds = array<i64: 128, 128>}, {transform_indices = @transform_5, window_bounds = array<i64: 1000, 128>}]} {
    %get3A = arith.constant 0 : index
    %get3A_0 = arith.constant 0 : index
    %get3A_1 = arith.constant 0 : index
    %get3A_2 = vector.load %arg1[%get3A, %get3A_0, %get3A_1] : memref<2x1000x128xf32, #tpu.memory_space<vmem>>, vector<1x1000x1xf32>
    %get3A_3 = vector.shape_cast %get3A_2 : vector<1x1000x1xf32> to vector<1000x1xf32>
    %get3A_4 = arith.constant 1 : index
    %get3A_5 = arith.constant 0 : index
    %get3A_6 = arith.constant 0 : index
    %get3A_7 = vector.load %arg1[%get3A_4, %get3A_5, %get3A_6] : memref<2x1000x128xf32, #tpu.memory_space<vmem>>, vector<1x1000x1xf32>
    %get3A_8 = vector.shape_cast %get3A_7 : vector<1x1000x1xf32> to vector<1000x1xf32>
    %add3A = arith.addf %get3A_3, %get3A_8 : vector<1000x1xf32>
    %add3A_9 = arith.constant 1.000000e+00 : f32
    %add3A_10 = vector.broadcast %add3A_9 : f32 to vector<1000x1xf32>
    %add3A_11 = arith.addf %add3A, %add3A_10 : vector<1000x1xf32>
    %rsqrt3A = math.rsqrt %add3A_11 : vector<1000x1xf32>
    %get3A_12 = arith.constant 0 : index
    %get3A_13 = arith.constant 0 : index
    %get3A_14 = arith.constant 0 : index
    %get3A_15 = vector.load %arg2[%get3A_12, %get3A_13, %get3A_14] : memref<2x1000x128xf32, #tpu.memory_space<vmem>>, vector<1x1000x128xf32>
    %get3A_16 = vector.shape_cast %get3A_15 : vector<1x1000x128xf32> to vector<1000x128xf32>
    %get3A_17 = arith.constant 1 : index
    %get3A_18 = arith.constant 0 : index
    %get3A_19 = arith.constant 0 : index
    %get3A_20 = vector.load %arg2[%get3A_17, %get3A_18, %get3A_19] : memref<2x1000x128xf32, #tpu.memory_space<vmem>>, vector<1x1000x128xf32>
    %get3A_21 = vector.shape_cast %get3A_20 : vector<1x1000x128xf32> to vector<1000x128xf32>
    %add3A_22 = arith.addf %get3A_16, %get3A_21 : vector<1000x128xf32>
    %get3A_23 = arith.constant 0 : index
    %get3A_24 = arith.constant 0 : index
    %get3A_25 = vector.load %arg3[%get3A_23, %get3A_24] : memref<1000x128xf32, #tpu.memory_space<vmem>>, vector<1000x128xf32>
    %add3A_26 = arith.addf %add3A_22, %get3A_25 : vector<1000x128xf32>
    %mul3A = vector.broadcast %rsqrt3A : vector<1000x1xf32> to vector<1000x128xf32>
    %mul3A_27 = arith.mulf %add3A_26, %mul3A : vector<1000x128xf32>
    %get3A_28 = arith.constant 0 : index
    %get3A_29 = arith.constant 0 : index
    %get3A_30 = vector.load %arg4[%get3A_28, %get3A_29] : memref<1x128xf32, #tpu.memory_space<vmem>>, vector<1x128xf32>
    %add3A_31 = vector.broadcast %get3A_30 : vector<1x128xf32> to vector<1000x128xf32>
    %add3A_32 = arith.addf %mul3A_27, %add3A_31 : vector<1000x128xf32>
    %max3A = arith.constant 0.000000e+00 : f32
    %max3A_33 = vector.broadcast %max3A : f32 to vector<1000x128xf32>
    %max3A_34 = arith.maximumf %add3A_32, %max3A_33 : vector<1000x128xf32>
    %get3A_35 = arith.constant 0 : index
    %get3A_36 = arith.constant 0 : index
    %get3A_37 = vector.load %arg5[%get3A_35, %get3A_36] : memref<128x128xf32, #tpu.memory_space<vmem>>, vector<128x128xf32>
    %dot_general3A = arith.constant dense<0.000000e+00> : vector<1000x128xf32>
    %dot_general3A_38 = tpu.matmul %max3A_34, %get3A_37, %dot_general3A {dimension_numbers = #tpu.dot_dimension_numbers<[1], [0], [0], [1], [0, 0, 1, 1], [], []>, transpose_lhs_hint = false} : vector<1000x128xf32>, vector<128x128xf32>, vector<1000x128xf32> -> vector<1000x128xf32>
    %mul3A_39 = vector.broadcast %rsqrt3A : vector<1000x1xf32> to vector<1000x128xf32>
    %mul3A_40 = arith.mulf %dot_general3A_38, %mul3A_39 : vector<1000x128xf32>
    %swap3A = arith.constant 0 : index
    %swap3A_41 = arith.constant 0 : index
    %swap3A_42 = vector.load %arg6[%swap3A, %swap3A_41] : memref<1000x128xf32, #tpu.memory_space<vmem>>, vector<1000x128xf32>
    tpu.vector_store %arg6[%swap3A, %swap3A_41], %mul3A_40 {strides = array<i32>} : memref<1000x128xf32, #tpu.memory_space<vmem>>, vector<1000x128xf32>,
    return
  }
  func.func @transform_0(%arg0: i32) -> (i32, i32, i32) {
    %c0_i32 = arith.constant 0 : i32
    %c0_i32_0 = arith.constant 0 : i32
    %c0_i32_1 = arith.constant 0 : i32
    return %c0_i32, %arg0, %c0_i32_0 : i32, i32, i32
  }
  func.func @transform_1(%arg0: i32) -> (i32, i32, i32) {
    %c0_i32 = arith.constant 0 : i32
    %c0_i32_0 = arith.constant 0 : i32
    %c0_i32_1 = arith.constant 0 : i32
    return %c0_i32, %arg0, %c0_i32_0 : i32, i32, i32
  }
  func.func @transform_2(%arg0: i32) -> (i32, i32) {
    %c0_i32 = arith.constant 0 : i32
    %c0_i32_0 = arith.constant 0 : i32
    return %arg0, %c0_i32 : i32, i32
  }
  func.func @transform_3(%arg0: i32) -> (i32, i32) {
    %c0_i32 = arith.constant 0 : i32
    %c0_i32_0 = arith.constant 0 : i32
    %c0_i32_1 = arith.constant 0 : i32
    return %c0_i32, %c0_i32_0 : i32, i32
  }
  func.func @transform_4(%arg0: i32) -> (i32, i32) {
    %c0_i32 = arith.constant 0 : i32
    %c0_i32_0 = arith.constant 0 : i32
    %c0_i32_1 = arith.constant 0 : i32
    return %c0_i32, %c0_i32_0 : i32, i32
  }
  func.func @transform_5(%arg0: i32) -> (i32, i32) {
    %c0_i32 = arith.constant 0 : i32
    %c0_i32_0 = arith.constant 0 : i32
    return %arg0, %c0_i32 : i32, i32
  }
}

module attributes {stable_mosaic.version = 14 : i64} {
  func.func @_tc_first_body(%arg0: i32, %arg1: memref<2x1000x128xf32, #tpu.memory_space<vmem>>, %arg2: memref<1000x128xf32, #tpu.memory_space<vmem>>, %arg3: memref<128x128xf32, #tpu.memory_space<vmem>>, %arg4: memref<1000x128xf32, #tpu.memory_space<vmem>>) attributes {dimension_semantics = [#tpu.dimension_semantics<arbitrary>], iteration_bounds = array<i64: 10>, scalar_prefetch = 0 : i64, scratch_operands = 0 : i64, tpu.core_type = #tpu.core_type<tc>, window_params = [{transform_indices = @transform_0, window_bounds = array<i64: 2, 1000, 128>}, {transform_indices = @transform_1, window_bounds = array<i64: 1000, 128>}, {pipeline_mode = #tpu.pipeline_mode<synchronous>, transform_indices = @transform_2, window_bounds = array<i64: 128, 128>}, {transform_indices = @transform_3, window_bounds = array<i64: 1000, 128>}]} {
    %get3A = arith.constant 0 : index
    %get3A_0 = arith.constant 0 : index
    %get3A_1 = arith.constant 0 : index
    %get3A_2 = vector.load %arg1[%get3A, %get3A_0, %get3A_1] : memref<2x1000x128xf32, #tpu.memory_space<vmem>>, vector<1x1000x1xf32>
    %get3A_3 = vector.shape_cast %get3A_2 : vector<1x1000x1xf32> to vector<1000x1xf32>
    %get3A_4 = arith.constant 1 : index
    %get3A_5 = arith.constant 0 : index
    %get3A_6 = arith.constant 0 : index
    %get3A_7 = vector.load %arg1[%get3A_4, %get3A_5, %get3A_6] : memref<2x1000x128xf32, #tpu.memory_space<vmem>>, vector<1x1000x1xf32>
    %get3A_8 = vector.shape_cast %get3A_7 : vector<1x1000x1xf32> to vector<1000x1xf32>
    %add3A = arith.addf %get3A_3, %get3A_8 : vector<1000x1xf32>
    %add3A_9 = arith.constant 1.000000e+00 : f32
    %add3A_10 = vector.broadcast %add3A_9 : f32 to vector<1000x1xf32>
    %add3A_11 = arith.addf %add3A, %add3A_10 : vector<1000x1xf32>
    %rsqrt3A = math.rsqrt %add3A_11 : vector<1000x1xf32>
    %get3A_12 = arith.constant 0 : index
    %get3A_13 = arith.constant 0 : index
    %get3A_14 = vector.load %arg2[%get3A_12, %get3A_13] : memref<1000x128xf32, #tpu.memory_space<vmem>>, vector<1000x128xf32>
    %get3A_15 = arith.constant 0 : index
    %get3A_16 = arith.constant 0 : index
    %get3A_17 = vector.load %arg3[%get3A_15, %get3A_16] : memref<128x128xf32, #tpu.memory_space<vmem>>, vector<128x128xf32>
    %dot_general3A = arith.constant dense<0.000000e+00> : vector<1000x128xf32>
    %dot_general3A_18 = tpu.matmul %get3A_14, %get3A_17, %dot_general3A {dimension_numbers = #tpu.dot_dimension_numbers<[1], [0], [0], [1], [0, 0, 1, 1], [], []>, transpose_lhs_hint = false} : vector<1000x128xf32>, vector<128x128xf32>, vector<1000x128xf32> -> vector<1000x128xf32>
    %mul3A = vector.broadcast %rsqrt3A : vector<1000x1xf32> to vector<1000x128xf32>
    %mul3A_19 = arith.mulf %dot_general3A_18, %mul3A : vector<1000x128xf32>
    %swap3A = arith.constant 0 : index
    %swap3A_20 = arith.constant 0 : index
    %swap3A_21 = vector.load %arg4[%swap3A, %swap3A_20] : memref<1000x128xf32, #tpu.memory_space<vmem>>, vector<1000x128xf32>
    tpu.vector_store %arg4[%swap3A, %swap3A_20], %mul3A_19 {strides = array<i32>} : memref<1000x128xf32, #tpu.memory_space<vmem>>, vector<1000x128xf32>,
    return
  }
  func.func @transform_0(%arg0: i32) -> (i32, i32, i32) {
    %c0_i32 = arith.constant 0 : i32
    %c0_i32_0 = arith.constant 0 : i32
    %c0_i32_1 = arith.constant 0 : i32
    return %c0_i32, %arg0, %c0_i32_0 : i32, i32, i32
  }
  func.func @transform_1(%arg0: i32) -> (i32, i32) {
    %c0_i32 = arith.constant 0 : i32
    %c0_i32_0 = arith.constant 0 : i32
    return %arg0, %c0_i32 : i32, i32
  }
  func.func @transform_2(%arg0: i32) -> (i32, i32) {
    %c0_i32 = arith.constant 0 : i32
    %c0_i32_0 = arith.constant 0 : i32
    %c0_i32_1 = arith.constant 0 : i32
    return %c0_i32, %c0_i32_0 : i32, i32
  }
  func.func @transform_3(%arg0: i32) -> (i32, i32) {
    %c0_i32 = arith.constant 0 : i32
    %c0_i32_0 = arith.constant 0 : i32
    return %arg0, %c0_i32 : i32, i32
  }
}

module attributes {stable_mosaic.version = 14 : i64} {
  func.func @_tc_last_body(%arg0: i32, %arg1: memref<2x1000x128xf32, #tpu.memory_space<vmem>>, %arg2: memref<2x1000x128xf32, #tpu.memory_space<vmem>>, %arg3: memref<1000x128xf32, #tpu.memory_space<vmem>>, %arg4: memref<1x128xf32, #tpu.memory_space<vmem>>, %arg5: memref<128x64xf32, #tpu.memory_space<vmem>>, %arg6: memref<1x64xf32, #tpu.memory_space<vmem>>, %arg7: memref<1000x64xf32, #tpu.memory_space<vmem>>) attributes {dimension_semantics = [#tpu.dimension_semantics<arbitrary>], iteration_bounds = array<i64: 10>, scalar_prefetch = 0 : i64, scratch_operands = 0 : i64, tpu.core_type = #tpu.core_type<tc>, window_params = [{transform_indices = @transform_0, window_bounds = array<i64: 2, 1000, 128>}, {transform_indices = @transform_1, window_bounds = array<i64: 2, 1000, 128>}, {transform_indices = @transform_2, window_bounds = array<i64: 1000, 128>}, {pipeline_mode = #tpu.pipeline_mode<synchronous>, transform_indices = @transform_3, window_bounds = array<i64: 1, 128>}, {pipeline_mode = #tpu.pipeline_mode<synchronous>, transform_indices = @transform_4, window_bounds = array<i64: 128, 64>}, {pipeline_mode = #tpu.pipeline_mode<synchronous>, transform_indices = @transform_5, window_bounds = array<i64: 1, 64>}, {transform_indices = @transform_6, window_bounds = array<i64: 1000, 64>}]} {
    %get3A = arith.constant 0 : index
    %get3A_0 = arith.constant 0 : index
    %get3A_1 = arith.constant 0 : index
    %get3A_2 = vector.load %arg1[%get3A, %get3A_0, %get3A_1] : memref<2x1000x128xf32, #tpu.memory_space<vmem>>, vector<1x1000x1xf32>
    %get3A_3 = vector.shape_cast %get3A_2 : vector<1x1000x1xf32> to vector<1000x1xf32>
    %get3A_4 = arith.constant 1 : index
    %get3A_5 = arith.constant 0 : index
    %get3A_6 = arith.constant 0 : index
    %get3A_7 = vector.load %arg1[%get3A_4, %get3A_5, %get3A_6] : memref<2x1000x128xf32, #tpu.memory_space<vmem>>, vector<1x1000x1xf32>
    %get3A_8 = vector.shape_cast %get3A_7 : vector<1x1000x1xf32> to vector<1000x1xf32>
    %add3A = arith.addf %get3A_3, %get3A_8 : vector<1000x1xf32>
    %add3A_9 = arith.constant 1.000000e+00 : f32
    %add3A_10 = vector.broadcast %add3A_9 : f32 to vector<1000x1xf32>
    %add3A_11 = arith.addf %add3A, %add3A_10 : vector<1000x1xf32>
    %rsqrt3A = math.rsqrt %add3A_11 : vector<1000x1xf32>
    %get3A_12 = arith.constant 0 : index
    %get3A_13 = arith.constant 0 : index
    %get3A_14 = arith.constant 0 : index
    %get3A_15 = vector.load %arg2[%get3A_12, %get3A_13, %get3A_14] : memref<2x1000x128xf32, #tpu.memory_space<vmem>>, vector<1x1000x128xf32>
    %get3A_16 = vector.shape_cast %get3A_15 : vector<1x1000x128xf32> to vector<1000x128xf32>
    %get3A_17 = arith.constant 1 : index
    %get3A_18 = arith.constant 0 : index
    %get3A_19 = arith.constant 0 : index
    %get3A_20 = vector.load %arg2[%get3A_17, %get3A_18, %get3A_19] : memref<2x1000x128xf32, #tpu.memory_space<vmem>>, vector<1x1000x128xf32>
    %get3A_21 = vector.shape_cast %get3A_20 : vector<1x1000x128xf32> to vector<1000x128xf32>
    %add3A_22 = arith.addf %get3A_16, %get3A_21 : vector<1000x128xf32>
    %get3A_23 = arith.constant 0 : index
    %get3A_24 = arith.constant 0 : index
    %get3A_25 = vector.load %arg3[%get3A_23, %get3A_24] : memref<1000x128xf32, #tpu.memory_space<vmem>>, vector<1000x128xf32>
    %add3A_26 = arith.addf %add3A_22, %get3A_25 : vector<1000x128xf32>
    %mul3A = vector.broadcast %rsqrt3A : vector<1000x1xf32> to vector<1000x128xf32>
    %mul3A_27 = arith.mulf %add3A_26, %mul3A : vector<1000x128xf32>
    %get3A_28 = arith.constant 0 : index
    %get3A_29 = arith.constant 0 : index
    %get3A_30 = vector.load %arg4[%get3A_28, %get3A_29] : memref<1x128xf32, #tpu.memory_space<vmem>>, vector<1x128xf32>
    %add3A_31 = vector.broadcast %get3A_30 : vector<1x128xf32> to vector<1000x128xf32>
    %add3A_32 = arith.addf %mul3A_27, %add3A_31 : vector<1000x128xf32>
    %max3A = arith.constant 0.000000e+00 : f32
    %max3A_33 = vector.broadcast %max3A : f32 to vector<1000x128xf32>
    %max3A_34 = arith.maximumf %add3A_32, %max3A_33 : vector<1000x128xf32>
    %get3A_35 = arith.constant 0 : index
    %get3A_36 = arith.constant 0 : index
    %get3A_37 = vector.load %arg5[%get3A_35, %get3A_36] : memref<128x64xf32, #tpu.memory_space<vmem>>, vector<128x64xf32>
    %dot_general3A = arith.constant dense<0.000000e+00> : vector<1000x64xf32>
    %dot_general3A_38 = tpu.matmul %max3A_34, %get3A_37, %dot_general3A {dimension_numbers = #tpu.dot_dimension_numbers<[1], [0], [0], [1], [0, 0, 1, 1], [], []>, transpose_lhs_hint = false} : vector<1000x128xf32>, vector<128x64xf32>, vector<1000x64xf32> -> vector<1000x64xf32>
    %get3A_39 = arith.constant 0 : index
    %get3A_40 = arith.constant 0 : index
    %get3A_41 = vector.load %arg6[%get3A_39, %get3A_40] : memref<1x64xf32, #tpu.memory_space<vmem>>, vector<1x64xf32>
    %add3A_42 = vector.broadcast %get3A_41 : vector<1x64xf32> to vector<1000x64xf32>
    %add3A_43 = arith.addf %dot_general3A_38, %add3A_42 : vector<1000x64xf32>
    %swap3A = arith.constant 0 : index
    %swap3A_44 = arith.constant 0 : index
    %swap3A_45 = vector.load %arg7[%swap3A, %swap3A_44] : memref<1000x64xf32, #tpu.memory_space<vmem>>, vector<1000x64xf32>
    tpu.vector_store %arg7[%swap3A, %swap3A_44], %add3A_43 {strides = array<i32>} : memref<1000x64xf32, #tpu.memory_space<vmem>>, vector<1000x64xf32>,
    return
  }
  func.func @transform_0(%arg0: i32) -> (i32, i32, i32) {
    %c0_i32 = arith.constant 0 : i32
    %c0_i32_0 = arith.constant 0 : i32
    %c0_i32_1 = arith.constant 0 : i32
    return %c0_i32, %arg0, %c0_i32_0 : i32, i32, i32
  }
  func.func @transform_1(%arg0: i32) -> (i32, i32, i32) {
    %c0_i32 = arith.constant 0 : i32
    %c0_i32_0 = arith.constant 0 : i32
    %c0_i32_1 = arith.constant 0 : i32
    return %c0_i32, %arg0, %c0_i32_0 : i32, i32, i32
  }
  func.func @transform_2(%arg0: i32) -> (i32, i32) {
    %c0_i32 = arith.constant 0 : i32
    %c0_i32_0 = arith.constant 0 : i32
    return %arg0, %c0_i32 : i32, i32
  }
  func.func @transform_3(%arg0: i32) -> (i32, i32) {
    %c0_i32 = arith.constant 0 : i32
    %c0_i32_0 = arith.constant 0 : i32
    %c0_i32_1 = arith.constant 0 : i32
    return %c0_i32, %c0_i32_0 : i32, i32
  }
  func.func @transform_4(%arg0: i32) -> (i32, i32) {
    %c0_i32 = arith.constant 0 : i32
    %c0_i32_0 = arith.constant 0 : i32
    %c0_i32_1 = arith.constant 0 : i32
    return %c0_i32, %c0_i32_0 : i32, i32
  }
  func.func @transform_5(%arg0: i32) -> (i32, i32) {
    %c0_i32 = arith.constant 0 : i32
    %c0_i32_0 = arith.constant 0 : i32
    %c0_i32_1 = arith.constant 0 : i32
    return %c0_i32, %c0_i32_0 : i32, i32
  }
  func.func @transform_6(%arg0: i32) -> (i32, i32) {
    %c0_i32 = arith.constant 0 : i32
    %c0_i32_0 = arith.constant 0 : i32
    return %arg0, %c0_i32 : i32, i32
  }
}

</mosaic_0001>

<sc_bundles>
// kernel: kernel.11.cloned.1.call-start
scs
__scs_entry_jumppad:
0x0: {  	(pc) =	sbr.rel $0x88, $3  }
0x1: {  	(tag) =	ssettag $0x0;
	lr =	simm.s32 $0x1  }
0x2: {  	[smem:$0x3F99] =	sst lr;
	_ =	strace $0xD0000000  }
0x3: {  	_ = 	snop  }
0x4: {  	_ = 	snop  }
0x5: {  	_ = 	snop  }
0x6: {  	_ = 	snop  }
0x7: {  	_ = 	snop  }
__scs_overlays_trampoline_lowered:
0x8: {  	[smem:$0x3FA8] =	sst s0  }
0x9: {  	[smem:$0x3FA9] =	sst s1  }
0xa: {  	[smem:$0x3FAA] =	sst s2  }
0xb: {  	[smem:$0x3FAB] =	sst s3  }
0xc: {  	[smem:$0x3FAC] =	sst s4  }
0xd: {  	[smem:$0x3FAD] =	sst s5  }
0xe: {  	[smem:$0x3FAE] =	sst s6  }
0xf: {  	[smem:$0x3FAF] =	sst s7  }
0x10: {  	[smem:$0x3FB0] =	sst s8  }
0x11: {  	[smem:$0x3FB1] =	sst s9;
	s0 =	simm.s32 @!p0 $0x0  }
0x12: {  	s1 =	sld [smem:$0x3F97];
	s0 =	simm.s32 @p0 $0x1  }
0x13: {  	[smem:$0x3FB2] =	sst s0;
	s0 =	simm.s32 @!p1 $0x0  }
0x14: {  	s2 =	sld [smem:$0x3F96];
	s0 =	simm.s32 @p1 $0x1  }
0x15: {  	[smem:$0x3FB3] =	sst s0;
	s0 =	simm.s32 @!p2 $0x0  }
0x16: {  	s3 =	sld [smem:$0x3FDB];
	s0 =	simm.s32 @p2 $0x1  }
0x17: {  	s4 =	simm.s32 $0x1BF5;
	[smem:$0x3FB5] =	sst s0  }
0x18: {  	s0 =	sld [smem:$0x3F98];
	_ =	swait.ge [sflag:s4], $0x0  }
0x19: {  	s7 =	sld [smem:$0x3F99]  }
0x1a: {  	s8 =	sadd.s32 $0xFFFFE003, lr  }
0x1b: {  	s9 =	sadd.s32 $0xFFFFFEF7, lr;
	s5 =	simm.s32 $0xFFFFFFFF;
	p2 =	slt.u32 s8, $0xFFFFF086  }
0x1c: {  	p1 =	slt.u32 s9, $0xF7A;
	s5 =	simm.s32 @!p2 $0x0  }
0x1d: {  	s5 =	simm.s32 @p1 $0x1;
	p0 =	seq.s32 s7, s2  }
0x1e: {  	s7 =	smul.u32 @!p0 $0xF7A, s2;
	p2 =	seq.s32 @!p0 s5, $0x0  }
0x1f: {  	s9 =	smul.u32 $0xF7A, s1;
	s8 =	simm.s32 @!p0 $0x1BF5;
	p2 =	por !p2, p0  }
0x20: {  	[sflag:s8] =	ssyncset.s32 @!p0 $0xFFFFF086;
	s6 =	sadd.s32 @!p0 s3, s7;
	s7 =	simm.s32 @!p0 $0x108  }
0x21: {  	s3 =	sadd.s32 s3, s9;
	s6 =	sadd.s32 @!p0 $0x88, s6;
	s7 =	simm.s32 @p2 $0x1082  }
0x22: {  	[simem:s7], [sflag:s8] =	dma.local @!p0 [hbm:s6], $0xF7A  }
0x23: {  	s9 =	sor.u32 $0xD0000000, s2;
	s6 =	simm.s32 $0x108;
	_ =	swait.ge @!p0 [sflag:s8], $0x0  }
0x24: {  	s3 =	sadd.s32 $0x88, s3;
	s6 =	simm.s32 @!p1 $0x1082;
	[sflag:s4] =	ssyncset.s32 $0xFFFFF086  }
0x25: {  	[simem:s6], [sflag:s4] =	dma.local [hbm:s3], $0xF7A  }
0x26: {  	[smem:$0x3F99] =	sst s1;
	(tag) =	ssettag s2;
	_ =	strace s9  }
0x27: {  	s1 =	sld [smem:$0x3FA9]  }
0x28: {  	s2 =	sld [smem:$0x3FAA]  }
0x29: {  	s4 =	sld [smem:$0x3FAC]  }
0x2a: {  	p0 =	seq.s32 s5, $0x0;
	s5 =	sld [smem:$0x3FAD]  }
0x2b: {  	s6 =	sld [smem:$0x3FAE]  }
0x2c: {  	s7 =	sld [smem:$0x3FAF]  }
0x2d: {  	s3 =	simm.s32 $0x108;
	s8 =	sld [smem:$0x3FB0]  }
0x2e: {  	s3 =	simm.s32 @!p0 $0x1082;
	s9 =	sld [smem:$0x3FB1]  }
0x2f: {  	lr =	sadd.s32 s0, s3;
	s0 =	sld [smem:$0x3FA8]  }
0x30: {  	s3 =	sld [smem:$0x3FAB]  }
0x31: {  	[smem:$0x3FB4] =	sst s10  }
0x32: {  	s10 =	sld [smem:$0x3FB2];
	_ =	sdelay $0x3  }
0x33: {  	p0 =	seq.s32 s10, $0x1;
	s10 =	sld [smem:$0x3FB4];
	_ =	sdelay $0x3  }
0x34: {  	[smem:$0x3FB4] =	sst s10  }
0x35: {  	s10 =	sld [smem:$0x3FB3];
	_ =	sdelay $0x3  }
0x36: {  	p1 =	seq.s32 s10, $0x1;
	s10 =	sld [smem:$0x3FB4];
	_ =	sdelay $0x3  }
0x37: {  	[smem:$0x3FB4] =	sst s10  }
0x38: {  	s10 =	sld [smem:$0x3FB5]  }
0x39: {  	_ = 	snop;
	(pc) =	sbr.ind lr, $3  }
0x3a: {  	_ = 	snop  }
0x3b: {  	_ = 	snop  }
0x3c: {  	p2 =	seq.s32 s10, $0x1;
	s10 =	sld [smem:$0x3FB4]  }
0x3d: {  	_ =	shalt  }
0x3e: {  	_ =	shalt  }
0x3f: {  	_ =	shalt  }
0x40: {  	_ =	shalt  }
0x41: {  	_ =	shalt  }
0x42: {  	_ =	shalt  }
0x43: {  	_ =	shalt  }
0x44: {  	_ =	shalt  }
0x45: {  	_ =	shalt  }
0x46: {  	_ =	shalt  }
0x47: {  	_ =	shalt  }
0x48: {  	_ =	shalt  }
0x49: {  	_ =	shalt  }
0x4a: {  	_ =	shalt  }
0x4b: {  	_ =	shalt  }
0x4c: {  	_ =	shalt  }
0x4d: {  	_ =	shalt  }
0x4e: {  	_ =	shalt  }
0x4f: {  	_ =	shalt  }
0x50: {  	_ =	shalt  }
0x51: {  	_ =	shalt  }
0x52: {  	_ =	shalt  }
0x53: {  	_ =	shalt  }
0x54: {  	_ =	shalt  }
0x55: {  	_ =	shalt  }
0x56: {  	_ =	shalt  }
0x57: {  	_ =	shalt  }
0x58: {  	_ =	shalt  }
0x59: {  	_ =	shalt  }
0x5a: {  	_ =	shalt  }
0x5b: {  	_ =	shalt  }
0x5c: {  	_ =	shalt  }
0x5d: {  	_ =	shalt  }
0x5e: {  	_ =	shalt  }
0x5f: {  	_ =	shalt  }
0x60: {  	_ =	shalt  }
0x61: {  	_ =	shalt  }
0x62: {  	_ =	shalt  }
0x63: {  	_ =	shalt  }
0x64: {  	_ =	shalt  }
0x65: {  	_ =	shalt  }
0x66: {  	_ =	shalt  }
0x67: {  	_ =	shalt  }
0x68: {  	_ =	shalt  }
0x69: {  	_ =	shalt  }
0x6a: {  	_ =	shalt  }
0x6b: {  	_ =	shalt  }
0x6c: {  	_ =	shalt  }
0x6d: {  	_ =	shalt  }
0x6e: {  	_ =	shalt  }
0x6f: {  	_ =	shalt  }
0x70: {  	_ =	shalt  }
0x71: {  	_ =	shalt  }
0x72: {  	_ =	shalt  }
0x73: {  	_ =	shalt  }
0x74: {  	_ =	shalt  }
0x75: {  	_ =	shalt  }
0x76: {  	_ =	shalt  }
0x77: {  	_ =	shalt  }
0x78: {  	_ =	shalt  }
0x79: {  	_ =	shalt  }
0x7a: {  	_ =	shalt  }
0x7b: {  	_ =	shalt  }
0x7c: {  	_ =	shalt  }
0x7d: {  	_ =	shalt  }
0x7e: {  	_ =	shalt  }
0x7f: {  	_ =	shalt  }
0x80: {  	_ =	shalt  }
0x81: {  	_ =	shalt  }
0x82: {  	_ =	shalt  }
0x83: {  	_ =	shalt  }
0x84: {  	_ =	shalt  }
0x85: {  	_ =	shalt  }
0x86: {  	_ =	shalt  }
0x87: {  	_ =	shalt  }
.Lfunc_end0:
.L_simem_size_0:
called_computation.1_lowered:
.L_overlay_start_0:
0x88: {  	s2 =	sld [smem:$0x3FD9]  }
0x89: {  	s3 =	sld [smem:$0x3FFE];
	_ =	sdelay $0x1  }
0x8a: {  	s1 =	srdreg.scid  }
0x8b: {  	s0 =	sand.u32 $0x1, s1  }
0x8c: {  	s17 =	sshll.u32 s0, $0xA;
	s2 =	sadd.s32 s3, s2  }
0x8d: {  	s2 =	sadd.s32 s2, s17  }
0x8e: {  	[smem:$0x3FC0] =	sst s2  }
0x8f: {  	_ = 	snop  }
0x90: {  	s2 =	sld [smem:$0x3FD0];
	(tm) =	ssettm $0x1  }
0x91: {  	s18 =	sld [smem:$0x3FFB];
	_ =	sdelay $0x3  }
0x92: {  	_ =	strace s18  }
0x93: {  	s3 =	sld [smem:$0x3FFC];
	_ =	sdelay $0x3  }
0x94: {  	_ =	strace s3  }
0x95: {  	s3 =	sld [smem:$0x3FFD];
	_ =	sdelay $0x3  }
0x96: {  	_ =	strace s3  }
0x97: {  	_ =	strace $0x8FFFFFFF  }
0x98: {  	s19 =	sld [smem:$0x3FDB];
	_ =	sdelay $0x1  }
0x99: {  	s4 =	simm.s32 $_scs_section_size  }
0x9a: {  	s5 =	simm.s32 $_size__tile_overlayer_lowered;
	s6 =	simm.s32 $_tile_overlayer_lowered  }
0x9b: {  	s22 =	simm.s32 $0x1BFF;
	s21 =	sshll.u32 s6, $0x1;
	s3 =	sadd.s32 s4, s19  }
0x9c: {  	s7 =	simm.s32 $0x0;
	s20 =	sshll.u32 s5, $0x1;
	s5 =	sadd.s32 s21, s3  }
0x9d: {  	[timem:s7], [sflag:s22] =	dma.local [hbm:s5], s20  }
0x9e: {  	_ =	swait.ge [sflag:s22], s20  }
0x9f: {  	s4 =	ssub.s32 $0x0, s20;
	[sflag:s22] =	ssyncset.done $0x0  }
0xa0: {  	[sflag:s22] =	ssyncadd.s32 s4;
	_ =	sdelay $0x1  }
0xa1: {  	s23 =	simm.s32 $0x1B8B  }
0xa2: {  	_ =	swait.ge [sflag:s23], $0x1  }
0xa3: {  	[sflag:s23] =	ssyncset.done $0x0  }
0xa4: {  	s25 =	simm.s32 $0x1B8E;
	s24 =	sld [smem:$0x3FFE];
	[sflag:s23] =	ssyncadd.s32 $0xFFFFFFFF  }
0xa5: {  	s26 =	simm.s32 $execute0_lowered;
	[smem:$0x3FD2] =	sst s25  }
0xa6: {  	s5 =	sshll.u32 s26, $0x1;
	_ =	strace $0x80000049;
	[dreg:$0x1] =	wrdreg $0xFFFFFFFF  }
0xa7: {  	s28 =	simm.s32 $_size_execute0_lowered;
	s3 =	sadd.s32 s3, s5;
	[dreg:$0x0] =	wrdreg $0x0  }
0xa8: {  	s5 =	sshll.u32 s28, $0x1;
	[dreg:$0x2] =	wrdreg s3  }
0xa9: {  	[dreg:$0x3] =	wrdreg s5  }
0xaa: {  	[dreg:$0x4] =	wrdreg $0xC0  }
0xab: {  	_ =	task [dreg:s7], $0x5FFFF  }
0xac: {  	[dreg:$0x1] =	wrdreg $0xFFFFFFFF  }
0xad: {  	[dreg:$0x0] =	wrdreg $0x60  }
0xae: {  	[dreg:$0x2] =	wrdreg s2  }
0xaf: {  	[dreg:$0x3] =	wrdreg s24  }
0xb0: {  	[dreg:$0x4] =	wrdreg $0x0  }
0xb1: {  	[dreg:$0x5] =	wrdreg $0x9  }
0xb2: {  	_ =	task.clear_ibuf [dreg:s7], $0x6FFFF;
	_ =	strace $0x90000049  }
0xb3: {  	s29 =	simm.s32 $0x9;
	_ =	strace $0x8000004B  }
0xb4: {  	_ =	swait.ge [sflag:s29], $0x1  }
0xb5: {  	[sflag:s29] =	ssyncadd.s32 $0xFFFFFFFF  }
0xb6: {  	_ =	strace $0x9000004B  }
0xb7: {  	_ =	sfence  }
0xb8: {  	s30 =	sld [smem:$0x0];
	_ =	sdelay $0x2  }
0xb9: {  	s31 =	sshll.u32 s1, $0xD;
	s1 =	sshrl.u32 s1, $0x2  }
0xba: {  	s3 =	sand.u32 $0x4000, s31;
	s1 =	sadd.s32 s1, s30  }
0xbb: {  	s0 =	sor.u32 s3, s0;
	s1 =	sshll.u32 s1, $0x11  }
0xbc: {  	s0 =	sor.u32 s1, s0  }
0xbd: {  	s0 =	sadd.s32 $0x8F2B, s0  }
0xbe: {  	[sflag:s0] =	ssyncadd.remote.s32 $0x1  }
0xbf: {  	_ =	sfence.sel $0xFFFF  }
0xc0: {  	[dreg:$0x0] =	wrdreg $0xFFFFFFFF;
	(pc) =	sbr.abs _section_cstart, $3  }
0xc1: {  	[dreg:$0x1] =	wrdreg $0xFFFFFFFF  }
0xc2: {  	_ =	task.clear_ibuf [dreg:s7], $0x2FFFF;
	_ =	strace $0x9FFFFFFF  }
0xc3: {  	(tm) =	ssettm $0x7FFFFFFF  }
tec
execute0_lowered:
.L_overlay_start_1:
0x0: {  	(tag) =	ssettag $0x1  }
0x1: {  	s14 =	rddreg [dreg:$0x0]  }
0x2: {  	s5 =	rddreg [dreg:$0x1]  }
0x3: {  	s1 =	rddreg [dreg:$0x2]  }
0x4: {  	s2 =	srdreg.scid;
	s0 =	rddreg [dreg:$0x3];
	s3 =	simm.s32 $0x0  }
0x5: {  	s17 =	simm.s32 $0x14000;
	s18 =	simm.s32 $0x14080;
	s6 =	sand.u32 $0x1, s2  }
0x6: {  	s19 =	simm.s32 $0x80;
	s2 =	stileid.u32;
	s4 =	smul.u32 $0x140000, s6  }
0x7: {  	s20 =	simm.s32 $0x1;
	[smem:$0x7FF] =	sst s3;
	s7 =	smul.u32 $0x14000, s2  }
0x8: {  	s22 =	simm.s32 $0x0;
	_ =	strace $0x8000004A;
	s9 =	smul.u32 $0x50000, s2  }
0x9: {  	s21 =	sshll.u32 s2, $0x6;
	s8 =	sshll.u32 s6, $0x5;
	s10 =	smul.u32 $0x9C00, s2  }
0xa: {  	s29 =	ssub.s32 $0x2, s6;
	s13 =	smul.u32 $0x4E00, s6;
	p0 =	sgt.u32 s2, $0x1  }
0xb: {  	s26 =	sor.u32 s8, s21;
	s31 =	sshrl.u32 s29, $0x1;
	s21 =	sor.u32 $0x1C02, s21  }
0xc: {  	s4 =	sadd.s32 s7, s4;
	s11 =	sadd.s32 s26, s5;
	s30 =	sshrl.u32 s9, $0x2  }
0xd: {  	s15 =	ssub.s32 s29, s31;
	s13 =	sadd.s32 s13, s10;
	s28 =	sshrl.u32 s4, $0x3  }
0xe: {  	s4 =	sadd.s32 $0x2C00, s5;
	s10 =	sadd.s32 $0x2A00, s11;
	s11 =	sadd.s32 $0x2A10, s11  }
0xf: {  	s16 =	sshrl.u32 s13, $0x3;
	s13 =	smax.u32 s15, $0x1;
	s15 =	simm.s32 $0x14100  }
0x10: {  	s12 =	sadd.s32 s28, s5;
	s5 =	sadd.s32 s30, s1;
	s14 =	sadd.s32 s16, s14  }
0x11: {  	s16 =	simm.s32 $0x2;
	s6 =	sadd.s32 $0x4000, s5;
	s7 =	sadd.s32 $0x8000, s5  }
0x12: {  	v0 =	vimm.f32 $0.0e+00;
	s8 =	sadd.s32 $0xC000, s5;
	s9 =	sadd.s32 $0x10000, s5;
	s12 =	sadd.s32 $0x29E00, s12  }
.LBB2_1:
0x13: {  	s23 =	simm.s32 $0x0;
	s24 =	simm.s32 $0x200  }
.LBB2_2:
0x14: {  	p1 =	sne.s32 s24, $0xFE00;
	[tilespmem:s23+$0x14170] =	vst v0  }
0x15: {  	[tilespmem:s23+$0x14100] =	vst v0  }
0x16: {  	[tilespmem:s23+$0x14110] =	vst v0  }
.Ltmp0:
0x17: {  	[tilespmem:s23+$0x14120] =	vst v0;
	(pc) =	sbr.rel @p1 .LBB2_2-.Ltmp0, $4  }
0x18: {  	[tilespmem:s23+$0x14130] =	vst v0  }
0x19: {  	[tilespmem:s23+$0x14140] =	vst v0  }
0x1a: {  	[tilespmem:s23+$0x14150] =	vst v0  }
0x1b: {  	[tilespmem:s23+$0x14160] =	vst v0;
	s23 =	sshra.s32 s24, $0x2;
	s24 =	sadd.s32 $0x200, s24  }
0x1c: {  	[tilespmem:s23+$0x14170] =	vst v0  }
0x1d: {  	[tilespmem:s23+$0x14100] =	vst v0  }
0x1e: {  	[tilespmem:s23+$0x14110] =	vst v0  }
0x1f: {  	[tilespmem:s23+$0x14120] =	vst v0  }
0x20: {  	[tilespmem:s23+$0x14130] =	vst v0  }
0x21: {  	[tilespmem:s23+$0x14140] =	vst v0  }
0x22: {  	[tilespmem:s23+$0x14150] =	vst v0  }
0x23: {  	[tilespmem:s23+$0x14160] =	vst v0  }
0x24: {  	[spmem:s5] =	stream.linear.scatter [tilespmem:s15], [sflag:$0x2], $0x4000, $0x38;
	[tilespmem:$0x18100] =	vst v63  }
0x25: {  	_ =	swait.ge [sflag:s16], $0x4000  }
0x26: {  	[sflag:s16] =	ssyncset.done $0x0  }
0x27: {  	[sflag:s16] =	ssyncadd.s32 $0xFFFFC000  }
0x28: {  	[spmem:s6] =	stream.linear.scatter [tilespmem:s15], [sflag:$0x2], $0x4000, $0x38;
	[tilespmem:$0x18100] =	vst v63  }
0x29: {  	_ =	swait.ge [sflag:s16], $0x4000  }
0x2a: {  	[sflag:s16] =	ssyncset.done $0x0  }
0x2b: {  	[sflag:s16] =	ssyncadd.s32 $0xFFFFC000  }
0x2c: {  	[spmem:s7] =	stream.linear.scatter [tilespmem:s15], [sflag:$0x2], $0x4000, $0x38;
	[tilespmem:$0x18100] =	vst v63  }
0x2d: {  	_ =	swait.ge [sflag:s16], $0x4000  }
0x2e: {  	[sflag:s16] =	ssyncset.done $0x0  }
0x2f: {  	[sflag:s16] =	ssyncadd.s32 $0xFFFFC000  }
0x30: {  	[spmem:s8] =	stream.linear.scatter [tilespmem:s15], [sflag:$0x2], $0x4000, $0x38;
	[tilespmem:$0x18100] =	vst v63  }
0x31: {  	_ =	swait.ge [sflag:s16], $0x4000  }
0x32: {  	[sflag:s16] =	ssyncset.done $0x0  }
0x33: {  	[sflag:s16] =	ssyncadd.s32 $0xFFFFC000  }
0x34: {  	[spmem:s9] =	stream.linear.scatter [tilespmem:s15], [sflag:$0x2], $0x4000, $0x38;
	[tilespmem:$0x18100] =	vst v63  }
0x35: {  	_ =	swait.ge [sflag:s16], $0x4000  }
0x36: {  	[sflag:s16] =	ssyncset.done $0x0  }
0x37: {  	[sflag:s16] =	ssyncadd.s32 $0xFFFFC000  }
0x38: {  	s31 =	sadd.s32 $0x0, s14;
	[bflag:$0x0] =	sbarrier.arrive $0xFFFF  }
0x39: {  	[tilespmem:s17], [sflag:$0x2] =	stream.linear.gather [hbm4b:s31+s3], $0x80, $0x38;
	[tilespmem:$0x18100] =	vst v63  }
0x3a: {  	_ =	swait.ge [sflag:s16], $0x80  }
0x3b: {  	[sflag:s16] =	ssyncset.done $0x0  }
0x3c: {  	s23 =	sadd.s32 $0x10, s31;
	[sflag:s16] =	ssyncadd.s32 $0xFFFFFF80  }
0x3d: {  	[tilespmem:s18], [sflag:$0x2] =	stream.linear.gather [hbm4b:s23+s3], $0x80, $0x38;
	[tilespmem:$0x18100] =	vst v63  }
0x3e: {  	_ =	swait.ge [sflag:s16], $0x80  }
0x3f: {  	[sflag:s16] =	ssyncset.done $0x0  }
0x40: {  	[sflag:s16] =	ssyncadd.s32 $0xFFFFFF80  }
0x41: {  	[tilespmem:s15], [sflag:$0x1] =	stream.indirect.gather [hbm4b:s4+s19], $0x80, s17, s19, $0xb8;
	[tilespmem:$0x18100] =	vst v63  }
0x42: {  	_ =	swait.ge [sflag:s20], $0x4000  }
0x43: {  	[sflag:s20] =	ssyncset.done $0x0  }
0x44: {  	[sflag:s20] =	ssyncadd.s32 $0xFFFFC000  }
0x45: {  	[spmem:s1] =	stream.indirect.scatter.add.f32 [tilespmem:s15], [sflag:$0x2], $0x80, s18, s19, $0xb8;
	[tilespmem:$0x18100] =	vst v63  }
0x46: {  	_ =	swait.ge [sflag:s16], $0x4000  }
0x47: {  	s24 =	simm.s32 $0x40;
	s23 =	simm.s32 $0x20;
	[sflag:s16] =	ssyncset.done $0x0  }
.LBB2_4:
0x48: {  	s25 =	sadd.s32 s23, s14  }
0x49: {  	[sflag:s16] =	ssyncadd.s32 $0xFFFFC000;
	s23 =	smov.u32 s24;
	s26 =	sadd.s32 $0x20, s24  }
0x4a: {  	[tilespmem:s17], [sflag:$0x2] =	stream.linear.gather [hbm4b:s25+s3], $0x80, $0x38;
	[tilespmem:$0x18100] =	vst v63  }
0x4b: {  	p1 =	sne.s32 s24, $0x9A0;
	_ =	swait.ge [sflag:s16], $0x80  }
0x4c: {  	[sflag:s16] =	ssyncset.done $0x0  }
0x4d: {  	s24 =	sadd.s32 $0x10, s25;
	[sflag:s16] =	ssyncadd.s32 $0xFFFFFF80  }
0x4e: {  	[tilespmem:s18], [sflag:$0x2] =	stream.linear.gather [hbm4b:s24+s3], $0x80, $0x38;
	[tilespmem:$0x18100] =	vst v63  }
0x4f: {  	_ =	swait.ge [sflag:s16], $0x80  }
0x50: {  	[sflag:s16] =	ssyncset.done $0x0  }
0x51: {  	[sflag:s16] =	ssyncadd.s32 $0xFFFFFF80  }
0x52: {  	[tilespmem:s15], [sflag:$0x1] =	stream.indirect.gather [hbm4b:s4+s19], $0x80, s17, s19, $0xb8;
	[tilespmem:$0x18100] =	vst v63  }
0x53: {  	_ =	swait.ge [sflag:s20], $0x4000  }
.Ltmp1:
0x54: {  	[sflag:s20] =	ssyncset.done $0x0;
	(pc) =	sbr.rel @p1 .LBB2_4-.Ltmp1, $4  }
0x55: {  	[sflag:s20] =	ssyncadd.s32 $0xFFFFC000  }
0x56: {  	[spmem:s1] =	stream.indirect.scatter.add.f32 [tilespmem:s15], [sflag:$0x2], $0x80, s18, s19, $0xb8;
	[tilespmem:$0x18100] =	vst v63  }
0x57: {  	_ =	swait.ge [sflag:s16], $0x4000  }
0x58: {  	s24 =	smov.u32 s26;
	[sflag:s16] =	ssyncset.done $0x0  }
0x59: {  	s23 =	sadd.s32 s23, s14;
	[sflag:s16] =	ssyncadd.s32 $0xFFFFC000  }
0x5a: {  	[tilespmem:s17], [sflag:$0x2] =	stream.linear.gather [hbm4b:s23+s3], $0x80, $0x38;
	[tilespmem:$0x18100] =	vst v63  }
0x5b: {  	_ =	swait.ge [sflag:s16], $0x80  }
0x5c: {  	[sflag:s16] =	ssyncset.done $0x0  }
0x5d: {  	s23 =	sadd.s32 $0x10, s23;
	[sflag:s16] =	ssyncadd.s32 $0xFFFFFF80  }
0x5e: {  	[tilespmem:s18], [sflag:$0x2] =	stream.linear.gather [hbm4b:s23+s3], $0x80, $0x38;
	[tilespmem:$0x18100] =	vst v63  }
0x5f: {  	_ =	swait.ge [sflag:s16], $0x80  }
0x60: {  	[sflag:s16] =	ssyncset.done $0x0  }
0x61: {  	[sflag:s16] =	ssyncadd.s32 $0xFFFFFF80  }
0x62: {  	[tilespmem:s15], [sflag:$0x1] =	stream.indirect.gather [hbm4b:s4+s19], $0x80, s17, s19, $0xb8;
	[tilespmem:$0x18100] =	vst v63  }
0x63: {  	_ =	swait.ge [sflag:s20], $0x4000  }
0x64: {  	[sflag:s20] =	ssyncset.done $0x0  }
0x65: {  	[sflag:s20] =	ssyncadd.s32 $0xFFFFC000  }
0x66: {  	[spmem:s1] =	stream.indirect.scatter.add.f32 [tilespmem:s15], [sflag:$0x2], $0x80, s18, s19, $0xb8;
	[tilespmem:$0x18100] =	vst v63  }
0x67: {  	_ =	swait.ge [sflag:s16], $0x4000  }
0x68: {  	s24 =	simm.s32 @!p0 $0x14000;
	[sflag:s16] =	ssyncset.done $0x0  }
0x69: {  	s25 =	simm.s32 @!p0 $0x2;
	s23 =	simm.s32 @!p0 $0x0;
	[sflag:s16] =	ssyncadd.s32 $0xFFFFC000  }
0x6a: {  	[tilespmem:s24], [sflag:$0x2] =	stream.linear.gather @!p0 [hbm4b:s10+s23], $0x80, $0x38;
	[tilespmem:$0x18100] =	vst v63  }
0x6b: {  	_ =	swait.ge @!p0 [sflag:s25], $0x80  }
0x6c: {  	[sflag:s25] =	ssyncset.done @!p0 $0x0  }
0x6d: {  	s26 =	simm.s32 @!p0 $0x14080;
	[sflag:s25] =	ssyncadd.s32 @!p0 $0xFFFFFF80  }
0x6e: {  	[tilespmem:s26], [sflag:$0x2] =	stream.linear.gather @!p0 [hbm4b:s11+s23], $0x80, $0x38;
	[tilespmem:$0x18100] =	vst v63  }
0x6f: {  	_ =	swait.ge @!p0 [sflag:s25], $0x80  }
0x70: {  	[sflag:s25] =	ssyncset.done @!p0 $0x0  }
0x71: {  	s28 =	simm.s32 @!p0 $0x14100;
	s23 =	simm.s32 @!p0 $0x80;
	[sflag:s25] =	ssyncadd.s32 @!p0 $0xFFFFFF80  }
0x72: {  	[tilespmem:s28], [sflag:$0x1] =	stream.indirect.gather @!p0 [hbm4b:s4+s23], $0x80, s24, s23, $0xb8;
	[tilespmem:$0x18100] =	vst v63  }
0x73: {  	s24 =	simm.s32 @!p0 $0x1  }
0x74: {  	_ =	swait.ge @!p0 [sflag:s24], $0x4000  }
0x75: {  	[sflag:s24] =	ssyncset.done @!p0 $0x0  }
0x76: {  	[sflag:s24] =	ssyncadd.s32 @!p0 $0xFFFFC000  }
0x77: {  	[spmem:s1] =	stream.indirect.scatter.add.f32 @!p0 [tilespmem:s28], [sflag:$0x2], $0x80, s26, s23, $0xb8;
	[tilespmem:$0x18100] =	vst v63  }
0x78: {  	_ =	swait.ge @!p0 [sflag:s25], $0x4000  }
0x79: {  	s22 =	sadd.s32 $0x1, s22;
	[sflag:s25] =	ssyncset.done @!p0 $0x0  }
0x7a: {  	p1 =	sne.s32 s22, s13;
	[sflag:s25] =	ssyncadd.s32 @!p0 $0xFFFFC000  }
.Ltmp2:
0x7b: {  	s31 =	sshrl.u32 s5, $0x3;
	[bflag:$0x0] =	sbarrier.arrive $0xFFFF;
	(pc) =	sbr.rel @p1 .LBB2_1-.Ltmp2, $4  }
0x7c: {  	[hbm:s12], [sflag:s21] =	dma.local [spmem:s31], $0x2800  }
0x7d: {  	_ =	swait.ge [sflag:s16], $0x2800  }
0x7e: {  	[sflag:s16] =	ssyncset.done $0x0  }
0x7f: {  	[sflag:s16] =	ssyncadd.s32 $0xFFFFD800  }
0x80: {  	_ =	sfence.sel $0x180000  }
0x81: {  	[bflag:$0x0] =	sbarrier.arrive $0xFFFF  }
0x82: {  	p0 =	sne.s32 s2, $0x0;
	_ =	strace $0x9000004A  }
0x83: {  	s0 =	sadd.s32 @!p0 $0x100000, s0;
	[bflag:$0x2] =	sbarrier.arrive $0xFFFF  }
0x84: {  	[sflag:s0] =	ssyncadd.tile.s32 @!p0 $0x1;
	_ =	shalt  }
.Lfunc_end2:
_tile_overlayer_lowered:
.L_overlay_start_2:
0x85: {  	(tag) =	ssettag $0x2  }
0x86: {  	s0 =	rddreg [dreg:$0x0];
	s2 =	stileid.u32  }
0x87: {  	s1 =	rddreg [dreg:$0x1];
	p0 =	sne.s32 s2, $0x0  }
0x88: {  	s3 =	rddreg [dreg:$0x2];
	[bflag:$0x3] =	sbarrier.arrive $0xFFFF;
	s2 =	simm.s32 @!p0 $0x1C02  }
0x89: {  	[timem:s3], [sflag:s2] =	dma.local @!p0 [hbm:s0], s1  }
0x8a: {  	s0 =	simm.s32 @!p0 $0x2  }
0x8b: {  	_ =	swait.ge @!p0 [sflag:s0], s1  }
0x8c: {  	s1 =	ssub.s32 @!p0 $0x0, s1;
	[sflag:s0] =	ssyncset.done @!p0 $0x0  }
0x8d: {  	[sflag:s0] =	ssyncadd.s32 @!p0 s1  }
0x8e: {  	[bflag:$0x3] =	sbarrier.arrive $0xFFFF  }
0x8f: {  	_ =	shalt  }

// kernel: kernel.14.cloned.1.call-start
scs
__scs_entry_jumppad:
0x0: {  	(pc) =	sbr.rel $0x88, $3  }
0x1: {  	(tag) =	ssettag $0x0;
	lr =	simm.s32 $0x1  }
0x2: {  	[smem:$0x3F99] =	sst lr;
	_ =	strace $0xD0000000  }
0x3: {  	_ = 	snop  }
0x4: {  	_ = 	snop  }
0x5: {  	_ = 	snop  }
0x6: {  	_ = 	snop  }
0x7: {  	_ = 	snop  }
__scs_overlays_trampoline_lowered:
0x8: {  	[smem:$0x3FA8] =	sst s0  }
0x9: {  	[smem:$0x3FA9] =	sst s1  }
0xa: {  	[smem:$0x3FAA] =	sst s2  }
0xb: {  	[smem:$0x3FAB] =	sst s3  }
0xc: {  	[smem:$0x3FAC] =	sst s4  }
0xd: {  	[smem:$0x3FAD] =	sst s5  }
0xe: {  	[smem:$0x3FAE] =	sst s6  }
0xf: {  	[smem:$0x3FAF] =	sst s7  }
0x10: {  	[smem:$0x3FB0] =	sst s8  }
0x11: {  	[smem:$0x3FB1] =	sst s9;
	s0 =	simm.s32 @!p0 $0x0  }
0x12: {  	s1 =	sld [smem:$0x3F97];
	s0 =	simm.s32 @p0 $0x1  }
0x13: {  	[smem:$0x3FB2] =	sst s0;
	s0 =	simm.s32 @!p1 $0x0  }
0x14: {  	s2 =	sld [smem:$0x3F96];
	s0 =	simm.s32 @p1 $0x1  }
0x15: {  	[smem:$0x3FB3] =	sst s0;
	s0 =	simm.s32 @!p2 $0x0  }
0x16: {  	s3 =	sld [smem:$0x3FDB];
	s0 =	simm.s32 @p2 $0x1  }
0x17: {  	s4 =	simm.s32 $0x1BF5;
	[smem:$0x3FB5] =	sst s0  }
0x18: {  	s0 =	sld [smem:$0x3F98];
	_ =	swait.ge [sflag:s4], $0x0  }
0x19: {  	s7 =	sld [smem:$0x3F99]  }
0x1a: {  	s8 =	sadd.s32 $0xFFFFE003, lr  }
0x1b: {  	s9 =	sadd.s32 $0xFFFFFEF7, lr;
	s5 =	simm.s32 $0xFFFFFFFF;
	p2 =	slt.u32 s8, $0xFFFFF086  }
0x1c: {  	p1 =	slt.u32 s9, $0xF7A;
	s5 =	simm.s32 @!p2 $0x0  }
0x1d: {  	s5 =	simm.s32 @p1 $0x1;
	p0 =	seq.s32 s7, s2  }
0x1e: {  	s7 =	smul.u32 @!p0 $0xF7A, s2;
	p2 =	seq.s32 @!p0 s5, $0x0  }
0x1f: {  	s9 =	smul.u32 $0xF7A, s1;
	s8 =	simm.s32 @!p0 $0x1BF5;
	p2 =	por !p2, p0  }
0x20: {  	[sflag:s8] =	ssyncset.s32 @!p0 $0xFFFFF086;
	s6 =	sadd.s32 @!p0 s3, s7;
	s7 =	simm.s32 @!p0 $0x108  }
0x21: {  	s3 =	sadd.s32 s3, s9;
	s6 =	sadd.s32 @!p0 $0x88, s6;
	s7 =	simm.s32 @p2 $0x1082  }
0x22: {  	[simem:s7], [sflag:s8] =	dma.local @!p0 [hbm:s6], $0xF7A  }
0x23: {  	s9 =	sor.u32 $0xD0000000, s2;
	s6 =	simm.s32 $0x108;
	_ =	swait.ge @!p0 [sflag:s8], $0x0  }
0x24: {  	s3 =	sadd.s32 $0x88, s3;
	s6 =	simm.s32 @!p1 $0x1082;
	[sflag:s4] =	ssyncset.s32 $0xFFFFF086  }
0x25: {  	[simem:s6], [sflag:s4] =	dma.local [hbm:s3], $0xF7A  }
0x26: {  	[smem:$0x3F99] =	sst s1;
	(tag) =	ssettag s2;
	_ =	strace s9  }
0x27: {  	s1 =	sld [smem:$0x3FA9]  }
0x28: {  	s2 =	sld [smem:$0x3FAA]  }
0x29: {  	s4 =	sld [smem:$0x3FAC]  }
0x2a: {  	p0 =	seq.s32 s5, $0x0;
	s5 =	sld [smem:$0x3FAD]  }
0x2b: {  	s6 =	sld [smem:$0x3FAE]  }
0x2c: {  	s7 =	sld [smem:$0x3FAF]  }
0x2d: {  	s3 =	simm.s32 $0x108;
	s8 =	sld [smem:$0x3FB0]  }
0x2e: {  	s3 =	simm.s32 @!p0 $0x1082;
	s9 =	sld [smem:$0x3FB1]  }
0x2f: {  	lr =	sadd.s32 s0, s3;
	s0 =	sld [smem:$0x3FA8]  }
0x30: {  	s3 =	sld [smem:$0x3FAB]  }
0x31: {  	[smem:$0x3FB4] =	sst s10  }
0x32: {  	s10 =	sld [smem:$0x3FB2];
	_ =	sdelay $0x3  }
0x33: {  	p0 =	seq.s32 s10, $0x1;
	s10 =	sld [smem:$0x3FB4];
	_ =	sdelay $0x3  }
0x34: {  	[smem:$0x3FB4] =	sst s10  }
0x35: {  	s10 =	sld [smem:$0x3FB3];
	_ =	sdelay $0x3  }
0x36: {  	p1 =	seq.s32 s10, $0x1;
	s10 =	sld [smem:$0x3FB4];
	_ =	sdelay $0x3  }
0x37: {  	[smem:$0x3FB4] =	sst s10  }
0x38: {  	s10 =	sld [smem:$0x3FB5]  }
0x39: {  	_ = 	snop;
	(pc) =	sbr.ind lr, $3  }
0x3a: {  	_ = 	snop  }
0x3b: {  	_ = 	snop  }
0x3c: {  	p2 =	seq.s32 s10, $0x1;
	s10 =	sld [smem:$0x3FB4]  }
0x3d: {  	_ =	shalt  }
0x3e: {  	_ =	shalt  }
0x3f: {  	_ =	shalt  }
0x40: {  	_ =	shalt  }
0x41: {  	_ =	shalt  }
0x42: {  	_ =	shalt  }
0x43: {  	_ =	shalt  }
0x44: {  	_ =	shalt  }
0x45: {  	_ =	shalt  }
0x46: {  	_ =	shalt  }
0x47: {  	_ =	shalt  }
0x48: {  	_ =	shalt  }
0x49: {  	_ =	shalt  }
0x4a: {  	_ =	shalt  }
0x4b: {  	_ =	shalt  }
0x4c: {  	_ =	shalt  }
0x4d: {  	_ =	shalt  }
0x4e: {  	_ =	shalt  }
0x4f: {  	_ =	shalt  }
0x50: {  	_ =	shalt  }
0x51: {  	_ =	shalt  }
0x52: {  	_ =	shalt  }
0x53: {  	_ =	shalt  }
0x54: {  	_ =	shalt  }
0x55: {  	_ =	shalt  }
0x56: {  	_ =	shalt  }
0x57: {  	_ =	shalt  }
0x58: {  	_ =	shalt  }
0x59: {  	_ =	shalt  }
0x5a: {  	_ =	shalt  }
0x5b: {  	_ =	shalt  }
0x5c: {  	_ =	shalt  }
0x5d: {  	_ =	shalt  }
0x5e: {  	_ =	shalt  }
0x5f: {  	_ =	shalt  }
0x60: {  	_ =	shalt  }
0x61: {  	_ =	shalt  }
0x62: {  	_ =	shalt  }
0x63: {  	_ =	shalt  }
0x64: {  	_ =	shalt  }
0x65: {  	_ =	shalt  }
0x66: {  	_ =	shalt  }
0x67: {  	_ =	shalt  }
0x68: {  	_ =	shalt  }
0x69: {  	_ =	shalt  }
0x6a: {  	_ =	shalt  }
0x6b: {  	_ =	shalt  }
0x6c: {  	_ =	shalt  }
0x6d: {  	_ =	shalt  }
0x6e: {  	_ =	shalt  }
0x6f: {  	_ =	shalt  }
0x70: {  	_ =	shalt  }
0x71: {  	_ =	shalt  }
0x72: {  	_ =	shalt  }
0x73: {  	_ =	shalt  }
0x74: {  	_ =	shalt  }
0x75: {  	_ =	shalt  }
0x76: {  	_ =	shalt  }
0x77: {  	_ =	shalt  }
0x78: {  	_ =	shalt  }
0x79: {  	_ =	shalt  }
0x7a: {  	_ =	shalt  }
0x7b: {  	_ =	shalt  }
0x7c: {  	_ =	shalt  }
0x7d: {  	_ =	shalt  }
0x7e: {  	_ =	shalt  }
0x7f: {  	_ =	shalt  }
0x80: {  	_ =	shalt  }
0x81: {  	_ =	shalt  }
0x82: {  	_ =	shalt  }
0x83: {  	_ =	shalt  }
0x84: {  	_ =	shalt  }
0x85: {  	_ =	shalt  }
0x86: {  	_ =	shalt  }
0x87: {  	_ =	shalt  }
.Lfunc_end0:
.L_simem_size_0:
called_computation.2_lowered:
.L_overlay_start_0:
0x88: {  	s2 =	sld [smem:$0x3FD9]  }
0x89: {  	s3 =	sld [smem:$0x3FFE];
	_ =	sdelay $0x1  }
0x8a: {  	s1 =	srdreg.scid  }
0x8b: {  	s0 =	sand.u32 $0x1, s1  }
0x8c: {  	s17 =	sshll.u32 s0, $0xA;
	s2 =	sadd.s32 s3, s2  }
0x8d: {  	s2 =	sadd.s32 s2, s17  }
0x8e: {  	[smem:$0x3FC0] =	sst s2  }
0x8f: {  	_ = 	snop  }
0x90: {  	s2 =	sld [smem:$0x3FD0];
	(tm) =	ssettm $0x1  }
0x91: {  	s18 =	sld [smem:$0x3FFB];
	_ =	sdelay $0x3  }
0x92: {  	_ =	strace s18  }
0x93: {  	s3 =	sld [smem:$0x3FFC];
	_ =	sdelay $0x3  }
0x94: {  	_ =	strace s3  }
0x95: {  	s3 =	sld [smem:$0x3FFD];
	_ =	sdelay $0x3  }
0x96: {  	_ =	strace s3  }
0x97: {  	_ =	strace $0x8FFFFFFF  }
0x98: {  	s19 =	sld [smem:$0x3FDB];
	_ =	sdelay $0x1  }
0x99: {  	s4 =	simm.s32 $_scs_section_size  }
0x9a: {  	s5 =	simm.s32 $_size__tile_overlayer_lowered;
	s6 =	simm.s32 $_tile_overlayer_lowered  }
0x9b: {  	s22 =	simm.s32 $0x1BFF;
	s21 =	sshll.u32 s6, $0x1;
	s3 =	sadd.s32 s4, s19  }
0x9c: {  	s7 =	simm.s32 $0x0;
	s20 =	sshll.u32 s5, $0x1;
	s5 =	sadd.s32 s21, s3  }
0x9d: {  	[timem:s7], [sflag:s22] =	dma.local [hbm:s5], s20  }
0x9e: {  	_ =	swait.ge [sflag:s22], s20  }
0x9f: {  	s4 =	ssub.s32 $0x0, s20;
	[sflag:s22] =	ssyncset.done $0x0  }
0xa0: {  	[sflag:s22] =	ssyncadd.s32 s4;
	_ =	sdelay $0x1  }
0xa1: {  	s23 =	simm.s32 $0x1B8B  }
0xa2: {  	_ =	swait.ge [sflag:s23], $0x1  }
0xa3: {  	[sflag:s23] =	ssyncset.done $0x0  }
0xa4: {  	s25 =	simm.s32 $0x1B8E;
	s24 =	sld [smem:$0x3FFE];
	[sflag:s23] =	ssyncadd.s32 $0xFFFFFFFF  }
0xa5: {  	s26 =	simm.s32 $execute0_lowered;
	[smem:$0x3FD2] =	sst s25  }
0xa6: {  	s5 =	sshll.u32 s26, $0x1;
	_ =	strace $0x8000004C;
	[dreg:$0x1] =	wrdreg $0xFFFFFFFF  }
0xa7: {  	s28 =	simm.s32 $_size_execute0_lowered;
	s3 =	sadd.s32 s3, s5;
	[dreg:$0x0] =	wrdreg $0x0  }
0xa8: {  	s5 =	sshll.u32 s28, $0x1;
	[dreg:$0x2] =	wrdreg s3  }
0xa9: {  	[dreg:$0x3] =	wrdreg s5  }
0xaa: {  	[dreg:$0x4] =	wrdreg $0xC0  }
0xab: {  	_ =	task [dreg:s7], $0x5FFFF  }
0xac: {  	[dreg:$0x1] =	wrdreg $0xFFFFFFFF  }
0xad: {  	[dreg:$0x0] =	wrdreg $0x60  }
0xae: {  	[dreg:$0x2] =	wrdreg s2  }
0xaf: {  	[dreg:$0x3] =	wrdreg s24  }
0xb0: {  	[dreg:$0x4] =	wrdreg $0x0  }
0xb1: {  	[dreg:$0x5] =	wrdreg $0x9  }
0xb2: {  	_ =	task.clear_ibuf [dreg:s7], $0x6FFFF;
	_ =	strace $0x9000004C  }
0xb3: {  	s29 =	simm.s32 $0x9;
	_ =	strace $0x8000004E  }
0xb4: {  	_ =	swait.ge [sflag:s29], $0x1  }
0xb5: {  	[sflag:s29] =	ssyncadd.s32 $0xFFFFFFFF  }
0xb6: {  	_ =	strace $0x9000004E  }
0xb7: {  	_ =	sfence  }
0xb8: {  	s30 =	sld [smem:$0x0];
	_ =	sdelay $0x2  }
0xb9: {  	s31 =	sshll.u32 s1, $0xD;
	s1 =	sshrl.u32 s1, $0x2  }
0xba: {  	s3 =	sand.u32 $0x4000, s31;
	s1 =	sadd.s32 s1, s30  }
0xbb: {  	s0 =	sor.u32 s3, s0;
	s1 =	sshll.u32 s1, $0x11  }
0xbc: {  	s0 =	sor.u32 s1, s0  }
0xbd: {  	s0 =	sadd.s32 $0x8F2B, s0  }
0xbe: {  	[sflag:s0] =	ssyncadd.remote.s32 $0x1  }
0xbf: {  	_ =	sfence.sel $0xFFFF  }
0xc0: {  	[dreg:$0x0] =	wrdreg $0xFFFFFFFF;
	(pc) =	sbr.abs _section_cstart, $3  }
0xc1: {  	[dreg:$0x1] =	wrdreg $0xFFFFFFFF  }
0xc2: {  	_ =	task.clear_ibuf [dreg:s7], $0x2FFFF;
	_ =	strace $0x9FFFFFFF  }
0xc3: {  	(tm) =	ssettm $0x7FFFFFFF  }
tec
execute0_lowered:
.L_overlay_start_1:
0x0: {  	(tag) =	ssettag $0x1  }
0x1: {  	s14 =	rddreg [dreg:$0x0]  }
0x2: {  	s5 =	rddreg [dreg:$0x1]  }
0x3: {  	s1 =	rddreg [dreg:$0x2]  }
0x4: {  	s2 =	srdreg.scid;
	s0 =	rddreg [dreg:$0x3];
	s3 =	simm.s32 $0x0  }
0x5: {  	s17 =	simm.s32 $0x14000;
	s18 =	simm.s32 $0x14080;
	s6 =	sand.u32 $0x1, s2  }
0x6: {  	s19 =	simm.s32 $0x80;
	s2 =	stileid.u32;
	s4 =	smul.u32 $0x140000, s6  }
0x7: {  	s20 =	simm.s32 $0x1;
	[smem:$0x7FF] =	sst s3;
	s7 =	smul.u32 $0x14000, s2  }
0x8: {  	s22 =	simm.s32 $0x0;
	_ =	strace $0x8000004D;
	s9 =	smul.u32 $0x50000, s2  }
0x9: {  	s21 =	sshll.u32 s2, $0x6;
	s8 =	sshll.u32 s6, $0x5;
	s10 =	smul.u32 $0x9C00, s2  }
0xa: {  	s29 =	ssub.s32 $0x2, s6;
	s13 =	smul.u32 $0x4E00, s6;
	p0 =	sgt.u32 s2, $0x1  }
0xb: {  	s26 =	sor.u32 s8, s21;
	s31 =	sshrl.u32 s29, $0x1;
	s21 =	sor.u32 $0x1C02, s21  }
0xc: {  	s4 =	sadd.s32 s7, s4;
	s11 =	sadd.s32 s26, s5;
	s30 =	sshrl.u32 s9, $0x2  }
0xd: {  	s15 =	ssub.s32 s29, s31;
	s13 =	sadd.s32 s13, s10;
	s28 =	sshrl.u32 s4, $0x3  }
0xe: {  	s4 =	sadd.s32 $0x2C00, s5;
	s10 =	sadd.s32 $0x2A00, s11;
	s11 =	sadd.s32 $0x2A10, s11  }
0xf: {  	s16 =	sshrl.u32 s13, $0x3;
	s13 =	smax.u32 s15, $0x1;
	s15 =	simm.s32 $0x14100  }
0x10: {  	s12 =	sadd.s32 s28, s5;
	s5 =	sadd.s32 s30, s1;
	s14 =	sadd.s32 s16, s14  }
0x11: {  	s16 =	simm.s32 $0x2;
	s6 =	sadd.s32 $0x4000, s5;
	s7 =	sadd.s32 $0x8000, s5  }
0x12: {  	v0 =	vimm.f32 $0.0e+00;
	s8 =	sadd.s32 $0xC000, s5;
	s9 =	sadd.s32 $0x10000, s5;
	s12 =	sadd.s32 $0x29E00, s12  }
.LBB2_1:
0x13: {  	s23 =	simm.s32 $0x0;
	s24 =	simm.s32 $0x200  }
.LBB2_2:
0x14: {  	p1 =	sne.s32 s24, $0xFE00;
	[tilespmem:s23+$0x14170] =	vst v0  }
0x15: {  	[tilespmem:s23+$0x14100] =	vst v0  }
0x16: {  	[tilespmem:s23+$0x14110] =	vst v0  }
.Ltmp0:
0x17: {  	[tilespmem:s23+$0x14120] =	vst v0;
	(pc) =	sbr.rel @p1 .LBB2_2-.Ltmp0, $4  }
0x18: {  	[tilespmem:s23+$0x14130] =	vst v0  }
0x19: {  	[tilespmem:s23+$0x14140] =	vst v0  }
0x1a: {  	[tilespmem:s23+$0x14150] =	vst v0  }
0x1b: {  	[tilespmem:s23+$0x14160] =	vst v0;
	s23 =	sshra.s32 s24, $0x2;
	s24 =	sadd.s32 $0x200, s24  }
0x1c: {  	[tilespmem:s23+$0x14170] =	vst v0  }
0x1d: {  	[tilespmem:s23+$0x14100] =	vst v0  }
0x1e: {  	[tilespmem:s23+$0x14110] =	vst v0  }
0x1f: {  	[tilespmem:s23+$0x14120] =	vst v0  }
0x20: {  	[tilespmem:s23+$0x14130] =	vst v0  }
0x21: {  	[tilespmem:s23+$0x14140] =	vst v0  }
0x22: {  	[tilespmem:s23+$0x14150] =	vst v0  }
0x23: {  	[tilespmem:s23+$0x14160] =	vst v0  }
0x24: {  	[spmem:s5] =	stream.linear.scatter [tilespmem:s15], [sflag:$0x2], $0x4000, $0x38;
	[tilespmem:$0x18100] =	vst v63  }
0x25: {  	_ =	swait.ge [sflag:s16], $0x4000  }
0x26: {  	[sflag:s16] =	ssyncset.done $0x0  }
0x27: {  	[sflag:s16] =	ssyncadd.s32 $0xFFFFC000  }
0x28: {  	[spmem:s6] =	stream.linear.scatter [tilespmem:s15], [sflag:$0x2], $0x4000, $0x38;
	[tilespmem:$0x18100] =	vst v63  }
0x29: {  	_ =	swait.ge [sflag:s16], $0x4000  }
0x2a: {  	[sflag:s16] =	ssyncset.done $0x0  }
0x2b: {  	[sflag:s16] =	ssyncadd.s32 $0xFFFFC000  }
0x2c: {  	[spmem:s7] =	stream.linear.scatter [tilespmem:s15], [sflag:$0x2], $0x4000, $0x38;
	[tilespmem:$0x18100] =	vst v63  }
0x2d: {  	_ =	swait.ge [sflag:s16], $0x4000  }
0x2e: {  	[sflag:s16] =	ssyncset.done $0x0  }
0x2f: {  	[sflag:s16] =	ssyncadd.s32 $0xFFFFC000  }
0x30: {  	[spmem:s8] =	stream.linear.scatter [tilespmem:s15], [sflag:$0x2], $0x4000, $0x38;
	[tilespmem:$0x18100] =	vst v63  }
0x31: {  	_ =	swait.ge [sflag:s16], $0x4000  }
0x32: {  	[sflag:s16] =	ssyncset.done $0x0  }
0x33: {  	[sflag:s16] =	ssyncadd.s32 $0xFFFFC000  }
0x34: {  	[spmem:s9] =	stream.linear.scatter [tilespmem:s15], [sflag:$0x2], $0x4000, $0x38;
	[tilespmem:$0x18100] =	vst v63  }
0x35: {  	_ =	swait.ge [sflag:s16], $0x4000  }
0x36: {  	[sflag:s16] =	ssyncset.done $0x0  }
0x37: {  	[sflag:s16] =	ssyncadd.s32 $0xFFFFC000  }
0x38: {  	s31 =	sadd.s32 $0x0, s14;
	[bflag:$0x0] =	sbarrier.arrive $0xFFFF  }
0x39: {  	[tilespmem:s17], [sflag:$0x2] =	stream.linear.gather [hbm4b:s31+s3], $0x80, $0x38;
	[tilespmem:$0x18100] =	vst v63  }
0x3a: {  	_ =	swait.ge [sflag:s16], $0x80  }
0x3b: {  	[sflag:s16] =	ssyncset.done $0x0  }
0x3c: {  	s23 =	sadd.s32 $0x10, s31;
	[sflag:s16] =	ssyncadd.s32 $0xFFFFFF80  }
0x3d: {  	[tilespmem:s18], [sflag:$0x2] =	stream.linear.gather [hbm4b:s23+s3], $0x80, $0x38;
	[tilespmem:$0x18100] =	vst v63  }
0x3e: {  	_ =	swait.ge [sflag:s16], $0x80  }
0x3f: {  	[sflag:s16] =	ssyncset.done $0x0  }
0x40: {  	[sflag:s16] =	ssyncadd.s32 $0xFFFFFF80  }
0x41: {  	[tilespmem:s15], [sflag:$0x1] =	stream.indirect.gather [hbm4b:s4+s19], $0x80, s17, s19, $0xb8;
	[tilespmem:$0x18100] =	vst v63  }
0x42: {  	_ =	swait.ge [sflag:s20], $0x4000  }
0x43: {  	[sflag:s20] =	ssyncset.done $0x0  }
0x44: {  	[sflag:s20] =	ssyncadd.s32 $0xFFFFC000  }
0x45: {  	[spmem:s1] =	stream.indirect.scatter.add.f32 [tilespmem:s15], [sflag:$0x2], $0x80, s18, s19, $0xb8;
	[tilespmem:$0x18100] =	vst v63  }
0x46: {  	_ =	swait.ge [sflag:s16], $0x4000  }
0x47: {  	s24 =	simm.s32 $0x40;
	s23 =	simm.s32 $0x20;
	[sflag:s16] =	ssyncset.done $0x0  }
.LBB2_4:
0x48: {  	s25 =	sadd.s32 s23, s14  }
0x49: {  	[sflag:s16] =	ssyncadd.s32 $0xFFFFC000;
	s23 =	smov.u32 s24;
	s26 =	sadd.s32 $0x20, s24  }
0x4a: {  	[tilespmem:s17], [sflag:$0x2] =	stream.linear.gather [hbm4b:s25+s3], $0x80, $0x38;
	[tilespmem:$0x18100] =	vst v63  }
0x4b: {  	p1 =	sne.s32 s24, $0x9A0;
	_ =	swait.ge [sflag:s16], $0x80  }
0x4c: {  	[sflag:s16] =	ssyncset.done $0x0  }
0x4d: {  	s24 =	sadd.s32 $0x10, s25;
	[sflag:s16] =	ssyncadd.s32 $0xFFFFFF80  }
0x4e: {  	[tilespmem:s18], [sflag:$0x2] =	stream.linear.gather [hbm4b:s24+s3], $0x80, $0x38;
	[tilespmem:$0x18100] =	vst v63  }
0x4f: {  	_ =	swait.ge [sflag:s16], $0x80  }
0x50: {  	[sflag:s16] =	ssyncset.done $0x0  }
0x51: {  	[sflag:s16] =	ssyncadd.s32 $0xFFFFFF80  }
0x52: {  	[tilespmem:s15], [sflag:$0x1] =	stream.indirect.gather [hbm4b:s4+s19], $0x80, s17, s19, $0xb8;
	[tilespmem:$0x18100] =	vst v63  }
0x53: {  	_ =	swait.ge [sflag:s20], $0x4000  }
.Ltmp1:
0x54: {  	[sflag:s20] =	ssyncset.done $0x0;
	(pc) =	sbr.rel @p1 .LBB2_4-.Ltmp1, $4  }
0x55: {  	[sflag:s20] =	ssyncadd.s32 $0xFFFFC000  }
0x56: {  	[spmem:s1] =	stream.indirect.scatter.add.f32 [tilespmem:s15], [sflag:$0x2], $0x80, s18, s19, $0xb8;
	[tilespmem:$0x18100] =	vst v63  }
0x57: {  	_ =	swait.ge [sflag:s16], $0x4000  }
0x58: {  	s24 =	smov.u32 s26;
	[sflag:s16] =	ssyncset.done $0x0  }
0x59: {  	s23 =	sadd.s32 s23, s14;
	[sflag:s16] =	ssyncadd.s32 $0xFFFFC000  }
0x5a: {  	[tilespmem:s17], [sflag:$0x2] =	stream.linear.gather [hbm4b:s23+s3], $0x80, $0x38;
	[tilespmem:$0x18100] =	vst v63  }
0x5b: {  	_ =	swait.ge [sflag:s16], $0x80  }
0x5c: {  	[sflag:s16] =	ssyncset.done $0x0  }
0x5d: {  	s23 =	sadd.s32 $0x10, s23;
	[sflag:s16] =	ssyncadd.s32 $0xFFFFFF80  }
0x5e: {  	[tilespmem:s18], [sflag:$0x2] =	stream.linear.gather [hbm4b:s23+s3], $0x80, $0x38;
	[tilespmem:$0x18100] =	vst v63  }
0x5f: {  	_ =	swait.ge [sflag:s16], $0x80  }
0x60: {  	[sflag:s16] =	ssyncset.done $0x0  }
0x61: {  	[sflag:s16] =	ssyncadd.s32 $0xFFFFFF80  }
0x62: {  	[tilespmem:s15], [sflag:$0x1] =	stream.indirect.gather [hbm4b:s4+s19], $0x80, s17, s19, $0xb8;
	[tilespmem:$0x18100] =	vst v63  }
0x63: {  	_ =	swait.ge [sflag:s20], $0x4000  }
0x64: {  	[sflag:s20] =	ssyncset.done $0x0  }
0x65: {  	[sflag:s20] =	ssyncadd.s32 $0xFFFFC000  }
0x66: {  	[spmem:s1] =	stream.indirect.scatter.add.f32 [tilespmem:s15], [sflag:$0x2], $0x80, s18, s19, $0xb8;
	[tilespmem:$0x18100] =	vst v63  }
0x67: {  	_ =	swait.ge [sflag:s16], $0x4000  }
0x68: {  	s24 =	simm.s32 @!p0 $0x14000;
	[sflag:s16] =	ssyncset.done $0x0  }
0x69: {  	s25 =	simm.s32 @!p0 $0x2;
	s23 =	simm.s32 @!p0 $0x0;
	[sflag:s16] =	ssyncadd.s32 $0xFFFFC000  }
0x6a: {  	[tilespmem:s24], [sflag:$0x2] =	stream.linear.gather @!p0 [hbm4b:s10+s23], $0x80, $0x38;
	[tilespmem:$0x18100] =	vst v63  }
0x6b: {  	_ =	swait.ge @!p0 [sflag:s25], $0x80  }
0x6c: {  	[sflag:s25] =	ssyncset.done @!p0 $0x0  }
0x6d: {  	s26 =	simm.s32 @!p0 $0x14080;
	[sflag:s25] =	ssyncadd.s32 @!p0 $0xFFFFFF80  }
0x6e: {  	[tilespmem:s26], [sflag:$0x2] =	stream.linear.gather @!p0 [hbm4b:s11+s23], $0x80, $0x38;
	[tilespmem:$0x18100] =	vst v63  }
0x6f: {  	_ =	swait.ge @!p0 [sflag:s25], $0x80  }
0x70: {  	[sflag:s25] =	ssyncset.done @!p0 $0x0  }
0x71: {  	s28 =	simm.s32 @!p0 $0x14100;
	s23 =	simm.s32 @!p0 $0x80;
	[sflag:s25] =	ssyncadd.s32 @!p0 $0xFFFFFF80  }
0x72: {  	[tilespmem:s28], [sflag:$0x1] =	stream.indirect.gather @!p0 [hbm4b:s4+s23], $0x80, s24, s23, $0xb8;
	[tilespmem:$0x18100] =	vst v63  }
0x73: {  	s24 =	simm.s32 @!p0 $0x1  }
0x74: {  	_ =	swait.ge @!p0 [sflag:s24], $0x4000  }
0x75: {  	[sflag:s24] =	ssyncset.done @!p0 $0x0  }
0x76: {  	[sflag:s24] =	ssyncadd.s32 @!p0 $0xFFFFC000  }
0x77: {  	[spmem:s1] =	stream.indirect.scatter.add.f32 @!p0 [tilespmem:s28], [sflag:$0x2], $0x80, s26, s23, $0xb8;
	[tilespmem:$0x18100] =	vst v63  }
0x78: {  	_ =	swait.ge @!p0 [sflag:s25], $0x4000  }
0x79: {  	s22 =	sadd.s32 $0x1, s22;
	[sflag:s25] =	ssyncset.done @!p0 $0x0  }
0x7a: {  	p1 =	sne.s32 s22, s13;
	[sflag:s25] =	ssyncadd.s32 @!p0 $0xFFFFC000  }
.Ltmp2:
0x7b: {  	s31 =	sshrl.u32 s5, $0x3;
	[bflag:$0x0] =	sbarrier.arrive $0xFFFF;
	(pc) =	sbr.rel @p1 .LBB2_1-.Ltmp2, $4  }
0x7c: {  	[hbm:s12], [sflag:s21] =	dma.local [spmem:s31], $0x2800  }
0x7d: {  	_ =	swait.ge [sflag:s16], $0x2800  }
0x7e: {  	[sflag:s16] =	ssyncset.done $0x0  }
0x7f: {  	[sflag:s16] =	ssyncadd.s32 $0xFFFFD800  }
0x80: {  	_ =	sfence.sel $0x180000  }
0x81: {  	[bflag:$0x0] =	sbarrier.arrive $0xFFFF  }
0x82: {  	p0 =	sne.s32 s2, $0x0;
	_ =	strace $0x9000004D  }
0x83: {  	s0 =	sadd.s32 @!p0 $0x100000, s0;
	[bflag:$0x2] =	sbarrier.arrive $0xFFFF  }
0x84: {  	[sflag:s0] =	ssyncadd.tile.s32 @!p0 $0x1;
	_ =	shalt  }
.Lfunc_end2:
_tile_overlayer_lowered:
.L_overlay_start_2:
0x85: {  	(tag) =	ssettag $0x2  }
0x86: {  	s0 =	rddreg [dreg:$0x0];
	s2 =	stileid.u32  }
0x87: {  	s1 =	rddreg [dreg:$0x1];
	p0 =	sne.s32 s2, $0x0  }
0x88: {  	s3 =	rddreg [dreg:$0x2];
	[bflag:$0x3] =	sbarrier.arrive $0xFFFF;
	s2 =	simm.s32 @!p0 $0x1C02  }
0x89: {  	[timem:s3], [sflag:s2] =	dma.local @!p0 [hbm:s0], s1  }
0x8a: {  	s0 =	simm.s32 @!p0 $0x2  }
0x8b: {  	_ =	swait.ge @!p0 [sflag:s0], s1  }
0x8c: {  	s1 =	ssub.s32 @!p0 $0x0, s1;
	[sflag:s0] =	ssyncset.done @!p0 $0x0  }
0x8d: {  	[sflag:s0] =	ssyncadd.s32 @!p0 s1  }
0x8e: {  	[bflag:$0x3] =	sbarrier.arrive $0xFFFF  }
0x8f: {  	_ =	shalt  }

// kernel: kernel.8.cloned.1.call-start
scs
__scs_entry_jumppad:
0x0: {  	(pc) =	sbr.rel $0x88, $3  }
0x1: {  	(tag) =	ssettag $0x0;
	lr =	simm.s32 $0x1  }
0x2: {  	[smem:$0x3F99] =	sst lr;
	_ =	strace $0xD0000000  }
0x3: {  	_ = 	snop  }
0x4: {  	_ = 	snop  }
0x5: {  	_ = 	snop  }
0x6: {  	_ = 	snop  }
0x7: {  	_ = 	snop  }
__scs_overlays_trampoline_lowered:
0x8: {  	[smem:$0x3FA8] =	sst s0  }
0x9: {  	[smem:$0x3FA9] =	sst s1  }
0xa: {  	[smem:$0x3FAA] =	sst s2  }
0xb: {  	[smem:$0x3FAB] =	sst s3  }
0xc: {  	[smem:$0x3FAC] =	sst s4  }
0xd: {  	[smem:$0x3FAD] =	sst s5  }
0xe: {  	[smem:$0x3FAE] =	sst s6  }
0xf: {  	[smem:$0x3FAF] =	sst s7  }
0x10: {  	[smem:$0x3FB0] =	sst s8  }
0x11: {  	[smem:$0x3FB1] =	sst s9;
	s0 =	simm.s32 @!p0 $0x0  }
0x12: {  	s1 =	sld [smem:$0x3F97];
	s0 =	simm.s32 @p0 $0x1  }
0x13: {  	[smem:$0x3FB2] =	sst s0;
	s0 =	simm.s32 @!p1 $0x0  }
0x14: {  	s2 =	sld [smem:$0x3F96];
	s0 =	simm.s32 @p1 $0x1  }
0x15: {  	[smem:$0x3FB3] =	sst s0;
	s0 =	simm.s32 @!p2 $0x0  }
0x16: {  	s3 =	sld [smem:$0x3FDB];
	s0 =	simm.s32 @p2 $0x1  }
0x17: {  	s4 =	simm.s32 $0x1BF5;
	[smem:$0x3FB5] =	sst s0  }
0x18: {  	s0 =	sld [smem:$0x3F98];
	_ =	swait.ge [sflag:s4], $0x0  }
0x19: {  	s7 =	sld [smem:$0x3F99]  }
0x1a: {  	s8 =	sadd.s32 $0xFFFFE003, lr  }
0x1b: {  	s9 =	sadd.s32 $0xFFFFFEF7, lr;
	s5 =	simm.s32 $0xFFFFFFFF;
	p2 =	slt.u32 s8, $0xFFFFF086  }
0x1c: {  	p1 =	slt.u32 s9, $0xF7A;
	s5 =	simm.s32 @!p2 $0x0  }
0x1d: {  	s5 =	simm.s32 @p1 $0x1;
	p0 =	seq.s32 s7, s2  }
0x1e: {  	s7 =	smul.u32 @!p0 $0xF7A, s2;
	p2 =	seq.s32 @!p0 s5, $0x0  }
0x1f: {  	s9 =	smul.u32 $0xF7A, s1;
	s8 =	simm.s32 @!p0 $0x1BF5;
	p2 =	por !p2, p0  }
0x20: {  	[sflag:s8] =	ssyncset.s32 @!p0 $0xFFFFF086;
	s6 =	sadd.s32 @!p0 s3, s7;
	s7 =	simm.s32 @!p0 $0x108  }
0x21: {  	s3 =	sadd.s32 s3, s9;
	s6 =	sadd.s32 @!p0 $0x88, s6;
	s7 =	simm.s32 @p2 $0x1082  }
0x22: {  	[simem:s7], [sflag:s8] =	dma.local @!p0 [hbm:s6], $0xF7A  }
0x23: {  	s9 =	sor.u32 $0xD0000000, s2;
	s6 =	simm.s32 $0x108;
	_ =	swait.ge @!p0 [sflag:s8], $0x0  }
0x24: {  	s3 =	sadd.s32 $0x88, s3;
	s6 =	simm.s32 @!p1 $0x1082;
	[sflag:s4] =	ssyncset.s32 $0xFFFFF086  }
0x25: {  	[simem:s6], [sflag:s4] =	dma.local [hbm:s3], $0xF7A  }
0x26: {  	[smem:$0x3F99] =	sst s1;
	(tag) =	ssettag s2;
	_ =	strace s9  }
0x27: {  	s1 =	sld [smem:$0x3FA9]  }
0x28: {  	s2 =	sld [smem:$0x3FAA]  }
0x29: {  	s4 =	sld [smem:$0x3FAC]  }
0x2a: {  	p0 =	seq.s32 s5, $0x0;
	s5 =	sld [smem:$0x3FAD]  }
0x2b: {  	s6 =	sld [smem:$0x3FAE]  }
0x2c: {  	s7 =	sld [smem:$0x3FAF]  }
0x2d: {  	s3 =	simm.s32 $0x108;
	s8 =	sld [smem:$0x3FB0]  }
0x2e: {  	s3 =	simm.s32 @!p0 $0x1082;
	s9 =	sld [smem:$0x3FB1]  }
0x2f: {  	lr =	sadd.s32 s0, s3;
	s0 =	sld [smem:$0x3FA8]  }
0x30: {  	s3 =	sld [smem:$0x3FAB]  }
0x31: {  	[smem:$0x3FB4] =	sst s10  }
0x32: {  	s10 =	sld [smem:$0x3FB2];
	_ =	sdelay $0x3  }
0x33: {  	p0 =	seq.s32 s10, $0x1;
	s10 =	sld [smem:$0x3FB4];
	_ =	sdelay $0x3  }
0x34: {  	[smem:$0x3FB4] =	sst s10  }
0x35: {  	s10 =	sld [smem:$0x3FB3];
	_ =	sdelay $0x3  }
0x36: {  	p1 =	seq.s32 s10, $0x1;
	s10 =	sld [smem:$0x3FB4];
	_ =	sdelay $0x3  }
0x37: {  	[smem:$0x3FB4] =	sst s10  }
0x38: {  	s10 =	sld [smem:$0x3FB5]  }
0x39: {  	_ = 	snop;
	(pc) =	sbr.ind lr, $3  }
0x3a: {  	_ = 	snop  }
0x3b: {  	_ = 	snop  }
0x3c: {  	p2 =	seq.s32 s10, $0x1;
	s10 =	sld [smem:$0x3FB4]  }
0x3d: {  	_ =	shalt  }
0x3e: {  	_ =	shalt  }
0x3f: {  	_ =	shalt  }
0x40: {  	_ =	shalt  }
0x41: {  	_ =	shalt  }
0x42: {  	_ =	shalt  }
0x43: {  	_ =	shalt  }
0x44: {  	_ =	shalt  }
0x45: {  	_ =	shalt  }
0x46: {  	_ =	shalt  }
0x47: {  	_ =	shalt  }
0x48: {  	_ =	shalt  }
0x49: {  	_ =	shalt  }
0x4a: {  	_ =	shalt  }
0x4b: {  	_ =	shalt  }
0x4c: {  	_ =	shalt  }
0x4d: {  	_ =	shalt  }
0x4e: {  	_ =	shalt  }
0x4f: {  	_ =	shalt  }
0x50: {  	_ =	shalt  }
0x51: {  	_ =	shalt  }
0x52: {  	_ =	shalt  }
0x53: {  	_ =	shalt  }
0x54: {  	_ =	shalt  }
0x55: {  	_ =	shalt  }
0x56: {  	_ =	shalt  }
0x57: {  	_ =	shalt  }
0x58: {  	_ =	shalt  }
0x59: {  	_ =	shalt  }
0x5a: {  	_ =	shalt  }
0x5b: {  	_ =	shalt  }
0x5c: {  	_ =	shalt  }
0x5d: {  	_ =	shalt  }
0x5e: {  	_ =	shalt  }
0x5f: {  	_ =	shalt  }
0x60: {  	_ =	shalt  }
0x61: {  	_ =	shalt  }
0x62: {  	_ =	shalt  }
0x63: {  	_ =	shalt  }
0x64: {  	_ =	shalt  }
0x65: {  	_ =	shalt  }
0x66: {  	_ =	shalt  }
0x67: {  	_ =	shalt  }
0x68: {  	_ =	shalt  }
0x69: {  	_ =	shalt  }
0x6a: {  	_ =	shalt  }
0x6b: {  	_ =	shalt  }
0x6c: {  	_ =	shalt  }
0x6d: {  	_ =	shalt  }
0x6e: {  	_ =	shalt  }
0x6f: {  	_ =	shalt  }
0x70: {  	_ =	shalt  }
0x71: {  	_ =	shalt  }
0x72: {  	_ =	shalt  }
0x73: {  	_ =	shalt  }
0x74: {  	_ =	shalt  }
0x75: {  	_ =	shalt  }
0x76: {  	_ =	shalt  }
0x77: {  	_ =	shalt  }
0x78: {  	_ =	shalt  }
0x79: {  	_ =	shalt  }
0x7a: {  	_ =	shalt  }
0x7b: {  	_ =	shalt  }
0x7c: {  	_ =	shalt  }
0x7d: {  	_ =	shalt  }
0x7e: {  	_ =	shalt  }
0x7f: {  	_ =	shalt  }
0x80: {  	_ =	shalt  }
0x81: {  	_ =	shalt  }
0x82: {  	_ =	shalt  }
0x83: {  	_ =	shalt  }
0x84: {  	_ =	shalt  }
0x85: {  	_ =	shalt  }
0x86: {  	_ =	shalt  }
0x87: {  	_ =	shalt  }
.Lfunc_end0:
.L_simem_size_0:
called_computation_lowered:
.L_overlay_start_0:
0x88: {  	s2 =	sld [smem:$0x3FD9]  }
0x89: {  	s3 =	sld [smem:$0x3FFE];
	_ =	sdelay $0x1  }
0x8a: {  	s1 =	srdreg.scid  }
0x8b: {  	s0 =	sand.u32 $0x1, s1  }
0x8c: {  	s17 =	sshll.u32 s0, $0xA;
	s2 =	sadd.s32 s3, s2  }
0x8d: {  	s2 =	sadd.s32 s2, s17  }
0x8e: {  	[smem:$0x3FC0] =	sst s2  }
0x8f: {  	_ = 	snop  }
0x90: {  	s2 =	sld [smem:$0x3FD0];
	(tm) =	ssettm $0x1  }
0x91: {  	s18 =	sld [smem:$0x3FFB];
	_ =	sdelay $0x3  }
0x92: {  	_ =	strace s18  }
0x93: {  	s3 =	sld [smem:$0x3FFC];
	_ =	sdelay $0x3  }
0x94: {  	_ =	strace s3  }
0x95: {  	s3 =	sld [smem:$0x3FFD];
	_ =	sdelay $0x3  }
0x96: {  	_ =	strace s3  }
0x97: {  	_ =	strace $0x8FFFFFFF  }
0x98: {  	s19 =	sld [smem:$0x3FDB];
	_ =	sdelay $0x1  }
0x99: {  	s4 =	simm.s32 $_scs_section_size  }
0x9a: {  	s5 =	simm.s32 $_size__tile_overlayer_lowered;
	s6 =	simm.s32 $_tile_overlayer_lowered  }
0x9b: {  	s22 =	simm.s32 $0x1BFF;
	s21 =	sshll.u32 s6, $0x1;
	s3 =	sadd.s32 s4, s19  }
0x9c: {  	s7 =	simm.s32 $0x0;
	s20 =	sshll.u32 s5, $0x1;
	s5 =	sadd.s32 s21, s3  }
0x9d: {  	[timem:s7], [sflag:s22] =	dma.local [hbm:s5], s20  }
0x9e: {  	_ =	swait.ge [sflag:s22], s20  }
0x9f: {  	s4 =	ssub.s32 $0x0, s20;
	[sflag:s22] =	ssyncset.done $0x0  }
0xa0: {  	[sflag:s22] =	ssyncadd.s32 s4;
	_ =	sdelay $0x1  }
0xa1: {  	s23 =	simm.s32 $0x1B8B  }
0xa2: {  	_ =	swait.ge [sflag:s23], $0x1  }
0xa3: {  	[sflag:s23] =	ssyncset.done $0x0  }
0xa4: {  	s25 =	simm.s32 $0x1B8E;
	s24 =	sld [smem:$0x3FFE];
	[sflag:s23] =	ssyncadd.s32 $0xFFFFFFFF  }
0xa5: {  	s26 =	simm.s32 $execute0_lowered;
	[smem:$0x3FD2] =	sst s25  }
0xa6: {  	s5 =	sshll.u32 s26, $0x1;
	_ =	strace $0x80000046;
	[dreg:$0x1] =	wrdreg $0xFFFFFFFF  }
0xa7: {  	s28 =	simm.s32 $_size_execute0_lowered;
	s3 =	sadd.s32 s3, s5;
	[dreg:$0x0] =	wrdreg $0x0  }
0xa8: {  	s5 =	sshll.u32 s28, $0x1;
	[dreg:$0x2] =	wrdreg s3  }
0xa9: {  	[dreg:$0x3] =	wrdreg s5  }
0xaa: {  	[dreg:$0x4] =	wrdreg $0xC0  }
0xab: {  	_ =	task [dreg:s7], $0x5FFFF  }
0xac: {  	[dreg:$0x1] =	wrdreg $0xFFFFFFFF  }
0xad: {  	[dreg:$0x0] =	wrdreg $0x60  }
0xae: {  	[dreg:$0x2] =	wrdreg s2  }
0xaf: {  	[dreg:$0x3] =	wrdreg s24  }
0xb0: {  	[dreg:$0x4] =	wrdreg $0x0  }
0xb1: {  	[dreg:$0x5] =	wrdreg $0x9  }
0xb2: {  	_ =	task.clear_ibuf [dreg:s7], $0x6FFFF;
	_ =	strace $0x90000046  }
0xb3: {  	s29 =	simm.s32 $0x9;
	_ =	strace $0x80000048  }
0xb4: {  	_ =	swait.ge [sflag:s29], $0x1  }
0xb5: {  	[sflag:s29] =	ssyncadd.s32 $0xFFFFFFFF  }
0xb6: {  	_ =	strace $0x90000048  }
0xb7: {  	_ =	sfence  }
0xb8: {  	s30 =	sld [smem:$0x0];
	_ =	sdelay $0x2  }
0xb9: {  	s31 =	sshll.u32 s1, $0xD;
	s1 =	sshrl.u32 s1, $0x2  }
0xba: {  	s3 =	sand.u32 $0x4000, s31;
	s1 =	sadd.s32 s1, s30  }
0xbb: {  	s0 =	sor.u32 s3, s0;
	s1 =	sshll.u32 s1, $0x11  }
0xbc: {  	s0 =	sor.u32 s1, s0  }
0xbd: {  	s0 =	sadd.s32 $0x8F2B, s0  }
0xbe: {  	[sflag:s0] =	ssyncadd.remote.s32 $0x1  }
0xbf: {  	_ =	sfence.sel $0xFFFF  }
0xc0: {  	[dreg:$0x0] =	wrdreg $0xFFFFFFFF;
	(pc) =	sbr.abs _section_cstart, $3  }
0xc1: {  	[dreg:$0x1] =	wrdreg $0xFFFFFFFF  }
0xc2: {  	_ =	task.clear_ibuf [dreg:s7], $0x2FFFF;
	_ =	strace $0x9FFFFFFF  }
0xc3: {  	(tm) =	ssettm $0x7FFFFFFF  }
tec
execute0_lowered:
.L_overlay_start_1:
0x0: {  	(tag) =	ssettag $0x1  }
0x1: {  	s12 =	rddreg [dreg:$0x0]  }
0x2: {  	s4 =	rddreg [dreg:$0x1]  }
0x3: {  	s1 =	rddreg [dreg:$0x2];
	s2 =	srdreg.scid  }
0x4: {  	s0 =	rddreg [dreg:$0x3];
	s5 =	sand.u32 $0x1, s2  }
0x5: {  	s3 =	simm.s32 $0x0;
	s2 =	stileid.u32;
	s6 =	smul.u32 $0x140000, s5  }
0x6: {  	s15 =	simm.s32 $0x14000;
	s16 =	simm.s32 $0x80;
	s7 =	smul.u32 $0x14000, s2  }
0x7: {  	s19 =	simm.s32 $0x0;
	[smem:$0x7FF] =	sst s3;
	s26 =	smul.u32 $0x50000, s2  }
0x8: {  	_ =	strace $0x80000047;
	s17 =	sshll.u32 s2, $0x6;
	s11 =	smul.u32 $0x9C00, s2  }
0x9: {  	s8 =	sshll.u32 s5, $0x5;
	s28 =	ssub.s32 $0x2, s5;
	s14 =	smul.u32 $0x4E00, s5  }
0xa: {  	p0 =	sgt.u32 s2, $0x1;
	s25 =	sor.u32 s8, s17;
	s29 =	sshrl.u32 s28, $0x1  }
0xb: {  	s17 =	sor.u32 $0x1C01, s17;
	s6 =	sadd.s32 s7, s6;
	s9 =	sadd.s32 s25, s4  }
0xc: {  	s30 =	sshrl.u32 s26, $0x2;
	s13 =	ssub.s32 s28, s29;
	s14 =	sadd.s32 s14, s11  }
0xd: {  	s6 =	sshrl.u32 s6, $0x3;
	s9 =	sadd.s32 $0x2A10, s9;
	s11 =	smax.u32 s13, $0x1  }
0xe: {  	s31 =	sshrl.u32 s14, $0x3;
	s13 =	simm.s32 $0x14080;
	s14 =	simm.s32 $0x1  }
0xf: {  	s10 =	sadd.s32 s6, s4;
	s4 =	sadd.s32 s30, s1;
	s12 =	sadd.s32 s31, s12  }
0x10: {  	s5 =	sadd.s32 $0x4000, s4;
	s6 =	sadd.s32 $0x8000, s4;
	s7 =	sadd.s32 $0xC000, s4  }
0x11: {  	v0 =	vimm.f32 $0.0e+00;
	v1 =	vimm.f32 $1.000000000e+00;
	s8 =	sadd.s32 $0x10000, s4;
	s10 =	sadd.s32 $0x2C00, s10;
	s18 =	sshrl.u32 s4, $0x3  }
.LBB2_1:
0x12: {  	s20 =	simm.s32 $0x0;
	s21 =	simm.s32 $0x200  }
.LBB2_2:
0x13: {  	p1 =	sne.s32 s21, $0xFE00;
	[tilespmem:s20+$0x140F0] =	vst v0  }
0x14: {  	[tilespmem:s20+$0x14080] =	vst v0  }
0x15: {  	[tilespmem:s20+$0x14090] =	vst v0  }
.Ltmp0:
0x16: {  	[tilespmem:s20+$0x140A0] =	vst v0;
	(pc) =	sbr.rel @p1 .LBB2_2-.Ltmp0, $4  }
0x17: {  	[tilespmem:s20+$0x140B0] =	vst v0  }
0x18: {  	[tilespmem:s20+$0x140C0] =	vst v0  }
0x19: {  	[tilespmem:s20+$0x140D0] =	vst v0  }
0x1a: {  	[tilespmem:s20+$0x140E0] =	vst v0;
	s20 =	sshra.s32 s21, $0x2;
	s21 =	sadd.s32 $0x200, s21  }
0x1b: {  	[tilespmem:s20+$0x140F0] =	vst v0  }
0x1c: {  	[tilespmem:s20+$0x14080] =	vst v0  }
0x1d: {  	[tilespmem:s20+$0x14090] =	vst v0  }
0x1e: {  	[tilespmem:s20+$0x140A0] =	vst v0  }
0x1f: {  	[tilespmem:s20+$0x140B0] =	vst v0  }
0x20: {  	[tilespmem:s20+$0x140C0] =	vst v0  }
0x21: {  	[tilespmem:s20+$0x140D0] =	vst v0  }
0x22: {  	[tilespmem:s20+$0x140E0] =	vst v0  }
0x23: {  	[spmem:s4] =	stream.linear.scatter [tilespmem:s13], [sflag:$0x1], $0x4000, $0x38;
	[tilespmem:$0x18080] =	vst v63  }
0x24: {  	_ =	swait.ge [sflag:s14], $0x4000  }
0x25: {  	[sflag:s14] =	ssyncset.done $0x0  }
0x26: {  	[sflag:s14] =	ssyncadd.s32 $0xFFFFC000  }
0x27: {  	[spmem:s5] =	stream.linear.scatter [tilespmem:s13], [sflag:$0x1], $0x4000, $0x38;
	[tilespmem:$0x18080] =	vst v63  }
0x28: {  	_ =	swait.ge [sflag:s14], $0x4000  }
0x29: {  	[sflag:s14] =	ssyncset.done $0x0  }
0x2a: {  	[sflag:s14] =	ssyncadd.s32 $0xFFFFC000  }
0x2b: {  	[spmem:s6] =	stream.linear.scatter [tilespmem:s13], [sflag:$0x1], $0x4000, $0x38;
	[tilespmem:$0x18080] =	vst v63  }
0x2c: {  	_ =	swait.ge [sflag:s14], $0x4000  }
0x2d: {  	[sflag:s14] =	ssyncset.done $0x0  }
0x2e: {  	[sflag:s14] =	ssyncadd.s32 $0xFFFFC000  }
0x2f: {  	[spmem:s7] =	stream.linear.scatter [tilespmem:s13], [sflag:$0x1], $0x4000, $0x38;
	[tilespmem:$0x18080] =	vst v63  }
0x30: {  	_ =	swait.ge [sflag:s14], $0x4000  }
0x31: {  	[sflag:s14] =	ssyncset.done $0x0  }
0x32: {  	[sflag:s14] =	ssyncadd.s32 $0xFFFFC000  }
0x33: {  	[spmem:s8] =	stream.linear.scatter [tilespmem:s13], [sflag:$0x1], $0x4000, $0x38;
	[tilespmem:$0x18080] =	vst v63  }
0x34: {  	_ =	swait.ge [sflag:s14], $0x4000  }
0x35: {  	[sflag:s14] =	ssyncset.done $0x0  }
0x36: {  	s20 =	simm.s32 $0x0;
	s21 =	simm.s32 $0x200;
	[sflag:s14] =	ssyncadd.s32 $0xFFFFC000  }
.LBB2_4:
0x37: {  	p1 =	sne.s32 s21, $0xFE00;
	[tilespmem:s20+$0x140F0] =	vst v1  }
0x38: {  	[tilespmem:s20+$0x14080] =	vst v1  }
0x39: {  	[tilespmem:s20+$0x14090] =	vst v1  }
.Ltmp1:
0x3a: {  	[tilespmem:s20+$0x140A0] =	vst v1;
	(pc) =	sbr.rel @p1 .LBB2_4-.Ltmp1, $4  }
0x3b: {  	[tilespmem:s20+$0x140B0] =	vst v1  }
0x3c: {  	[tilespmem:s20+$0x140C0] =	vst v1  }
0x3d: {  	[tilespmem:s20+$0x140D0] =	vst v1  }
0x3e: {  	[tilespmem:s20+$0x140E0] =	vst v1;
	s20 =	sshra.s32 s21, $0x2;
	s21 =	sadd.s32 $0x200, s21  }
0x3f: {  	[tilespmem:s20+$0x140F0] =	vst v1  }
0x40: {  	[tilespmem:s20+$0x14080] =	vst v1  }
0x41: {  	[tilespmem:s20+$0x14090] =	vst v1  }
0x42: {  	[tilespmem:s20+$0x140A0] =	vst v1  }
0x43: {  	[tilespmem:s20+$0x140B0] =	vst v1  }
0x44: {  	[tilespmem:s20+$0x140C0] =	vst v1  }
0x45: {  	[tilespmem:s20+$0x140D0] =	vst v1  }
0x46: {  	[tilespmem:s20+$0x140E0] =	vst v1  }
0x47: {  	s31 =	sadd.s32 $0x10, s12;
	[bflag:$0x0] =	sbarrier.arrive $0xFFFF  }
0x48: {  	[tilespmem:s15], [sflag:$0x1] =	stream.linear.gather [hbm4b:s31+s3], $0x80, $0x38;
	[tilespmem:$0x18080] =	vst v63  }
0x49: {  	_ =	swait.ge [sflag:s14], $0x80  }
0x4a: {  	[sflag:s14] =	ssyncset.done $0x0  }
0x4b: {  	[sflag:s14] =	ssyncadd.s32 $0xFFFFFF80  }
0x4c: {  	[spmem:s1] =	stream.indirect.scatter.add.f32 [tilespmem:s13], [sflag:$0x1], $0x80, s15, s16, $0xb8;
	[tilespmem:$0x18080] =	vst v63  }
0x4d: {  	_ =	swait.ge [sflag:s14], $0x4000  }
0x4e: {  	s20 =	simm.s32 $0x30;
	s21 =	simm.s32 $0x50;
	[sflag:s14] =	ssyncset.done $0x0  }
.LBB2_6:
0x4f: {  	s22 =	sadd.s32 s20, s12  }
0x50: {  	[sflag:s14] =	ssyncadd.s32 $0xFFFFC000;
	s20 =	smov.u32 s21;
	s23 =	sadd.s32 $0x20, s21  }
0x51: {  	[tilespmem:s15], [sflag:$0x1] =	stream.linear.gather [hbm4b:s22+s3], $0x80, $0x38;
	[tilespmem:$0x18080] =	vst v63  }
0x52: {  	p1 =	sne.s32 s21, $0x9B0;
	_ =	swait.ge [sflag:s14], $0x80  }
.Ltmp2:
0x53: {  	[sflag:s14] =	ssyncset.done $0x0;
	(pc) =	sbr.rel @p1 .LBB2_6-.Ltmp2, $4  }
0x54: {  	[sflag:s14] =	ssyncadd.s32 $0xFFFFFF80  }
0x55: {  	[spmem:s1] =	stream.indirect.scatter.add.f32 [tilespmem:s13], [sflag:$0x1], $0x80, s15, s16, $0xb8;
	[tilespmem:$0x18080] =	vst v63  }
0x56: {  	_ =	swait.ge [sflag:s14], $0x4000  }
0x57: {  	s21 =	smov.u32 s23;
	[sflag:s14] =	ssyncset.done $0x0  }
0x58: {  	s20 =	sadd.s32 s20, s12;
	[sflag:s14] =	ssyncadd.s32 $0xFFFFC000  }
0x59: {  	[tilespmem:s15], [sflag:$0x1] =	stream.linear.gather [hbm4b:s20+s3], $0x80, $0x38;
	[tilespmem:$0x18080] =	vst v63  }
0x5a: {  	_ =	swait.ge [sflag:s14], $0x80  }
0x5b: {  	[sflag:s14] =	ssyncset.done $0x0  }
0x5c: {  	[sflag:s14] =	ssyncadd.s32 $0xFFFFFF80  }
0x5d: {  	[spmem:s1] =	stream.indirect.scatter.add.f32 [tilespmem:s13], [sflag:$0x1], $0x80, s15, s16, $0xb8;
	[tilespmem:$0x18080] =	vst v63  }
0x5e: {  	_ =	swait.ge [sflag:s14], $0x4000  }
0x5f: {  	[sflag:s14] =	ssyncset.done $0x0  }
0x60: {  	s21 =	simm.s32 @!p0 $0x14000;
	s20 =	simm.s32 @!p0 $0x0;
	[sflag:s14] =	ssyncadd.s32 $0xFFFFC000  }
0x61: {  	[tilespmem:s21], [sflag:$0x1] =	stream.linear.gather @!p0 [hbm4b:s9+s20], $0x80, $0x38;
	[tilespmem:$0x18080] =	vst v63  }
0x62: {  	s20 =	simm.s32 @!p0 $0x1  }
0x63: {  	_ =	swait.ge @!p0 [sflag:s20], $0x80  }
0x64: {  	[sflag:s20] =	ssyncset.done @!p0 $0x0  }
0x65: {  	s22 =	simm.s32 @!p0 $0x80;
	s23 =	simm.s32 @!p0 $0x14080;
	[sflag:s20] =	ssyncadd.s32 @!p0 $0xFFFFFF80  }
0x66: {  	[spmem:s1] =	stream.indirect.scatter.add.f32 @!p0 [tilespmem:s23], [sflag:$0x1], $0x80, s21, s22, $0xb8;
	[tilespmem:$0x18080] =	vst v63  }
0x67: {  	_ =	swait.ge @!p0 [sflag:s20], $0x4000  }
0x68: {  	s19 =	sadd.s32 $0x1, s19;
	[sflag:s20] =	ssyncset.done @!p0 $0x0  }
0x69: {  	p1 =	sne.s32 s19, s11;
	[sflag:s20] =	ssyncadd.s32 @!p0 $0xFFFFC000  }
.Ltmp3:
0x6a: {  	[bflag:$0x0] =	sbarrier.arrive $0xFFFF;
	(pc) =	sbr.rel @p1 .LBB2_1-.Ltmp3, $4  }
0x6b: {  	[hbm:s10], [sflag:s17] =	dma.local [spmem:s18], $0x2800  }
0x6c: {  	_ =	swait.ge [sflag:s14], $0x2800  }
0x6d: {  	[sflag:s14] =	ssyncset.done $0x0  }
0x6e: {  	[sflag:s14] =	ssyncadd.s32 $0xFFFFD800  }
0x6f: {  	_ =	sfence.sel $0x180000  }
0x70: {  	[bflag:$0x0] =	sbarrier.arrive $0xFFFF  }
0x71: {  	p0 =	sne.s32 s2, $0x0;
	_ =	strace $0x90000047  }
0x72: {  	s0 =	sadd.s32 @!p0 $0x100000, s0;
	[bflag:$0x2] =	sbarrier.arrive $0xFFFF  }
0x73: {  	[sflag:s0] =	ssyncadd.tile.s32 @!p0 $0x1;
	_ =	shalt  }
.Lfunc_end2:
_tile_overlayer_lowered:
.L_overlay_start_2:
0x74: {  	(tag) =	ssettag $0x2  }
0x75: {  	s0 =	rddreg [dreg:$0x0];
	s2 =	stileid.u32  }
0x76: {  	s1 =	rddreg [dreg:$0x1];
	p0 =	sne.s32 s2, $0x0  }
0x77: {  	s3 =	rddreg [dreg:$0x2];
	[bflag:$0x3] =	sbarrier.arrive $0xFFFF;
	s2 =	simm.s32 @!p0 $0x1C01  }
0x78: {  	[timem:s3], [sflag:s2] =	dma.local @!p0 [hbm:s0], s1  }
0x79: {  	s0 =	simm.s32 @!p0 $0x1  }
0x7a: {  	_ =	swait.ge @!p0 [sflag:s0], s1  }
0x7b: {  	s1 =	ssub.s32 @!p0 $0x0, s1;
	[sflag:s0] =	ssyncset.done @!p0 $0x0  }
0x7c: {  	[sflag:s0] =	ssyncadd.s32 @!p0 s1  }
0x7d: {  	[bflag:$0x3] =	sbarrier.arrive $0xFFFF  }
0x7e: {  	_ =	shalt  }

</sc_bundles>
